<compile_context>
chip_gen: v7x
topology: tpu7x:2x2x1
jax: 0.10.2.dev20260603
libtpu: 0.0.44.dev20260713+nightly
codegen_flags: <defaults>
</compile_context>

<pallas_src>
import functools

import jax
import jax.numpy as jnp
from jax import lax
from jax.experimental import pallas as pl
from jax.experimental.pallas import tpu as pltpu
from jax.experimental.pallas import tpu_sc as plsc

N = 10000
NPAD = 10240
E = 320000
CHUNK = 128
NW = 32
RPW = -(-E // (NW * CHUNK))
EPW = RPW * CHUNK
EPAD = NW * EPW
GROUPS = EPW // 16


@functools.lru_cache(maxsize=None)
def _deg_program():
    mesh = plsc.VectorSubcoreMesh(core_axis_name="c", subcore_axis_name="s")

    @functools.partial(
        pl.kernel,
        out_type=jax.ShapeDtypeStruct((NW, NPAD), jnp.float32),
        mesh=mesh,
        compiler_params=pltpu.CompilerParams(needs_layout_passes=False),
        scratch_types=[
            pltpu.VMEM((NPAD,), jnp.float32),
            pltpu.VMEM((EPW,), jnp.int32),
            pltpu.SemaphoreType.DMA,
        ],
    )
    def k(dst_hbm, out_hbm, acc_v, dst_v, sem):
        c = lax.axis_index("c")
        s = lax.axis_index("s")
        wid = s * 2 + c
        cp = pltpu.async_copy(dst_hbm.at[wid], dst_v, sem)

        zero16 = jnp.zeros((16,), jnp.float32)

        @plsc.parallel_loop(0, NPAD // 16, unroll=8)
        def zbody(zi):
            acc_v[pl.ds(pl.multiple_of(zi * 16, 16), 16)] = zero16

        cp.wait()
        one16 = jnp.ones((16,), jnp.float32)

        @plsc.parallel_loop(0, GROUPS, unroll=8)
        def body(gi):
            off = pl.multiple_of(gi * 16, 16)
            dst16 = dst_v[pl.ds(off, 16)]
            plsc.addupdate_scatter(acc_v, [dst16], one16)

        pltpu.sync_copy(acc_v, out_hbm.at[wid])

    return k


@functools.lru_cache(maxsize=None)
def _seg_sum_program(f):
    mesh = plsc.VectorSubcoreMesh(core_axis_name="c", subcore_axis_name="s")

    @functools.partial(
        pl.kernel,
        out_type=jax.ShapeDtypeStruct((NW, NPAD * f), jnp.float32),
        mesh=mesh,
        compiler_params=pltpu.CompilerParams(needs_layout_passes=False),
        scratch_types=[
            pltpu.VMEM((NPAD * f,), jnp.float32),
            pltpu.VMEM((NPAD * f,), jnp.float32),
            pltpu.VMEM((EPW,), jnp.int32),
            pltpu.VMEM((EPW,), jnp.int32),
            pltpu.SemaphoreType.DMA,
        ],
    )
    def k(g_hbm, src_hbm, dst_hbm, out_hbm, g_v, acc_v, src_v, dst_v, sem):
        c = lax.axis_index("c")
        s = lax.axis_index("s")
        wid = s * 2 + c
        cp_g = pltpu.async_copy(g_hbm, g_v, sem)
        cp_s = pltpu.async_copy(src_hbm.at[wid], src_v, sem)
        cp_d = pltpu.async_copy(dst_hbm.at[wid], dst_v, sem)

        zero16 = jnp.zeros((16,), jnp.float32)

        @plsc.parallel_loop(0, (NPAD * f) // 16, unroll=8)
        def zbody(zi):
            acc_v[pl.ds(pl.multiple_of(zi * 16, 16), 16)] = zero16

        cp_g.wait()
        cp_s.wait()
        cp_d.wait()

        @plsc.parallel_loop(0, GROUPS, unroll=8)
        def body(gi):
            off = pl.multiple_of(gi * 16, 16)
            src16 = src_v[pl.ds(off, 16)]
            dst16 = dst_v[pl.ds(off, 16)]
            for k in range(f):
                v = plsc.load_gather(g_v, [src16 + (k * NPAD)])
                plsc.addupdate_scatter(acc_v, [dst16 + (k * NPAD)], v)

        pltpu.sync_copy(acc_v, out_hbm.at[wid])

    return k


def _seg_sum(f, g_flat, srcw, dstw):
    return _seg_sum_program(f)(g_flat, srcw, dstw)


def _reduce_parts(sp_ref):
    acc = sp_ref[0]
    for i in range(1, NW):
        acc = acc + sp_ref[i]
    return acc


def _tc1_body(degp_ref, xt_ref, w1t_ref, dinv_ref, t_ref, g_ref):
    deg = _reduce_parts(degp_ref) + 1.0
    dinv = lax.rsqrt(deg)
    t = jnp.dot(w1t_ref[...], xt_ref[...], preferred_element_type=jnp.float32)
    dinv_ref[...] = dinv
    t_ref[...] = t
    g_ref[...] = dinv * t


def _tc_mid_body(sp_ref, dinv_ref, t_ref, b_ref, wt_ref, t2_ref, g2_ref):
    dinv = dinv_ref[...]
    s = _reduce_parts(sp_ref)
    h = jnp.tanh(dinv * s + dinv * dinv * t_ref[...] + b_ref[...])
    t2 = jnp.dot(wt_ref[...], h, preferred_element_type=jnp.float32)
    t2_ref[...] = t2
    g2_ref[...] = dinv * t2


def _tc4_body(sp_ref, dinv_ref, t_ref, b_ref, wlt_ref, blt_ref, out_ref,
              h_ref):
    dinv = dinv_ref[...]
    s = _reduce_parts(sp_ref)
    h = dinv * s + dinv * dinv * t_ref[...] + b_ref[...]
    h_ref[...] = h
    out_ref[...] = (jnp.dot(wlt_ref[...], h, preferred_element_type=jnp.float32)
                    + blt_ref[...])


def kernel(x, edge_index, W1, b1, W2, b2, W3, b3, Wl, bl):
    src = edge_index[0]
    dst = edge_index[1]
    npad_e = EPAD - E
    pad_idx = N + (jnp.arange(npad_e, dtype=jnp.int32) % (NPAD - N))
    src_p = jnp.concatenate([src, pad_idx])
    dst_p = jnp.concatenate([dst, pad_idx])
    srcw = src_p.reshape(RPW, NW, CHUNK).transpose(1, 0, 2).reshape(NW, EPW)
    dstw = dst_p.reshape(RPW, NW, CHUNK).transpose(1, 0, 2).reshape(NW, EPW)

    xt = jnp.pad(x, ((0, NPAD - N), (0, 0))).T

    sds = jax.ShapeDtypeStruct

    degp = _deg_program()(dstw)

    dinv, t1, g1 = pl.pallas_call(
        _tc1_body,
        out_shape=[sds((1, NPAD), jnp.float32), sds((4, NPAD), jnp.float32),
                   sds((4, NPAD), jnp.float32)],
    )(degp.reshape(NW, 1, NPAD), xt, W1.T)

    s1p = _seg_sum(4, g1.reshape(-1), srcw, dstw)
    t2, g2 = pl.pallas_call(
        _tc_mid_body,
        out_shape=[sds((4, NPAD), jnp.float32), sds((4, NPAD), jnp.float32)],
    )(s1p.reshape(NW, 4, NPAD), dinv, t1, b1.reshape(-1, 1), W2.T)

    s2p = _seg_sum(4, g2.reshape(-1), srcw, dstw)
    t3, g3 = pl.pallas_call(
        _tc_mid_body,
        out_shape=[sds((2, NPAD), jnp.float32), sds((2, NPAD), jnp.float32)],
    )(s2p.reshape(NW, 4, NPAD), dinv, t2, b2.reshape(-1, 1), W3.T)

    s3p = _seg_sum(2, g3.reshape(-1), srcw, dstw)
    out_t, h_t = pl.pallas_call(
        _tc4_body,
        out_shape=[sds((4, NPAD), jnp.float32), sds((2, NPAD), jnp.float32)],
    )(s3p.reshape(NW, 2, NPAD), dinv, t3, b3.reshape(-1, 1), Wl.T,
      bl.reshape(-1, 1))

    return (out_t.T[:N], h_t.T[:N])

# --- scband reference (transcript-rebuilt; emitter-appended) ---
"""Pipeline reference for scband-gcn-16045997818345 (READ-ONLY COPY).

The authoritative reference and input builder live on the scoring server;
editing this copy changes nothing except your own understanding.
"""

import jax, jax.numpy as jnp
import numpy as np

N_NODES = 10000
N_EDGES = 320000
D_FEAT = 128
NUM_CLASSES = 4


def gcn_conv(x, edge_index, W, b):
    # PyG GCNConv: h = D^{-1/2} (A + I) D^{-1/2} (x @ W) + b
    n = x.shape[0]
    loop = jnp.arange(n, dtype=edge_index.dtype)
    src = jnp.concatenate([edge_index[0], loop])
    dst = jnp.concatenate([edge_index[1], loop])
    deg = jax.ops.segment_sum(jnp.ones_like(src, dtype=x.dtype), dst, num_segments=n)
    dinv = jnp.where(deg > 0, jax.lax.rsqrt(jnp.maximum(deg, 1e-12)), 0.0)
    norm = dinv[src] * dinv[dst]
    h = x @ W
    msg = h[src] * norm[:, None]
    out = jax.ops.segment_sum(msg, dst, num_segments=n)
    return out + b


def setup_inputs(seed: int = 0):
    key = jax.random.key(seed)
    ks = jax.random.split(key, 10)
    x = jax.random.normal(ks[0], (N_NODES, D_FEAT), dtype=jnp.float32)
    edge_index = jax.random.randint(ks[1], (2, N_EDGES), 0, N_NODES).astype(jnp.int32)
    W1 = jax.random.normal(ks[2], (D_FEAT, 4), dtype=jnp.float32) * (1.0 / np.sqrt(D_FEAT))
    b1 = jnp.zeros((4,), dtype=jnp.float32)
    W2 = jax.random.normal(ks[3], (4, 4), dtype=jnp.float32) * 0.5
    b2 = jnp.zeros((4,), dtype=jnp.float32)
    W3 = jax.random.normal(ks[4], (4, 2), dtype=jnp.float32) * 0.5
    b3 = jnp.zeros((2,), dtype=jnp.float32)
    Wl = jax.random.normal(ks[5], (2, NUM_CLASSES), dtype=jnp.float32) * 0.5
    bl = jnp.zeros((NUM_CLASSES,), dtype=jnp.float32)
    return {"x": x, "edge_index": edge_index, "W1": W1, "b1": b1, "W2": W2, "b2": b2, "W3": W3, "b3": b3, "Wl": Wl, "bl": bl}


def reference(x, edge_index, W1, b1, W2, b2, W3, b3, Wl, bl):
    h = jnp.tanh(gcn_conv(x, edge_index, W1, b1))
    h = jnp.tanh(gcn_conv(h, edge_index, W2, b2))
    h = gcn_conv(h, edge_index, W3, b3)
    out = h @ Wl + bl
    return (out, h)

if __name__ == "__main__":
    import jax
    _d = setup_inputs()
    print(jax.jit(kernel)(*tuple(_d.values())))

</pallas_src>

<mosaic_0001>
#map = affine_map<(d0, d1) -> (0)>
#map1 = affine_map<(d0, d1) -> (0, 0)>
module attributes {stable_mosaic.version = 14 : i64} {
  func.func @k(%arg0: i32, %arg1: i32, %arg2: memref<40960xf32, #tpu.memory_space<hbm>>, %arg3: memref<32x10112xi32, #tpu.memory_space<hbm>>, %arg4: memref<32x10112xi32, #tpu.memory_space<hbm>>, %arg5: memref<32x40960xf32, #tpu.memory_space<hbm>>, %arg6: memref<40960xf32, #tpu.memory_space<vmem>>, %arg7: memref<40960xf32, #tpu.memory_space<vmem>>, %arg8: memref<10112xi32, #tpu.memory_space<vmem>>, %arg9: memref<10112xi32, #tpu.memory_space<vmem>>, %arg10: memref<!tpu.dma_semaphore, #tpu.memory_space<semaphore_mem>>) attributes {dimension_semantics = [#tpu.dimension_semantics<core_parallel>, #tpu.dimension_semantics<subcore_parallel>], iteration_bounds = array<i64: 2, 16>, scalar_prefetch = 0 : i64, scratch_operands = 5 : i64, tpu.core_type = #tpu.core_type<sc_vector_subcore>, window_params = [{transform_indices = #map}, {transform_indices = #map1}, {transform_indices = #map1}, {transform_indices = #map1}]} {
    %mul3A = arith.constant 2 : i32
    %mul3A_0 = arith.muli %arg1, %mul3A : i32
    %add3A = arith.addi %mul3A_0, %arg0 : i32
    tpu.enqueue_dma source(%arg2 : memref<40960xf32, #tpu.memory_space<hbm>>) target(%arg6 : memref<40960xf32, #tpu.memory_space<vmem>>) target_semaphore(%arg10 : memref<!tpu.dma_semaphore, #tpu.memory_space<semaphore_mem>>)
    %dma_start3A = arith.constant 0 : i32
    %dma_start3A_1 = tpu.memref_slice %arg3[%add3A, %dma_start3A] : memref<32x10112xi32, #tpu.memory_space<hbm>> -> memref<1x10112xi32, #tpu.memory_space<hbm>>
    %dma_start3A_2 = tpu.memref_squeeze %dma_start3A_1 : memref<1x10112xi32, #tpu.memory_space<hbm>> -> memref<10112xi32, #tpu.memory_space<hbm>>
    %dma_start3A_3 = arith.constant 0 : i32
    %dma_start3A_4 = tpu.memref_slice %arg3[%add3A, %dma_start3A_3] : memref<32x10112xi32, #tpu.memory_space<hbm>> -> memref<1x10112xi32, #tpu.memory_space<hbm>>
    %dma_start3A_5 = tpu.memref_squeeze %dma_start3A_4 : memref<1x10112xi32, #tpu.memory_space<hbm>> -> memref<10112xi32, #tpu.memory_space<hbm>>
    tpu.enqueue_dma source(%dma_start3A_5 : memref<10112xi32, #tpu.memory_space<hbm>>) target(%arg8 : memref<10112xi32, #tpu.memory_space<vmem>>) target_semaphore(%arg10 : memref<!tpu.dma_semaphore, #tpu.memory_space<semaphore_mem>>)
    %dma_start3A_6 = arith.constant 0 : i32
    %dma_start3A_7 = tpu.memref_slice %arg4[%add3A, %dma_start3A_6] : memref<32x10112xi32, #tpu.memory_space<hbm>> -> memref<1x10112xi32, #tpu.memory_space<hbm>>
    %dma_start3A_8 = tpu.memref_squeeze %dma_start3A_7 : memref<1x10112xi32, #tpu.memory_space<hbm>> -> memref<10112xi32, #tpu.memory_space<hbm>>
    %dma_start3A_9 = arith.constant 0 : i32
    %dma_start3A_10 = tpu.memref_slice %arg4[%add3A, %dma_start3A_9] : memref<32x10112xi32, #tpu.memory_space<hbm>> -> memref<1x10112xi32, #tpu.memory_space<hbm>>
    %dma_start3A_11 = tpu.memref_squeeze %dma_start3A_10 : memref<1x10112xi32, #tpu.memory_space<hbm>> -> memref<10112xi32, #tpu.memory_space<hbm>>
    tpu.enqueue_dma source(%dma_start3A_11 : memref<10112xi32, #tpu.memory_space<hbm>>) target(%arg9 : memref<10112xi32, #tpu.memory_space<vmem>>) target_semaphore(%arg10 : memref<!tpu.dma_semaphore, #tpu.memory_space<semaphore_mem>>)
    %broadcast_in_dim3A = arith.constant 0.000000e+00 : f32
    %broadcast_in_dim3A_12 = vector.broadcast %broadcast_in_dim3A : f32 to vector<16xf32>
    %parallel_loop3A = arith.constant 0 : i32
    %parallel_loop3A_13 = arith.constant 2560 : i32
    %parallel_loop3A_14 = arith.constant 1 : i32
    scf.for %parallel_loop3A_29 = %parallel_loop3A to %parallel_loop3A_13 step %parallel_loop3A_14  : i32 {
      %parallel_loop3A_30 = arith.constant 16 : i32
      %parallel_loop3A_31 = arith.muli %parallel_loop3A_29, %parallel_loop3A_30 : i32
      %parallel_loop3A_32 = tpu.assume_multiple %parallel_loop3A_31, 16 : i32
      %parallel_loop3A_33 = arith.index_cast %parallel_loop3A_32 : i32 to index
      %parallel_loop3A_34 = tpu.vector_load %arg7[%parallel_loop3A_33] {strides = array<i32>} : memref<40960xf32, #tpu.memory_space<vmem>>, vector<16xf32>,
      tpu.vector_store %arg7[%parallel_loop3A_33], %broadcast_in_dim3A_12 {strides = array<i32>} : memref<40960xf32, #tpu.memory_space<vmem>>, vector<16xf32>,
    } {sc.loop_unroll_factor = 8 : i64, sc.parallel_access}
    tpu.wait_dma2 semaphore(%arg10 : memref<!tpu.dma_semaphore, #tpu.memory_space<semaphore_mem>>) src(%arg2 : memref<40960xf32, #tpu.memory_space<hbm>>) dst(%arg6 : memref<40960xf32, #tpu.memory_space<vmem>>)
    %dma_wait3A = arith.constant 0 : i32
    %dma_wait3A_15 = tpu.memref_slice %arg3[%add3A, %dma_wait3A] : memref<32x10112xi32, #tpu.memory_space<hbm>> -> memref<1x10112xi32, #tpu.memory_space<hbm>>
    %dma_wait3A_16 = tpu.memref_squeeze %dma_wait3A_15 : memref<1x10112xi32, #tpu.memory_space<hbm>> -> memref<10112xi32, #tpu.memory_space<hbm>>
    %dma_wait3A_17 = arith.constant 0 : i32
    %dma_wait3A_18 = tpu.memref_slice %arg3[%add3A, %dma_wait3A_17] : memref<32x10112xi32, #tpu.memory_space<hbm>> -> memref<1x10112xi32, #tpu.memory_space<hbm>>
    %dma_wait3A_19 = tpu.memref_squeeze %dma_wait3A_18 : memref<1x10112xi32, #tpu.memory_space<hbm>> -> memref<10112xi32, #tpu.memory_space<hbm>>
    tpu.wait_dma2 semaphore(%arg10 : memref<!tpu.dma_semaphore, #tpu.memory_space<semaphore_mem>>) src(%dma_wait3A_19 : memref<10112xi32, #tpu.memory_space<hbm>>) dst(%arg8 : memref<10112xi32, #tpu.memory_space<vmem>>)
    %dma_wait3A_20 = arith.constant 0 : i32
    %dma_wait3A_21 = tpu.memref_slice %arg4[%add3A, %dma_wait3A_20] : memref<32x10112xi32, #tpu.memory_space<hbm>> -> memref<1x10112xi32, #tpu.memory_space<hbm>>
    %dma_wait3A_22 = tpu.memref_squeeze %dma_wait3A_21 : memref<1x10112xi32, #tpu.memory_space<hbm>> -> memref<10112xi32, #tpu.memory_space<hbm>>
    %dma_wait3A_23 = arith.constant 0 : i32
    %dma_wait3A_24 = tpu.memref_slice %arg4[%add3A, %dma_wait3A_23] : memref<32x10112xi32, #tpu.memory_space<hbm>> -> memref<1x10112xi32, #tpu.memory_space<hbm>>
    %dma_wait3A_25 = tpu.memref_squeeze %dma_wait3A_24 : memref<1x10112xi32, #tpu.memory_space<hbm>> -> memref<10112xi32, #tpu.memory_space<hbm>>
    tpu.wait_dma2 semaphore(%arg10 : memref<!tpu.dma_semaphore, #tpu.memory_space<semaphore_mem>>) src(%dma_wait3A_25 : memref<10112xi32, #tpu.memory_space<hbm>>) dst(%arg9 : memref<10112xi32, #tpu.memory_space<vmem>>)
    %parallel_loop3A_26 = arith.constant 0 : i32
    %parallel_loop3A_27 = arith.constant 632 : i32
    %parallel_loop3A_28 = arith.constant 1 : i32
    scf.for %parallel_loop3A_29 = %parallel_loop3A_26 to %parallel_loop3A_27 step %parallel_loop3A_28  : i32 {
      %parallel_loop3A_30 = arith.constant 16 : i32
      %parallel_loop3A_31 = arith.muli %parallel_loop3A_29, %parallel_loop3A_30 : i32
      %parallel_loop3A_32 = tpu.assume_multiple %parallel_loop3A_31, 16 : i32
      %parallel_loop3A_33 = arith.index_cast %parallel_loop3A_32 : i32 to index
      %parallel_loop3A_34 = tpu.vector_load %arg8[%parallel_loop3A_33] {strides = array<i32>} : memref<10112xi32, #tpu.memory_space<vmem>>, vector<16xi32>,
      %parallel_loop3A_35 = arith.index_cast %parallel_loop3A_32 : i32 to index
      %parallel_loop3A_36 = tpu.vector_load %arg9[%parallel_loop3A_35] {strides = array<i32>} : memref<10112xi32, #tpu.memory_space<vmem>>, vector<16xi32>,
      %parallel_loop3A_37 = arith.constant 0 : i32
      %parallel_loop3A_38 = vector.broadcast %parallel_loop3A_37 : i32 to vector<16xi32>
      %parallel_loop3A_39 = arith.addi %parallel_loop3A_34, %parallel_loop3A_38 : vector<16xi32>
      %parallel_loop3A_40 = tpu.vector_load_idx %arg6[%parallel_loop3A_39] : memref<40960xf32, #tpu.memory_space<vmem>>[vector<16xi32>], vector<16xf32>,
      %parallel_loop3A_41 = arith.constant 0 : i32
      %parallel_loop3A_42 = vector.broadcast %parallel_loop3A_41 : i32 to vector<16xi32>
      %parallel_loop3A_43 = arith.addi %parallel_loop3A_36, %parallel_loop3A_42 : vector<16xi32>
      tpu.vector_store_idx %arg7[%parallel_loop3A_43], %parallel_loop3A_40 {add = true} : memref<40960xf32, #tpu.memory_space<vmem>>[vector<16xi32>], vector<16xf32>,
      %parallel_loop3A_44 = arith.constant 10240 : i32
      %parallel_loop3A_45 = vector.broadcast %parallel_loop3A_44 : i32 to vector<16xi32>
      %parallel_loop3A_46 = arith.addi %parallel_loop3A_34, %parallel_loop3A_45 : vector<16xi32>
      %parallel_loop3A_47 = tpu.vector_load_idx %arg6[%parallel_loop3A_46] : memref<40960xf32, #tpu.memory_space<vmem>>[vector<16xi32>], vector<16xf32>,
      %parallel_loop3A_48 = arith.constant 10240 : i32
      %parallel_loop3A_49 = vector.broadcast %parallel_loop3A_48 : i32 to vector<16xi32>
      %parallel_loop3A_50 = arith.addi %parallel_loop3A_36, %parallel_loop3A_49 : vector<16xi32>
      tpu.vector_store_idx %arg7[%parallel_loop3A_50], %parallel_loop3A_47 {add = true} : memref<40960xf32, #tpu.memory_space<vmem>>[vector<16xi32>], vector<16xf32>,
      %parallel_loop3A_51 = arith.constant 20480 : i32
      %parallel_loop3A_52 = vector.broadcast %parallel_loop3A_51 : i32 to vector<16xi32>
      %parallel_loop3A_53 = arith.addi %parallel_loop3A_34, %parallel_loop3A_52 : vector<16xi32>
      %parallel_loop3A_54 = tpu.vector_load_idx %arg6[%parallel_loop3A_53] : memref<40960xf32, #tpu.memory_space<vmem>>[vector<16xi32>], vector<16xf32>,
      %parallel_loop3A_55 = arith.constant 20480 : i32
      %parallel_loop3A_56 = vector.broadcast %parallel_loop3A_55 : i32 to vector<16xi32>
      %parallel_loop3A_57 = arith.addi %parallel_loop3A_36, %parallel_loop3A_56 : vector<16xi32>
      tpu.vector_store_idx %arg7[%parallel_loop3A_57], %parallel_loop3A_54 {add = true} : memref<40960xf32, #tpu.memory_space<vmem>>[vector<16xi32>], vector<16xf32>,
      %parallel_loop3A_58 = arith.constant 30720 : i32
      %parallel_loop3A_59 = vector.broadcast %parallel_loop3A_58 : i32 to vector<16xi32>
      %parallel_loop3A_60 = arith.addi %parallel_loop3A_34, %parallel_loop3A_59 : vector<16xi32>
      %parallel_loop3A_61 = tpu.vector_load_idx %arg6[%parallel_loop3A_60] : memref<40960xf32, #tpu.memory_space<vmem>>[vector<16xi32>], vector<16xf32>,
      %parallel_loop3A_62 = arith.constant 30720 : i32
      %parallel_loop3A_63 = vector.broadcast %parallel_loop3A_62 : i32 to vector<16xi32>
      %parallel_loop3A_64 = arith.addi %parallel_loop3A_36, %parallel_loop3A_63 : vector<16xi32>
      tpu.vector_store_idx %arg7[%parallel_loop3A_64], %parallel_loop3A_61 {add = true} : memref<40960xf32, #tpu.memory_space<vmem>>[vector<16xi32>], vector<16xf32>,
    } {sc.loop_unroll_factor = 8 : i64, sc.parallel_access}
    "tpu.region"() ({
      %run_scoped3A = tpu.sem_alloc : memref<!tpu.dma_semaphore, #tpu.memory_space<semaphore_mem>>
      %dma_start3A_29 = arith.constant 0 : i32
      %dma_start3A_30 = tpu.memref_slice %arg5[%add3A, %dma_start3A_29] : memref<32x40960xf32, #tpu.memory_space<hbm>> -> memref<1x40960xf32, #tpu.memory_space<hbm>>
      %dma_start3A_31 = tpu.memref_squeeze %dma_start3A_30 : memref<1x40960xf32, #tpu.memory_space<hbm>> -> memref<40960xf32, #tpu.memory_space<hbm>>
      %dma_start3A_32 = arith.constant 0 : i32
      %dma_start3A_33 = tpu.memref_slice %arg5[%add3A, %dma_start3A_32] : memref<32x40960xf32, #tpu.memory_space<hbm>> -> memref<1x40960xf32, #tpu.memory_space<hbm>>
      %dma_start3A_34 = tpu.memref_squeeze %dma_start3A_33 : memref<1x40960xf32, #tpu.memory_space<hbm>> -> memref<40960xf32, #tpu.memory_space<hbm>>
      tpu.enqueue_dma source(%arg7 : memref<40960xf32, #tpu.memory_space<vmem>>) target(%dma_start3A_34 : memref<40960xf32, #tpu.memory_space<hbm>>) target_semaphore(%run_scoped3A : memref<!tpu.dma_semaphore, #tpu.memory_space<semaphore_mem>>)
      %dma_wait3A_35 = arith.constant 0 : i32
      %dma_wait3A_36 = tpu.memref_slice %arg5[%add3A, %dma_wait3A_35] : memref<32x40960xf32, #tpu.memory_space<hbm>> -> memref<1x40960xf32, #tpu.memory_space<hbm>>
      %dma_wait3A_37 = tpu.memref_squeeze %dma_wait3A_36 : memref<1x40960xf32, #tpu.memory_space<hbm>> -> memref<40960xf32, #tpu.memory_space<hbm>>
      %dma_wait3A_38 = arith.constant 0 : i32
      %dma_wait3A_39 = tpu.memref_slice %arg5[%add3A, %dma_wait3A_38] : memref<32x40960xf32, #tpu.memory_space<hbm>> -> memref<1x40960xf32, #tpu.memory_space<hbm>>
      %dma_wait3A_40 = tpu.memref_squeeze %dma_wait3A_39 : memref<1x40960xf32, #tpu.memory_space<hbm>> -> memref<40960xf32, #tpu.memory_space<hbm>>
      tpu.wait_dma2 semaphore(%run_scoped3A : memref<!tpu.dma_semaphore, #tpu.memory_space<semaphore_mem>>) src(%arg7 : memref<40960xf32, #tpu.memory_space<vmem>>) dst(%dma_wait3A_40 : memref<40960xf32, #tpu.memory_space<hbm>>)
      tpu.yield
    }) : () -> ()
    return
  }
}

#map = affine_map<(d0, d1) -> (0, 0)>
module attributes {stable_mosaic.version = 14 : i64} {
  func.func @k(%arg0: i32, %arg1: i32, %arg2: memref<32x10112xi32, #tpu.memory_space<hbm>>, %arg3: memref<32x10240xf32, #tpu.memory_space<hbm>>, %arg4: memref<10240xf32, #tpu.memory_space<vmem>>, %arg5: memref<10112xi32, #tpu.memory_space<vmem>>, %arg6: memref<!tpu.dma_semaphore, #tpu.memory_space<semaphore_mem>>) attributes {dimension_semantics = [#tpu.dimension_semantics<core_parallel>, #tpu.dimension_semantics<subcore_parallel>], iteration_bounds = array<i64: 2, 16>, scalar_prefetch = 0 : i64, scratch_operands = 3 : i64, tpu.core_type = #tpu.core_type<sc_vector_subcore>, window_params = [{transform_indices = #map}, {transform_indices = #map}]} {
    %mul3A = arith.constant 2 : i32
    %mul3A_0 = arith.muli %arg1, %mul3A : i32
    %add3A = arith.addi %mul3A_0, %arg0 : i32
    %dma_start3A = arith.constant 0 : i32
    %dma_start3A_1 = tpu.memref_slice %arg2[%add3A, %dma_start3A] : memref<32x10112xi32, #tpu.memory_space<hbm>> -> memref<1x10112xi32, #tpu.memory_space<hbm>>
    %dma_start3A_2 = tpu.memref_squeeze %dma_start3A_1 : memref<1x10112xi32, #tpu.memory_space<hbm>> -> memref<10112xi32, #tpu.memory_space<hbm>>
    %dma_start3A_3 = arith.constant 0 : i32
    %dma_start3A_4 = tpu.memref_slice %arg2[%add3A, %dma_start3A_3] : memref<32x10112xi32, #tpu.memory_space<hbm>> -> memref<1x10112xi32, #tpu.memory_space<hbm>>
    %dma_start3A_5 = tpu.memref_squeeze %dma_start3A_4 : memref<1x10112xi32, #tpu.memory_space<hbm>> -> memref<10112xi32, #tpu.memory_space<hbm>>
    tpu.enqueue_dma source(%dma_start3A_5 : memref<10112xi32, #tpu.memory_space<hbm>>) target(%arg5 : memref<10112xi32, #tpu.memory_space<vmem>>) target_semaphore(%arg6 : memref<!tpu.dma_semaphore, #tpu.memory_space<semaphore_mem>>)
    %broadcast_in_dim3A = arith.constant 0.000000e+00 : f32
    %broadcast_in_dim3A_6 = vector.broadcast %broadcast_in_dim3A : f32 to vector<16xf32>
    %parallel_loop3A = arith.constant 0 : i32
    %parallel_loop3A_7 = arith.constant 640 : i32
    %parallel_loop3A_8 = arith.constant 1 : i32
    scf.for %parallel_loop3A_19 = %parallel_loop3A to %parallel_loop3A_7 step %parallel_loop3A_8  : i32 {
      %parallel_loop3A_20 = arith.constant 16 : i32
      %parallel_loop3A_21 = arith.muli %parallel_loop3A_19, %parallel_loop3A_20 : i32
      %parallel_loop3A_22 = tpu.assume_multiple %parallel_loop3A_21, 16 : i32
      %parallel_loop3A_23 = arith.index_cast %parallel_loop3A_22 : i32 to index
      %parallel_loop3A_24 = tpu.vector_load %arg4[%parallel_loop3A_23] {strides = array<i32>} : memref<10240xf32, #tpu.memory_space<vmem>>, vector<16xf32>,
      tpu.vector_store %arg4[%parallel_loop3A_23], %broadcast_in_dim3A_6 {strides = array<i32>} : memref<10240xf32, #tpu.memory_space<vmem>>, vector<16xf32>,
    } {sc.loop_unroll_factor = 8 : i64, sc.parallel_access}
    %dma_wait3A = arith.constant 0 : i32
    %dma_wait3A_9 = tpu.memref_slice %arg2[%add3A, %dma_wait3A] : memref<32x10112xi32, #tpu.memory_space<hbm>> -> memref<1x10112xi32, #tpu.memory_space<hbm>>
    %dma_wait3A_10 = tpu.memref_squeeze %dma_wait3A_9 : memref<1x10112xi32, #tpu.memory_space<hbm>> -> memref<10112xi32, #tpu.memory_space<hbm>>
    %dma_wait3A_11 = arith.constant 0 : i32
    %dma_wait3A_12 = tpu.memref_slice %arg2[%add3A, %dma_wait3A_11] : memref<32x10112xi32, #tpu.memory_space<hbm>> -> memref<1x10112xi32, #tpu.memory_space<hbm>>
    %dma_wait3A_13 = tpu.memref_squeeze %dma_wait3A_12 : memref<1x10112xi32, #tpu.memory_space<hbm>> -> memref<10112xi32, #tpu.memory_space<hbm>>
    tpu.wait_dma2 semaphore(%arg6 : memref<!tpu.dma_semaphore, #tpu.memory_space<semaphore_mem>>) src(%dma_wait3A_13 : memref<10112xi32, #tpu.memory_space<hbm>>) dst(%arg5 : memref<10112xi32, #tpu.memory_space<vmem>>)
    %broadcast_in_dim3A_14 = arith.constant 1.000000e+00 : f32
    %broadcast_in_dim3A_15 = vector.broadcast %broadcast_in_dim3A_14 : f32 to vector<16xf32>
    %parallel_loop3A_16 = arith.constant 0 : i32
    %parallel_loop3A_17 = arith.constant 632 : i32
    %parallel_loop3A_18 = arith.constant 1 : i32
    scf.for %parallel_loop3A_19 = %parallel_loop3A_16 to %parallel_loop3A_17 step %parallel_loop3A_18  : i32 {
      %parallel_loop3A_20 = arith.constant 16 : i32
      %parallel_loop3A_21 = arith.muli %parallel_loop3A_19, %parallel_loop3A_20 : i32
      %parallel_loop3A_22 = tpu.assume_multiple %parallel_loop3A_21, 16 : i32
      %parallel_loop3A_23 = arith.index_cast %parallel_loop3A_22 : i32 to index
      %parallel_loop3A_24 = tpu.vector_load %arg5[%parallel_loop3A_23] {strides = array<i32>} : memref<10112xi32, #tpu.memory_space<vmem>>, vector<16xi32>,
      tpu.vector_store_idx %arg4[%parallel_loop3A_24], %broadcast_in_dim3A_15 {add = true} : memref<10240xf32, #tpu.memory_space<vmem>>[vector<16xi32>], vector<16xf32>,
    } {sc.loop_unroll_factor = 8 : i64, sc.parallel_access}
    "tpu.region"() ({
      %run_scoped3A = tpu.sem_alloc : memref<!tpu.dma_semaphore, #tpu.memory_space<semaphore_mem>>
      %dma_start3A_19 = arith.constant 0 : i32
      %dma_start3A_20 = tpu.memref_slice %arg3[%add3A, %dma_start3A_19] : memref<32x10240xf32, #tpu.memory_space<hbm>> -> memref<1x10240xf32, #tpu.memory_space<hbm>>
      %dma_start3A_21 = tpu.memref_squeeze %dma_start3A_20 : memref<1x10240xf32, #tpu.memory_space<hbm>> -> memref<10240xf32, #tpu.memory_space<hbm>>
      %dma_start3A_22 = arith.constant 0 : i32
      %dma_start3A_23 = tpu.memref_slice %arg3[%add3A, %dma_start3A_22] : memref<32x10240xf32, #tpu.memory_space<hbm>> -> memref<1x10240xf32, #tpu.memory_space<hbm>>
      %dma_start3A_24 = tpu.memref_squeeze %dma_start3A_23 : memref<1x10240xf32, #tpu.memory_space<hbm>> -> memref<10240xf32, #tpu.memory_space<hbm>>
      tpu.enqueue_dma source(%arg4 : memref<10240xf32, #tpu.memory_space<vmem>>) target(%dma_start3A_24 : memref<10240xf32, #tpu.memory_space<hbm>>) target_semaphore(%run_scoped3A : memref<!tpu.dma_semaphore, #tpu.memory_space<semaphore_mem>>)
      %dma_wait3A_25 = arith.constant 0 : i32
      %dma_wait3A_26 = tpu.memref_slice %arg3[%add3A, %dma_wait3A_25] : memref<32x10240xf32, #tpu.memory_space<hbm>> -> memref<1x10240xf32, #tpu.memory_space<hbm>>
      %dma_wait3A_27 = tpu.memref_squeeze %dma_wait3A_26 : memref<1x10240xf32, #tpu.memory_space<hbm>> -> memref<10240xf32, #tpu.memory_space<hbm>>
      %dma_wait3A_28 = arith.constant 0 : i32
      %dma_wait3A_29 = tpu.memref_slice %arg3[%add3A, %dma_wait3A_28] : memref<32x10240xf32, #tpu.memory_space<hbm>> -> memref<1x10240xf32, #tpu.memory_space<hbm>>
      %dma_wait3A_30 = tpu.memref_squeeze %dma_wait3A_29 : memref<1x10240xf32, #tpu.memory_space<hbm>> -> memref<10240xf32, #tpu.memory_space<hbm>>
      tpu.wait_dma2 semaphore(%run_scoped3A : memref<!tpu.dma_semaphore, #tpu.memory_space<semaphore_mem>>) src(%arg4 : memref<10240xf32, #tpu.memory_space<vmem>>) dst(%dma_wait3A_30 : memref<10240xf32, #tpu.memory_space<hbm>>)
      tpu.yield
    }) : () -> ()
    return
  }
}

#map = affine_map<(d0, d1) -> (0)>
#map1 = affine_map<(d0, d1) -> (0, 0)>
module attributes {stable_mosaic.version = 14 : i64} {
  func.func @k(%arg0: i32, %arg1: i32, %arg2: memref<20480xf32, #tpu.memory_space<hbm>>, %arg3: memref<32x10112xi32, #tpu.memory_space<hbm>>, %arg4: memref<32x10112xi32, #tpu.memory_space<hbm>>, %arg5: memref<32x20480xf32, #tpu.memory_space<hbm>>, %arg6: memref<20480xf32, #tpu.memory_space<vmem>>, %arg7: memref<20480xf32, #tpu.memory_space<vmem>>, %arg8: memref<10112xi32, #tpu.memory_space<vmem>>, %arg9: memref<10112xi32, #tpu.memory_space<vmem>>, %arg10: memref<!tpu.dma_semaphore, #tpu.memory_space<semaphore_mem>>) attributes {dimension_semantics = [#tpu.dimension_semantics<core_parallel>, #tpu.dimension_semantics<subcore_parallel>], iteration_bounds = array<i64: 2, 16>, scalar_prefetch = 0 : i64, scratch_operands = 5 : i64, tpu.core_type = #tpu.core_type<sc_vector_subcore>, window_params = [{transform_indices = #map}, {transform_indices = #map1}, {transform_indices = #map1}, {transform_indices = #map1}]} {
    %mul3A = arith.constant 2 : i32
    %mul3A_0 = arith.muli %arg1, %mul3A : i32
    %add3A = arith.addi %mul3A_0, %arg0 : i32
    tpu.enqueue_dma source(%arg2 : memref<20480xf32, #tpu.memory_space<hbm>>) target(%arg6 : memref<20480xf32, #tpu.memory_space<vmem>>) target_semaphore(%arg10 : memref<!tpu.dma_semaphore, #tpu.memory_space<semaphore_mem>>)
    %dma_start3A = arith.constant 0 : i32
    %dma_start3A_1 = tpu.memref_slice %arg3[%add3A, %dma_start3A] : memref<32x10112xi32, #tpu.memory_space<hbm>> -> memref<1x10112xi32, #tpu.memory_space<hbm>>
    %dma_start3A_2 = tpu.memref_squeeze %dma_start3A_1 : memref<1x10112xi32, #tpu.memory_space<hbm>> -> memref<10112xi32, #tpu.memory_space<hbm>>
    %dma_start3A_3 = arith.constant 0 : i32
    %dma_start3A_4 = tpu.memref_slice %arg3[%add3A, %dma_start3A_3] : memref<32x10112xi32, #tpu.memory_space<hbm>> -> memref<1x10112xi32, #tpu.memory_space<hbm>>
    %dma_start3A_5 = tpu.memref_squeeze %dma_start3A_4 : memref<1x10112xi32, #tpu.memory_space<hbm>> -> memref<10112xi32, #tpu.memory_space<hbm>>
    tpu.enqueue_dma source(%dma_start3A_5 : memref<10112xi32, #tpu.memory_space<hbm>>) target(%arg8 : memref<10112xi32, #tpu.memory_space<vmem>>) target_semaphore(%arg10 : memref<!tpu.dma_semaphore, #tpu.memory_space<semaphore_mem>>)
    %dma_start3A_6 = arith.constant 0 : i32
    %dma_start3A_7 = tpu.memref_slice %arg4[%add3A, %dma_start3A_6] : memref<32x10112xi32, #tpu.memory_space<hbm>> -> memref<1x10112xi32, #tpu.memory_space<hbm>>
    %dma_start3A_8 = tpu.memref_squeeze %dma_start3A_7 : memref<1x10112xi32, #tpu.memory_space<hbm>> -> memref<10112xi32, #tpu.memory_space<hbm>>
    %dma_start3A_9 = arith.constant 0 : i32
    %dma_start3A_10 = tpu.memref_slice %arg4[%add3A, %dma_start3A_9] : memref<32x10112xi32, #tpu.memory_space<hbm>> -> memref<1x10112xi32, #tpu.memory_space<hbm>>
    %dma_start3A_11 = tpu.memref_squeeze %dma_start3A_10 : memref<1x10112xi32, #tpu.memory_space<hbm>> -> memref<10112xi32, #tpu.memory_space<hbm>>
    tpu.enqueue_dma source(%dma_start3A_11 : memref<10112xi32, #tpu.memory_space<hbm>>) target(%arg9 : memref<10112xi32, #tpu.memory_space<vmem>>) target_semaphore(%arg10 : memref<!tpu.dma_semaphore, #tpu.memory_space<semaphore_mem>>)
    %broadcast_in_dim3A = arith.constant 0.000000e+00 : f32
    %broadcast_in_dim3A_12 = vector.broadcast %broadcast_in_dim3A : f32 to vector<16xf32>
    %parallel_loop3A = arith.constant 0 : i32
    %parallel_loop3A_13 = arith.constant 1280 : i32
    %parallel_loop3A_14 = arith.constant 1 : i32
    scf.for %parallel_loop3A_29 = %parallel_loop3A to %parallel_loop3A_13 step %parallel_loop3A_14  : i32 {
      %parallel_loop3A_30 = arith.constant 16 : i32
      %parallel_loop3A_31 = arith.muli %parallel_loop3A_29, %parallel_loop3A_30 : i32
      %parallel_loop3A_32 = tpu.assume_multiple %parallel_loop3A_31, 16 : i32
      %parallel_loop3A_33 = arith.index_cast %parallel_loop3A_32 : i32 to index
      %parallel_loop3A_34 = tpu.vector_load %arg7[%parallel_loop3A_33] {strides = array<i32>} : memref<20480xf32, #tpu.memory_space<vmem>>, vector<16xf32>,
      tpu.vector_store %arg7[%parallel_loop3A_33], %broadcast_in_dim3A_12 {strides = array<i32>} : memref<20480xf32, #tpu.memory_space<vmem>>, vector<16xf32>,
    } {sc.loop_unroll_factor = 8 : i64, sc.parallel_access}
    tpu.wait_dma2 semaphore(%arg10 : memref<!tpu.dma_semaphore, #tpu.memory_space<semaphore_mem>>) src(%arg2 : memref<20480xf32, #tpu.memory_space<hbm>>) dst(%arg6 : memref<20480xf32, #tpu.memory_space<vmem>>)
    %dma_wait3A = arith.constant 0 : i32
    %dma_wait3A_15 = tpu.memref_slice %arg3[%add3A, %dma_wait3A] : memref<32x10112xi32, #tpu.memory_space<hbm>> -> memref<1x10112xi32, #tpu.memory_space<hbm>>
    %dma_wait3A_16 = tpu.memref_squeeze %dma_wait3A_15 : memref<1x10112xi32, #tpu.memory_space<hbm>> -> memref<10112xi32, #tpu.memory_space<hbm>>
    %dma_wait3A_17 = arith.constant 0 : i32
    %dma_wait3A_18 = tpu.memref_slice %arg3[%add3A, %dma_wait3A_17] : memref<32x10112xi32, #tpu.memory_space<hbm>> -> memref<1x10112xi32, #tpu.memory_space<hbm>>
    %dma_wait3A_19 = tpu.memref_squeeze %dma_wait3A_18 : memref<1x10112xi32, #tpu.memory_space<hbm>> -> memref<10112xi32, #tpu.memory_space<hbm>>
    tpu.wait_dma2 semaphore(%arg10 : memref<!tpu.dma_semaphore, #tpu.memory_space<semaphore_mem>>) src(%dma_wait3A_19 : memref<10112xi32, #tpu.memory_space<hbm>>) dst(%arg8 : memref<10112xi32, #tpu.memory_space<vmem>>)
    %dma_wait3A_20 = arith.constant 0 : i32
    %dma_wait3A_21 = tpu.memref_slice %arg4[%add3A, %dma_wait3A_20] : memref<32x10112xi32, #tpu.memory_space<hbm>> -> memref<1x10112xi32, #tpu.memory_space<hbm>>
    %dma_wait3A_22 = tpu.memref_squeeze %dma_wait3A_21 : memref<1x10112xi32, #tpu.memory_space<hbm>> -> memref<10112xi32, #tpu.memory_space<hbm>>
    %dma_wait3A_23 = arith.constant 0 : i32
    %dma_wait3A_24 = tpu.memref_slice %arg4[%add3A, %dma_wait3A_23] : memref<32x10112xi32, #tpu.memory_space<hbm>> -> memref<1x10112xi32, #tpu.memory_space<hbm>>
    %dma_wait3A_25 = tpu.memref_squeeze %dma_wait3A_24 : memref<1x10112xi32, #tpu.memory_space<hbm>> -> memref<10112xi32, #tpu.memory_space<hbm>>
    tpu.wait_dma2 semaphore(%arg10 : memref<!tpu.dma_semaphore, #tpu.memory_space<semaphore_mem>>) src(%dma_wait3A_25 : memref<10112xi32, #tpu.memory_space<hbm>>) dst(%arg9 : memref<10112xi32, #tpu.memory_space<vmem>>)
    %parallel_loop3A_26 = arith.constant 0 : i32
    %parallel_loop3A_27 = arith.constant 632 : i32
    %parallel_loop3A_28 = arith.constant 1 : i32
    scf.for %parallel_loop3A_29 = %parallel_loop3A_26 to %parallel_loop3A_27 step %parallel_loop3A_28  : i32 {
      %parallel_loop3A_30 = arith.constant 16 : i32
      %parallel_loop3A_31 = arith.muli %parallel_loop3A_29, %parallel_loop3A_30 : i32
      %parallel_loop3A_32 = tpu.assume_multiple %parallel_loop3A_31, 16 : i32
      %parallel_loop3A_33 = arith.index_cast %parallel_loop3A_32 : i32 to index
      %parallel_loop3A_34 = tpu.vector_load %arg8[%parallel_loop3A_33] {strides = array<i32>} : memref<10112xi32, #tpu.memory_space<vmem>>, vector<16xi32>,
      %parallel_loop3A_35 = arith.index_cast %parallel_loop3A_32 : i32 to index
      %parallel_loop3A_36 = tpu.vector_load %arg9[%parallel_loop3A_35] {strides = array<i32>} : memref<10112xi32, #tpu.memory_space<vmem>>, vector<16xi32>,
      %parallel_loop3A_37 = arith.constant 0 : i32
      %parallel_loop3A_38 = vector.broadcast %parallel_loop3A_37 : i32 to vector<16xi32>
      %parallel_loop3A_39 = arith.addi %parallel_loop3A_34, %parallel_loop3A_38 : vector<16xi32>
      %parallel_loop3A_40 = tpu.vector_load_idx %arg6[%parallel_loop3A_39] : memref<20480xf32, #tpu.memory_space<vmem>>[vector<16xi32>], vector<16xf32>,
      %parallel_loop3A_41 = arith.constant 0 : i32
      %parallel_loop3A_42 = vector.broadcast %parallel_loop3A_41 : i32 to vector<16xi32>
      %parallel_loop3A_43 = arith.addi %parallel_loop3A_36, %parallel_loop3A_42 : vector<16xi32>
      tpu.vector_store_idx %arg7[%parallel_loop3A_43], %parallel_loop3A_40 {add = true} : memref<20480xf32, #tpu.memory_space<vmem>>[vector<16xi32>], vector<16xf32>,
      %parallel_loop3A_44 = arith.constant 10240 : i32
      %parallel_loop3A_45 = vector.broadcast %parallel_loop3A_44 : i32 to vector<16xi32>
      %parallel_loop3A_46 = arith.addi %parallel_loop3A_34, %parallel_loop3A_45 : vector<16xi32>
      %parallel_loop3A_47 = tpu.vector_load_idx %arg6[%parallel_loop3A_46] : memref<20480xf32, #tpu.memory_space<vmem>>[vector<16xi32>], vector<16xf32>,
      %parallel_loop3A_48 = arith.constant 10240 : i32
      %parallel_loop3A_49 = vector.broadcast %parallel_loop3A_48 : i32 to vector<16xi32>
      %parallel_loop3A_50 = arith.addi %parallel_loop3A_36, %parallel_loop3A_49 : vector<16xi32>
      tpu.vector_store_idx %arg7[%parallel_loop3A_50], %parallel_loop3A_47 {add = true} : memref<20480xf32, #tpu.memory_space<vmem>>[vector<16xi32>], vector<16xf32>,
    } {sc.loop_unroll_factor = 8 : i64, sc.parallel_access}
    "tpu.region"() ({
      %run_scoped3A = tpu.sem_alloc : memref<!tpu.dma_semaphore, #tpu.memory_space<semaphore_mem>>
      %dma_start3A_29 = arith.constant 0 : i32
      %dma_start3A_30 = tpu.memref_slice %arg5[%add3A, %dma_start3A_29] : memref<32x20480xf32, #tpu.memory_space<hbm>> -> memref<1x20480xf32, #tpu.memory_space<hbm>>
      %dma_start3A_31 = tpu.memref_squeeze %dma_start3A_30 : memref<1x20480xf32, #tpu.memory_space<hbm>> -> memref<20480xf32, #tpu.memory_space<hbm>>
      %dma_start3A_32 = arith.constant 0 : i32
      %dma_start3A_33 = tpu.memref_slice %arg5[%add3A, %dma_start3A_32] : memref<32x20480xf32, #tpu.memory_space<hbm>> -> memref<1x20480xf32, #tpu.memory_space<hbm>>
      %dma_start3A_34 = tpu.memref_squeeze %dma_start3A_33 : memref<1x20480xf32, #tpu.memory_space<hbm>> -> memref<20480xf32, #tpu.memory_space<hbm>>
      tpu.enqueue_dma source(%arg7 : memref<20480xf32, #tpu.memory_space<vmem>>) target(%dma_start3A_34 : memref<20480xf32, #tpu.memory_space<hbm>>) target_semaphore(%run_scoped3A : memref<!tpu.dma_semaphore, #tpu.memory_space<semaphore_mem>>)
      %dma_wait3A_35 = arith.constant 0 : i32
      %dma_wait3A_36 = tpu.memref_slice %arg5[%add3A, %dma_wait3A_35] : memref<32x20480xf32, #tpu.memory_space<hbm>> -> memref<1x20480xf32, #tpu.memory_space<hbm>>
      %dma_wait3A_37 = tpu.memref_squeeze %dma_wait3A_36 : memref<1x20480xf32, #tpu.memory_space<hbm>> -> memref<20480xf32, #tpu.memory_space<hbm>>
      %dma_wait3A_38 = arith.constant 0 : i32
      %dma_wait3A_39 = tpu.memref_slice %arg5[%add3A, %dma_wait3A_38] : memref<32x20480xf32, #tpu.memory_space<hbm>> -> memref<1x20480xf32, #tpu.memory_space<hbm>>
      %dma_wait3A_40 = tpu.memref_squeeze %dma_wait3A_39 : memref<1x20480xf32, #tpu.memory_space<hbm>> -> memref<20480xf32, #tpu.memory_space<hbm>>
      tpu.wait_dma2 semaphore(%run_scoped3A : memref<!tpu.dma_semaphore, #tpu.memory_space<semaphore_mem>>) src(%arg7 : memref<20480xf32, #tpu.memory_space<vmem>>) dst(%dma_wait3A_40 : memref<20480xf32, #tpu.memory_space<hbm>>)
      tpu.yield
    }) : () -> ()
    return
  }
}

#map = affine_map<(d0, d1) -> (0)>
#map1 = affine_map<(d0, d1) -> (0, 0)>
module attributes {stable_mosaic.version = 14 : i64} {
  func.func @k(%arg0: i32, %arg1: i32, %arg2: memref<40960xf32, #tpu.memory_space<hbm>>, %arg3: memref<32x10112xi32, #tpu.memory_space<hbm>>, %arg4: memref<32x10112xi32, #tpu.memory_space<hbm>>, %arg5: memref<32x40960xf32, #tpu.memory_space<hbm>>, %arg6: memref<40960xf32, #tpu.memory_space<vmem>>, %arg7: memref<40960xf32, #tpu.memory_space<vmem>>, %arg8: memref<10112xi32, #tpu.memory_space<vmem>>, %arg9: memref<10112xi32, #tpu.memory_space<vmem>>, %arg10: memref<!tpu.dma_semaphore, #tpu.memory_space<semaphore_mem>>) attributes {dimension_semantics = [#tpu.dimension_semantics<core_parallel>, #tpu.dimension_semantics<subcore_parallel>], iteration_bounds = array<i64: 2, 16>, scalar_prefetch = 0 : i64, scratch_operands = 5 : i64, tpu.core_type = #tpu.core_type<sc_vector_subcore>, window_params = [{transform_indices = #map}, {transform_indices = #map1}, {transform_indices = #map1}, {transform_indices = #map1}]} {
    %mul3A = arith.constant 2 : i32
    %mul3A_0 = arith.muli %arg1, %mul3A : i32
    %add3A = arith.addi %mul3A_0, %arg0 : i32
    tpu.enqueue_dma source(%arg2 : memref<40960xf32, #tpu.memory_space<hbm>>) target(%arg6 : memref<40960xf32, #tpu.memory_space<vmem>>) target_semaphore(%arg10 : memref<!tpu.dma_semaphore, #tpu.memory_space<semaphore_mem>>)
    %dma_start3A = arith.constant 0 : i32
    %dma_start3A_1 = tpu.memref_slice %arg3[%add3A, %dma_start3A] : memref<32x10112xi32, #tpu.memory_space<hbm>> -> memref<1x10112xi32, #tpu.memory_space<hbm>>
    %dma_start3A_2 = tpu.memref_squeeze %dma_start3A_1 : memref<1x10112xi32, #tpu.memory_space<hbm>> -> memref<10112xi32, #tpu.memory_space<hbm>>
    %dma_start3A_3 = arith.constant 0 : i32
    %dma_start3A_4 = tpu.memref_slice %arg3[%add3A, %dma_start3A_3] : memref<32x10112xi32, #tpu.memory_space<hbm>> -> memref<1x10112xi32, #tpu.memory_space<hbm>>
    %dma_start3A_5 = tpu.memref_squeeze %dma_start3A_4 : memref<1x10112xi32, #tpu.memory_space<hbm>> -> memref<10112xi32, #tpu.memory_space<hbm>>
    tpu.enqueue_dma source(%dma_start3A_5 : memref<10112xi32, #tpu.memory_space<hbm>>) target(%arg8 : memref<10112xi32, #tpu.memory_space<vmem>>) target_semaphore(%arg10 : memref<!tpu.dma_semaphore, #tpu.memory_space<semaphore_mem>>)
    %dma_start3A_6 = arith.constant 0 : i32
    %dma_start3A_7 = tpu.memref_slice %arg4[%add3A, %dma_start3A_6] : memref<32x10112xi32, #tpu.memory_space<hbm>> -> memref<1x10112xi32, #tpu.memory_space<hbm>>
    %dma_start3A_8 = tpu.memref_squeeze %dma_start3A_7 : memref<1x10112xi32, #tpu.memory_space<hbm>> -> memref<10112xi32, #tpu.memory_space<hbm>>
    %dma_start3A_9 = arith.constant 0 : i32
    %dma_start3A_10 = tpu.memref_slice %arg4[%add3A, %dma_start3A_9] : memref<32x10112xi32, #tpu.memory_space<hbm>> -> memref<1x10112xi32, #tpu.memory_space<hbm>>
    %dma_start3A_11 = tpu.memref_squeeze %dma_start3A_10 : memref<1x10112xi32, #tpu.memory_space<hbm>> -> memref<10112xi32, #tpu.memory_space<hbm>>
    tpu.enqueue_dma source(%dma_start3A_11 : memref<10112xi32, #tpu.memory_space<hbm>>) target(%arg9 : memref<10112xi32, #tpu.memory_space<vmem>>) target_semaphore(%arg10 : memref<!tpu.dma_semaphore, #tpu.memory_space<semaphore_mem>>)
    %broadcast_in_dim3A = arith.constant 0.000000e+00 : f32
    %broadcast_in_dim3A_12 = vector.broadcast %broadcast_in_dim3A : f32 to vector<16xf32>
    %parallel_loop3A = arith.constant 0 : i32
    %parallel_loop3A_13 = arith.constant 2560 : i32
    %parallel_loop3A_14 = arith.constant 1 : i32
    scf.for %parallel_loop3A_29 = %parallel_loop3A to %parallel_loop3A_13 step %parallel_loop3A_14  : i32 {
      %parallel_loop3A_30 = arith.constant 16 : i32
      %parallel_loop3A_31 = arith.muli %parallel_loop3A_29, %parallel_loop3A_30 : i32
      %parallel_loop3A_32 = tpu.assume_multiple %parallel_loop3A_31, 16 : i32
      %parallel_loop3A_33 = arith.index_cast %parallel_loop3A_32 : i32 to index
      %parallel_loop3A_34 = tpu.vector_load %arg7[%parallel_loop3A_33] {strides = array<i32>} : memref<40960xf32, #tpu.memory_space<vmem>>, vector<16xf32>,
      tpu.vector_store %arg7[%parallel_loop3A_33], %broadcast_in_dim3A_12 {strides = array<i32>} : memref<40960xf32, #tpu.memory_space<vmem>>, vector<16xf32>,
    } {sc.loop_unroll_factor = 8 : i64, sc.parallel_access}
    tpu.wait_dma2 semaphore(%arg10 : memref<!tpu.dma_semaphore, #tpu.memory_space<semaphore_mem>>) src(%arg2 : memref<40960xf32, #tpu.memory_space<hbm>>) dst(%arg6 : memref<40960xf32, #tpu.memory_space<vmem>>)
    %dma_wait3A = arith.constant 0 : i32
    %dma_wait3A_15 = tpu.memref_slice %arg3[%add3A, %dma_wait3A] : memref<32x10112xi32, #tpu.memory_space<hbm>> -> memref<1x10112xi32, #tpu.memory_space<hbm>>
    %dma_wait3A_16 = tpu.memref_squeeze %dma_wait3A_15 : memref<1x10112xi32, #tpu.memory_space<hbm>> -> memref<10112xi32, #tpu.memory_space<hbm>>
    %dma_wait3A_17 = arith.constant 0 : i32
    %dma_wait3A_18 = tpu.memref_slice %arg3[%add3A, %dma_wait3A_17] : memref<32x10112xi32, #tpu.memory_space<hbm>> -> memref<1x10112xi32, #tpu.memory_space<hbm>>
    %dma_wait3A_19 = tpu.memref_squeeze %dma_wait3A_18 : memref<1x10112xi32, #tpu.memory_space<hbm>> -> memref<10112xi32, #tpu.memory_space<hbm>>
    tpu.wait_dma2 semaphore(%arg10 : memref<!tpu.dma_semaphore, #tpu.memory_space<semaphore_mem>>) src(%dma_wait3A_19 : memref<10112xi32, #tpu.memory_space<hbm>>) dst(%arg8 : memref<10112xi32, #tpu.memory_space<vmem>>)
    %dma_wait3A_20 = arith.constant 0 : i32
    %dma_wait3A_21 = tpu.memref_slice %arg4[%add3A, %dma_wait3A_20] : memref<32x10112xi32, #tpu.memory_space<hbm>> -> memref<1x10112xi32, #tpu.memory_space<hbm>>
    %dma_wait3A_22 = tpu.memref_squeeze %dma_wait3A_21 : memref<1x10112xi32, #tpu.memory_space<hbm>> -> memref<10112xi32, #tpu.memory_space<hbm>>
    %dma_wait3A_23 = arith.constant 0 : i32
    %dma_wait3A_24 = tpu.memref_slice %arg4[%add3A, %dma_wait3A_23] : memref<32x10112xi32, #tpu.memory_space<hbm>> -> memref<1x10112xi32, #tpu.memory_space<hbm>>
    %dma_wait3A_25 = tpu.memref_squeeze %dma_wait3A_24 : memref<1x10112xi32, #tpu.memory_space<hbm>> -> memref<10112xi32, #tpu.memory_space<hbm>>
    tpu.wait_dma2 semaphore(%arg10 : memref<!tpu.dma_semaphore, #tpu.memory_space<semaphore_mem>>) src(%dma_wait3A_25 : memref<10112xi32, #tpu.memory_space<hbm>>) dst(%arg9 : memref<10112xi32, #tpu.memory_space<vmem>>)
    %parallel_loop3A_26 = arith.constant 0 : i32
    %parallel_loop3A_27 = arith.constant 632 : i32
    %parallel_loop3A_28 = arith.constant 1 : i32
    scf.for %parallel_loop3A_29 = %parallel_loop3A_26 to %parallel_loop3A_27 step %parallel_loop3A_28  : i32 {
      %parallel_loop3A_30 = arith.constant 16 : i32
      %parallel_loop3A_31 = arith.muli %parallel_loop3A_29, %parallel_loop3A_30 : i32
      %parallel_loop3A_32 = tpu.assume_multiple %parallel_loop3A_31, 16 : i32
      %parallel_loop3A_33 = arith.index_cast %parallel_loop3A_32 : i32 to index
      %parallel_loop3A_34 = tpu.vector_load %arg8[%parallel_loop3A_33] {strides = array<i32>} : memref<10112xi32, #tpu.memory_space<vmem>>, vector<16xi32>,
      %parallel_loop3A_35 = arith.index_cast %parallel_loop3A_32 : i32 to index
      %parallel_loop3A_36 = tpu.vector_load %arg9[%parallel_loop3A_35] {strides = array<i32>} : memref<10112xi32, #tpu.memory_space<vmem>>, vector<16xi32>,
      %parallel_loop3A_37 = arith.constant 0 : i32
      %parallel_loop3A_38 = vector.broadcast %parallel_loop3A_37 : i32 to vector<16xi32>
      %parallel_loop3A_39 = arith.addi %parallel_loop3A_34, %parallel_loop3A_38 : vector<16xi32>
      %parallel_loop3A_40 = tpu.vector_load_idx %arg6[%parallel_loop3A_39] : memref<40960xf32, #tpu.memory_space<vmem>>[vector<16xi32>], vector<16xf32>,
      %parallel_loop3A_41 = arith.constant 0 : i32
      %parallel_loop3A_42 = vector.broadcast %parallel_loop3A_41 : i32 to vector<16xi32>
      %parallel_loop3A_43 = arith.addi %parallel_loop3A_36, %parallel_loop3A_42 : vector<16xi32>
      tpu.vector_store_idx %arg7[%parallel_loop3A_43], %parallel_loop3A_40 {add = true} : memref<40960xf32, #tpu.memory_space<vmem>>[vector<16xi32>], vector<16xf32>,
      %parallel_loop3A_44 = arith.constant 10240 : i32
      %parallel_loop3A_45 = vector.broadcast %parallel_loop3A_44 : i32 to vector<16xi32>
      %parallel_loop3A_46 = arith.addi %parallel_loop3A_34, %parallel_loop3A_45 : vector<16xi32>
      %parallel_loop3A_47 = tpu.vector_load_idx %arg6[%parallel_loop3A_46] : memref<40960xf32, #tpu.memory_space<vmem>>[vector<16xi32>], vector<16xf32>,
      %parallel_loop3A_48 = arith.constant 10240 : i32
      %parallel_loop3A_49 = vector.broadcast %parallel_loop3A_48 : i32 to vector<16xi32>
      %parallel_loop3A_50 = arith.addi %parallel_loop3A_36, %parallel_loop3A_49 : vector<16xi32>
      tpu.vector_store_idx %arg7[%parallel_loop3A_50], %parallel_loop3A_47 {add = true} : memref<40960xf32, #tpu.memory_space<vmem>>[vector<16xi32>], vector<16xf32>,
      %parallel_loop3A_51 = arith.constant 20480 : i32
      %parallel_loop3A_52 = vector.broadcast %parallel_loop3A_51 : i32 to vector<16xi32>
      %parallel_loop3A_53 = arith.addi %parallel_loop3A_34, %parallel_loop3A_52 : vector<16xi32>
      %parallel_loop3A_54 = tpu.vector_load_idx %arg6[%parallel_loop3A_53] : memref<40960xf32, #tpu.memory_space<vmem>>[vector<16xi32>], vector<16xf32>,
      %parallel_loop3A_55 = arith.constant 20480 : i32
      %parallel_loop3A_56 = vector.broadcast %parallel_loop3A_55 : i32 to vector<16xi32>
      %parallel_loop3A_57 = arith.addi %parallel_loop3A_36, %parallel_loop3A_56 : vector<16xi32>
      tpu.vector_store_idx %arg7[%parallel_loop3A_57], %parallel_loop3A_54 {add = true} : memref<40960xf32, #tpu.memory_space<vmem>>[vector<16xi32>], vector<16xf32>,
      %parallel_loop3A_58 = arith.constant 30720 : i32
      %parallel_loop3A_59 = vector.broadcast %parallel_loop3A_58 : i32 to vector<16xi32>
      %parallel_loop3A_60 = arith.addi %parallel_loop3A_34, %parallel_loop3A_59 : vector<16xi32>
      %parallel_loop3A_61 = tpu.vector_load_idx %arg6[%parallel_loop3A_60] : memref<40960xf32, #tpu.memory_space<vmem>>[vector<16xi32>], vector<16xf32>,
      %parallel_loop3A_62 = arith.constant 30720 : i32
      %parallel_loop3A_63 = vector.broadcast %parallel_loop3A_62 : i32 to vector<16xi32>
      %parallel_loop3A_64 = arith.addi %parallel_loop3A_36, %parallel_loop3A_63 : vector<16xi32>
      tpu.vector_store_idx %arg7[%parallel_loop3A_64], %parallel_loop3A_61 {add = true} : memref<40960xf32, #tpu.memory_space<vmem>>[vector<16xi32>], vector<16xf32>,
    } {sc.loop_unroll_factor = 8 : i64, sc.parallel_access}
    "tpu.region"() ({
      %run_scoped3A = tpu.sem_alloc : memref<!tpu.dma_semaphore, #tpu.memory_space<semaphore_mem>>
      %dma_start3A_29 = arith.constant 0 : i32
      %dma_start3A_30 = tpu.memref_slice %arg5[%add3A, %dma_start3A_29] : memref<32x40960xf32, #tpu.memory_space<hbm>> -> memref<1x40960xf32, #tpu.memory_space<hbm>>
      %dma_start3A_31 = tpu.memref_squeeze %dma_start3A_30 : memref<1x40960xf32, #tpu.memory_space<hbm>> -> memref<40960xf32, #tpu.memory_space<hbm>>
      %dma_start3A_32 = arith.constant 0 : i32
      %dma_start3A_33 = tpu.memref_slice %arg5[%add3A, %dma_start3A_32] : memref<32x40960xf32, #tpu.memory_space<hbm>> -> memref<1x40960xf32, #tpu.memory_space<hbm>>
      %dma_start3A_34 = tpu.memref_squeeze %dma_start3A_33 : memref<1x40960xf32, #tpu.memory_space<hbm>> -> memref<40960xf32, #tpu.memory_space<hbm>>
      tpu.enqueue_dma source(%arg7 : memref<40960xf32, #tpu.memory_space<vmem>>) target(%dma_start3A_34 : memref<40960xf32, #tpu.memory_space<hbm>>) target_semaphore(%run_scoped3A : memref<!tpu.dma_semaphore, #tpu.memory_space<semaphore_mem>>)
      %dma_wait3A_35 = arith.constant 0 : i32
      %dma_wait3A_36 = tpu.memref_slice %arg5[%add3A, %dma_wait3A_35] : memref<32x40960xf32, #tpu.memory_space<hbm>> -> memref<1x40960xf32, #tpu.memory_space<hbm>>
      %dma_wait3A_37 = tpu.memref_squeeze %dma_wait3A_36 : memref<1x40960xf32, #tpu.memory_space<hbm>> -> memref<40960xf32, #tpu.memory_space<hbm>>
      %dma_wait3A_38 = arith.constant 0 : i32
      %dma_wait3A_39 = tpu.memref_slice %arg5[%add3A, %dma_wait3A_38] : memref<32x40960xf32, #tpu.memory_space<hbm>> -> memref<1x40960xf32, #tpu.memory_space<hbm>>
      %dma_wait3A_40 = tpu.memref_squeeze %dma_wait3A_39 : memref<1x40960xf32, #tpu.memory_space<hbm>> -> memref<40960xf32, #tpu.memory_space<hbm>>
      tpu.wait_dma2 semaphore(%run_scoped3A : memref<!tpu.dma_semaphore, #tpu.memory_space<semaphore_mem>>) src(%arg7 : memref<40960xf32, #tpu.memory_space<vmem>>) dst(%dma_wait3A_40 : memref<40960xf32, #tpu.memory_space<hbm>>)
      tpu.yield
    }) : () -> ()
    return
  }
}

module attributes {stable_mosaic.version = 14 : i64} {
  func.func @_tc1_body(%arg0: memref<32x1x10240xf32, #tpu.memory_space<vmem>>, %arg1: memref<128x10240xf32, #tpu.memory_space<vmem>>, %arg2: memref<4x128xf32, #tpu.memory_space<vmem>>, %arg3: memref<1x10240xf32, #tpu.memory_space<vmem>>, %arg4: memref<4x10240xf32, #tpu.memory_space<vmem>>, %arg5: memref<4x10240xf32, #tpu.memory_space<vmem>>) attributes {dimension_semantics = [], scalar_prefetch = 0 : i64, scratch_operands = 0 : i64, tpu.core_type = #tpu.core_type<tc>} {
    %get3A = arith.constant 0 : index
    %get3A_0 = arith.constant 0 : index
    %get3A_1 = arith.constant 0 : index
    %get3A_2 = vector.load %arg0[%get3A, %get3A_0, %get3A_1] : memref<32x1x10240xf32, #tpu.memory_space<vmem>>, vector<1x1x10240xf32>
    %get3A_3 = vector.shape_cast %get3A_2 : vector<1x1x10240xf32> to vector<1x10240xf32>
    %get3A_4 = arith.constant 1 : index
    %get3A_5 = arith.constant 0 : index
    %get3A_6 = arith.constant 0 : index
    %get3A_7 = vector.load %arg0[%get3A_4, %get3A_5, %get3A_6] : memref<32x1x10240xf32, #tpu.memory_space<vmem>>, vector<1x1x10240xf32>
    %get3A_8 = vector.shape_cast %get3A_7 : vector<1x1x10240xf32> to vector<1x10240xf32>
    %add3A = arith.addf %get3A_3, %get3A_8 : vector<1x10240xf32>
    %get3A_9 = arith.constant 2 : index
    %get3A_10 = arith.constant 0 : index
    %get3A_11 = arith.constant 0 : index
    %get3A_12 = vector.load %arg0[%get3A_9, %get3A_10, %get3A_11] : memref<32x1x10240xf32, #tpu.memory_space<vmem>>, vector<1x1x10240xf32>
    %get3A_13 = vector.shape_cast %get3A_12 : vector<1x1x10240xf32> to vector<1x10240xf32>
    %add3A_14 = arith.addf %add3A, %get3A_13 : vector<1x10240xf32>
    %get3A_15 = arith.constant 3 : index
    %get3A_16 = arith.constant 0 : index
    %get3A_17 = arith.constant 0 : index
    %get3A_18 = vector.load %arg0[%get3A_15, %get3A_16, %get3A_17] : memref<32x1x10240xf32, #tpu.memory_space<vmem>>, vector<1x1x10240xf32>
    %get3A_19 = vector.shape_cast %get3A_18 : vector<1x1x10240xf32> to vector<1x10240xf32>
    %add3A_20 = arith.addf %add3A_14, %get3A_19 : vector<1x10240xf32>
    %get3A_21 = arith.constant 4 : index
    %get3A_22 = arith.constant 0 : index
    %get3A_23 = arith.constant 0 : index
    %get3A_24 = vector.load %arg0[%get3A_21, %get3A_22, %get3A_23] : memref<32x1x10240xf32, #tpu.memory_space<vmem>>, vector<1x1x10240xf32>
    %get3A_25 = vector.shape_cast %get3A_24 : vector<1x1x10240xf32> to vector<1x10240xf32>
    %add3A_26 = arith.addf %add3A_20, %get3A_25 : vector<1x10240xf32>
    %get3A_27 = arith.constant 5 : index
    %get3A_28 = arith.constant 0 : index
    %get3A_29 = arith.constant 0 : index
    %get3A_30 = vector.load %arg0[%get3A_27, %get3A_28, %get3A_29] : memref<32x1x10240xf32, #tpu.memory_space<vmem>>, vector<1x1x10240xf32>
    %get3A_31 = vector.shape_cast %get3A_30 : vector<1x1x10240xf32> to vector<1x10240xf32>
    %add3A_32 = arith.addf %add3A_26, %get3A_31 : vector<1x10240xf32>
    %get3A_33 = arith.constant 6 : index
    %get3A_34 = arith.constant 0 : index
    %get3A_35 = arith.constant 0 : index
    %get3A_36 = vector.load %arg0[%get3A_33, %get3A_34, %get3A_35] : memref<32x1x10240xf32, #tpu.memory_space<vmem>>, vector<1x1x10240xf32>
    %get3A_37 = vector.shape_cast %get3A_36 : vector<1x1x10240xf32> to vector<1x10240xf32>
    %add3A_38 = arith.addf %add3A_32, %get3A_37 : vector<1x10240xf32>
    %get3A_39 = arith.constant 7 : index
    %get3A_40 = arith.constant 0 : index
    %get3A_41 = arith.constant 0 : index
    %get3A_42 = vector.load %arg0[%get3A_39, %get3A_40, %get3A_41] : memref<32x1x10240xf32, #tpu.memory_space<vmem>>, vector<1x1x10240xf32>
    %get3A_43 = vector.shape_cast %get3A_42 : vector<1x1x10240xf32> to vector<1x10240xf32>
    %add3A_44 = arith.addf %add3A_38, %get3A_43 : vector<1x10240xf32>
    %get3A_45 = arith.constant 8 : index
    %get3A_46 = arith.constant 0 : index
    %get3A_47 = arith.constant 0 : index
    %get3A_48 = vector.load %arg0[%get3A_45, %get3A_46, %get3A_47] : memref<32x1x10240xf32, #tpu.memory_space<vmem>>, vector<1x1x10240xf32>
    %get3A_49 = vector.shape_cast %get3A_48 : vector<1x1x10240xf32> to vector<1x10240xf32>
    %add3A_50 = arith.addf %add3A_44, %get3A_49 : vector<1x10240xf32>
    %get3A_51 = arith.constant 9 : index
    %get3A_52 = arith.constant 0 : index
    %get3A_53 = arith.constant 0 : index
    %get3A_54 = vector.load %arg0[%get3A_51, %get3A_52, %get3A_53] : memref<32x1x10240xf32, #tpu.memory_space<vmem>>, vector<1x1x10240xf32>
    %get3A_55 = vector.shape_cast %get3A_54 : vector<1x1x10240xf32> to vector<1x10240xf32>
    %add3A_56 = arith.addf %add3A_50, %get3A_55 : vector<1x10240xf32>
    %get3A_57 = arith.constant 10 : index
    %get3A_58 = arith.constant 0 : index
    %get3A_59 = arith.constant 0 : index
    %get3A_60 = vector.load %arg0[%get3A_57, %get3A_58, %get3A_59] : memref<32x1x10240xf32, #tpu.memory_space<vmem>>, vector<1x1x10240xf32>
    %get3A_61 = vector.shape_cast %get3A_60 : vector<1x1x10240xf32> to vector<1x10240xf32>
    %add3A_62 = arith.addf %add3A_56, %get3A_61 : vector<1x10240xf32>
    %get3A_63 = arith.constant 11 : index
    %get3A_64 = arith.constant 0 : index
    %get3A_65 = arith.constant 0 : index
    %get3A_66 = vector.load %arg0[%get3A_63, %get3A_64, %get3A_65] : memref<32x1x10240xf32, #tpu.memory_space<vmem>>, vector<1x1x10240xf32>
    %get3A_67 = vector.shape_cast %get3A_66 : vector<1x1x10240xf32> to vector<1x10240xf32>
    %add3A_68 = arith.addf %add3A_62, %get3A_67 : vector<1x10240xf32>
    %get3A_69 = arith.constant 12 : index
    %get3A_70 = arith.constant 0 : index
    %get3A_71 = arith.constant 0 : index
    %get3A_72 = vector.load %arg0[%get3A_69, %get3A_70, %get3A_71] : memref<32x1x10240xf32, #tpu.memory_space<vmem>>, vector<1x1x10240xf32>
    %get3A_73 = vector.shape_cast %get3A_72 : vector<1x1x10240xf32> to vector<1x10240xf32>
    %add3A_74 = arith.addf %add3A_68, %get3A_73 : vector<1x10240xf32>
    %get3A_75 = arith.constant 13 : index
    %get3A_76 = arith.constant 0 : index
    %get3A_77 = arith.constant 0 : index
    %get3A_78 = vector.load %arg0[%get3A_75, %get3A_76, %get3A_77] : memref<32x1x10240xf32, #tpu.memory_space<vmem>>, vector<1x1x10240xf32>
    %get3A_79 = vector.shape_cast %get3A_78 : vector<1x1x10240xf32> to vector<1x10240xf32>
    %add3A_80 = arith.addf %add3A_74, %get3A_79 : vector<1x10240xf32>
    %get3A_81 = arith.constant 14 : index
    %get3A_82 = arith.constant 0 : index
    %get3A_83 = arith.constant 0 : index
    %get3A_84 = vector.load %arg0[%get3A_81, %get3A_82, %get3A_83] : memref<32x1x10240xf32, #tpu.memory_space<vmem>>, vector<1x1x10240xf32>
    %get3A_85 = vector.shape_cast %get3A_84 : vector<1x1x10240xf32> to vector<1x10240xf32>
    %add3A_86 = arith.addf %add3A_80, %get3A_85 : vector<1x10240xf32>
    %get3A_87 = arith.constant 15 : index
    %get3A_88 = arith.constant 0 : index
    %get3A_89 = arith.constant 0 : index
    %get3A_90 = vector.load %arg0[%get3A_87, %get3A_88, %get3A_89] : memref<32x1x10240xf32, #tpu.memory_space<vmem>>, vector<1x1x10240xf32>
    %get3A_91 = vector.shape_cast %get3A_90 : vector<1x1x10240xf32> to vector<1x10240xf32>
    %add3A_92 = arith.addf %add3A_86, %get3A_91 : vector<1x10240xf32>
    %get3A_93 = arith.constant 16 : index
    %get3A_94 = arith.constant 0 : index
    %get3A_95 = arith.constant 0 : index
    %get3A_96 = vector.load %arg0[%get3A_93, %get3A_94, %get3A_95] : memref<32x1x10240xf32, #tpu.memory_space<vmem>>, vector<1x1x10240xf32>
    %get3A_97 = vector.shape_cast %get3A_96 : vector<1x1x10240xf32> to vector<1x10240xf32>
    %add3A_98 = arith.addf %add3A_92, %get3A_97 : vector<1x10240xf32>
    %get3A_99 = arith.constant 17 : index
    %get3A_100 = arith.constant 0 : index
    %get3A_101 = arith.constant 0 : index
    %get3A_102 = vector.load %arg0[%get3A_99, %get3A_100, %get3A_101] : memref<32x1x10240xf32, #tpu.memory_space<vmem>>, vector<1x1x10240xf32>
    %get3A_103 = vector.shape_cast %get3A_102 : vector<1x1x10240xf32> to vector<1x10240xf32>
    %add3A_104 = arith.addf %add3A_98, %get3A_103 : vector<1x10240xf32>
    %get3A_105 = arith.constant 18 : index
    %get3A_106 = arith.constant 0 : index
    %get3A_107 = arith.constant 0 : index
    %get3A_108 = vector.load %arg0[%get3A_105, %get3A_106, %get3A_107] : memref<32x1x10240xf32, #tpu.memory_space<vmem>>, vector<1x1x10240xf32>
    %get3A_109 = vector.shape_cast %get3A_108 : vector<1x1x10240xf32> to vector<1x10240xf32>
    %add3A_110 = arith.addf %add3A_104, %get3A_109 : vector<1x10240xf32>
    %get3A_111 = arith.constant 19 : index
    %get3A_112 = arith.constant 0 : index
    %get3A_113 = arith.constant 0 : index
    %get3A_114 = vector.load %arg0[%get3A_111, %get3A_112, %get3A_113] : memref<32x1x10240xf32, #tpu.memory_space<vmem>>, vector<1x1x10240xf32>
    %get3A_115 = vector.shape_cast %get3A_114 : vector<1x1x10240xf32> to vector<1x10240xf32>
    %add3A_116 = arith.addf %add3A_110, %get3A_115 : vector<1x10240xf32>
    %get3A_117 = arith.constant 20 : index
    %get3A_118 = arith.constant 0 : index
    %get3A_119 = arith.constant 0 : index
    %get3A_120 = vector.load %arg0[%get3A_117, %get3A_118, %get3A_119] : memref<32x1x10240xf32, #tpu.memory_space<vmem>>, vector<1x1x10240xf32>
    %get3A_121 = vector.shape_cast %get3A_120 : vector<1x1x10240xf32> to vector<1x10240xf32>
    %add3A_122 = arith.addf %add3A_116, %get3A_121 : vector<1x10240xf32>
    %get3A_123 = arith.constant 21 : index
    %get3A_124 = arith.constant 0 : index
    %get3A_125 = arith.constant 0 : index
    %get3A_126 = vector.load %arg0[%get3A_123, %get3A_124, %get3A_125] : memref<32x1x10240xf32, #tpu.memory_space<vmem>>, vector<1x1x10240xf32>
    %get3A_127 = vector.shape_cast %get3A_126 : vector<1x1x10240xf32> to vector<1x10240xf32>
    %add3A_128 = arith.addf %add3A_122, %get3A_127 : vector<1x10240xf32>
    %get3A_129 = arith.constant 22 : index
    %get3A_130 = arith.constant 0 : index
    %get3A_131 = arith.constant 0 : index
    %get3A_132 = vector.load %arg0[%get3A_129, %get3A_130, %get3A_131] : memref<32x1x10240xf32, #tpu.memory_space<vmem>>, vector<1x1x10240xf32>
    %get3A_133 = vector.shape_cast %get3A_132 : vector<1x1x10240xf32> to vector<1x10240xf32>
    %add3A_134 = arith.addf %add3A_128, %get3A_133 : vector<1x10240xf32>
    %get3A_135 = arith.constant 23 : index
    %get3A_136 = arith.constant 0 : index
    %get3A_137 = arith.constant 0 : index
    %get3A_138 = vector.load %arg0[%get3A_135, %get3A_136, %get3A_137] : memref<32x1x10240xf32, #tpu.memory_space<vmem>>, vector<1x1x10240xf32>
    %get3A_139 = vector.shape_cast %get3A_138 : vector<1x1x10240xf32> to vector<1x10240xf32>
    %add3A_140 = arith.addf %add3A_134, %get3A_139 : vector<1x10240xf32>
    %get3A_141 = arith.constant 24 : index
    %get3A_142 = arith.constant 0 : index
    %get3A_143 = arith.constant 0 : index
    %get3A_144 = vector.load %arg0[%get3A_141, %get3A_142, %get3A_143] : memref<32x1x10240xf32, #tpu.memory_space<vmem>>, vector<1x1x10240xf32>
    %get3A_145 = vector.shape_cast %get3A_144 : vector<1x1x10240xf32> to vector<1x10240xf32>
    %add3A_146 = arith.addf %add3A_140, %get3A_145 : vector<1x10240xf32>
    %get3A_147 = arith.constant 25 : index
    %get3A_148 = arith.constant 0 : index
    %get3A_149 = arith.constant 0 : index
    %get3A_150 = vector.load %arg0[%get3A_147, %get3A_148, %get3A_149] : memref<32x1x10240xf32, #tpu.memory_space<vmem>>, vector<1x1x10240xf32>
    %get3A_151 = vector.shape_cast %get3A_150 : vector<1x1x10240xf32> to vector<1x10240xf32>
    %add3A_152 = arith.addf %add3A_146, %get3A_151 : vector<1x10240xf32>
    %get3A_153 = arith.constant 26 : index
    %get3A_154 = arith.constant 0 : index
    %get3A_155 = arith.constant 0 : index
    %get3A_156 = vector.load %arg0[%get3A_153, %get3A_154, %get3A_155] : memref<32x1x10240xf32, #tpu.memory_space<vmem>>, vector<1x1x10240xf32>
    %get3A_157 = vector.shape_cast %get3A_156 : vector<1x1x10240xf32> to vector<1x10240xf32>
    %add3A_158 = arith.addf %add3A_152, %get3A_157 : vector<1x10240xf32>
    %get3A_159 = arith.constant 27 : index
    %get3A_160 = arith.constant 0 : index
    %get3A_161 = arith.constant 0 : index
    %get3A_162 = vector.load %arg0[%get3A_159, %get3A_160, %get3A_161] : memref<32x1x10240xf32, #tpu.memory_space<vmem>>, vector<1x1x10240xf32>
    %get3A_163 = vector.shape_cast %get3A_162 : vector<1x1x10240xf32> to vector<1x10240xf32>
    %add3A_164 = arith.addf %add3A_158, %get3A_163 : vector<1x10240xf32>
    %get3A_165 = arith.constant 28 : index
    %get3A_166 = arith.constant 0 : index
    %get3A_167 = arith.constant 0 : index
    %get3A_168 = vector.load %arg0[%get3A_165, %get3A_166, %get3A_167] : memref<32x1x10240xf32, #tpu.memory_space<vmem>>, vector<1x1x10240xf32>
    %get3A_169 = vector.shape_cast %get3A_168 : vector<1x1x10240xf32> to vector<1x10240xf32>
    %add3A_170 = arith.addf %add3A_164, %get3A_169 : vector<1x10240xf32>
    %get3A_171 = arith.constant 29 : index
    %get3A_172 = arith.constant 0 : index
    %get3A_173 = arith.constant 0 : index
    %get3A_174 = vector.load %arg0[%get3A_171, %get3A_172, %get3A_173] : memref<32x1x10240xf32, #tpu.memory_space<vmem>>, vector<1x1x10240xf32>
    %get3A_175 = vector.shape_cast %get3A_174 : vector<1x1x10240xf32> to vector<1x10240xf32>
    %add3A_176 = arith.addf %add3A_170, %get3A_175 : vector<1x10240xf32>
    %get3A_177 = arith.constant 30 : index
    %get3A_178 = arith.constant 0 : index
    %get3A_179 = arith.constant 0 : index
    %get3A_180 = vector.load %arg0[%get3A_177, %get3A_178, %get3A_179] : memref<32x1x10240xf32, #tpu.memory_space<vmem>>, vector<1x1x10240xf32>
    %get3A_181 = vector.shape_cast %get3A_180 : vector<1x1x10240xf32> to vector<1x10240xf32>
    %add3A_182 = arith.addf %add3A_176, %get3A_181 : vector<1x10240xf32>
    %get3A_183 = arith.constant 31 : index
    %get3A_184 = arith.constant 0 : index
    %get3A_185 = arith.constant 0 : index
    %get3A_186 = vector.load %arg0[%get3A_183, %get3A_184, %get3A_185] : memref<32x1x10240xf32, #tpu.memory_space<vmem>>, vector<1x1x10240xf32>
    %get3A_187 = vector.shape_cast %get3A_186 : vector<1x1x10240xf32> to vector<1x10240xf32>
    %add3A_188 = arith.addf %add3A_182, %get3A_187 : vector<1x10240xf32>
    %add3A_189 = arith.constant 1.000000e+00 : f32
    %add3A_190 = vector.broadcast %add3A_189 : f32 to vector<1x10240xf32>
    %add3A_191 = arith.addf %add3A_188, %add3A_190 : vector<1x10240xf32>
    %rsqrt3A = math.rsqrt %add3A_191 : vector<1x10240xf32>
    %get3A_192 = arith.constant 0 : index
    %get3A_193 = arith.constant 0 : index
    %get3A_194 = vector.load %arg2[%get3A_192, %get3A_193] : memref<4x128xf32, #tpu.memory_space<vmem>>, vector<4x128xf32>
    %get3A_195 = arith.constant 0 : index
    %get3A_196 = arith.constant 0 : index
    %get3A_197 = vector.load %arg1[%get3A_195, %get3A_196] : memref<128x10240xf32, #tpu.memory_space<vmem>>, vector<128x10240xf32>
    %dot_general3A = arith.constant dense<0.000000e+00> : vector<4x10240xf32>
    %dot_general3A_198 = tpu.matmul %get3A_194, %get3A_197, %dot_general3A {dimension_numbers = #tpu.dot_dimension_numbers<[1], [0], [0], [1], [0, 0, 1, 1], [], []>, transpose_lhs_hint = false} : vector<4x128xf32>, vector<128x10240xf32>, vector<4x10240xf32> -> vector<4x10240xf32>
    %swap3A = arith.constant 0 : index
    %swap3A_199 = arith.constant 0 : index
    %swap3A_200 = vector.load %arg3[%swap3A, %swap3A_199] : memref<1x10240xf32, #tpu.memory_space<vmem>>, vector<1x10240xf32>
    tpu.vector_store %arg3[%swap3A, %swap3A_199], %rsqrt3A {strides = array<i32>} : memref<1x10240xf32, #tpu.memory_space<vmem>>, vector<1x10240xf32>,
    %swap3A_201 = arith.constant 0 : index
    %swap3A_202 = arith.constant 0 : index
    %swap3A_203 = vector.load %arg4[%swap3A_201, %swap3A_202] : memref<4x10240xf32, #tpu.memory_space<vmem>>, vector<4x10240xf32>
    tpu.vector_store %arg4[%swap3A_201, %swap3A_202], %dot_general3A_198 {strides = array<i32>} : memref<4x10240xf32, #tpu.memory_space<vmem>>, vector<4x10240xf32>,
    %mul3A = vector.broadcast %rsqrt3A : vector<1x10240xf32> to vector<4x10240xf32>
    %mul3A_204 = arith.mulf %mul3A, %dot_general3A_198 : vector<4x10240xf32>
    %swap3A_205 = arith.constant 0 : index
    %swap3A_206 = arith.constant 0 : index
    %swap3A_207 = vector.load %arg5[%swap3A_205, %swap3A_206] : memref<4x10240xf32, #tpu.memory_space<vmem>>, vector<4x10240xf32>
    tpu.vector_store %arg5[%swap3A_205, %swap3A_206], %mul3A_204 {strides = array<i32>} : memref<4x10240xf32, #tpu.memory_space<vmem>>, vector<4x10240xf32>,
    return
  }
}

module attributes {stable_mosaic.version = 14 : i64} {
  func.func @_tc_mid_body(%arg0: memref<32x4x10240xf32, #tpu.memory_space<vmem>>, %arg1: memref<1x10240xf32, #tpu.memory_space<vmem>>, %arg2: memref<4x10240xf32, #tpu.memory_space<vmem>>, %arg3: memref<4x1xf32, #tpu.memory_space<vmem>>, %arg4: memref<4x4xf32, #tpu.memory_space<vmem>>, %arg5: memref<4x10240xf32, #tpu.memory_space<vmem>>, %arg6: memref<4x10240xf32, #tpu.memory_space<vmem>>) attributes {dimension_semantics = [], scalar_prefetch = 0 : i64, scratch_operands = 0 : i64, tpu.core_type = #tpu.core_type<tc>} {
    %get3A = arith.constant 0 : index
    %get3A_0 = arith.constant 0 : index
    %get3A_1 = vector.load %arg1[%get3A, %get3A_0] : memref<1x10240xf32, #tpu.memory_space<vmem>>, vector<1x10240xf32>
    %get3A_2 = arith.constant 0 : index
    %get3A_3 = arith.constant 0 : index
    %get3A_4 = arith.constant 0 : index
    %get3A_5 = vector.load %arg0[%get3A_2, %get3A_3, %get3A_4] : memref<32x4x10240xf32, #tpu.memory_space<vmem>>, vector<1x4x10240xf32>
    %get3A_6 = vector.shape_cast %get3A_5 : vector<1x4x10240xf32> to vector<4x10240xf32>
    %get3A_7 = arith.constant 1 : index
    %get3A_8 = arith.constant 0 : index
    %get3A_9 = arith.constant 0 : index
    %get3A_10 = vector.load %arg0[%get3A_7, %get3A_8, %get3A_9] : memref<32x4x10240xf32, #tpu.memory_space<vmem>>, vector<1x4x10240xf32>
    %get3A_11 = vector.shape_cast %get3A_10 : vector<1x4x10240xf32> to vector<4x10240xf32>
    %add3A = arith.addf %get3A_6, %get3A_11 : vector<4x10240xf32>
    %get3A_12 = arith.constant 2 : index
    %get3A_13 = arith.constant 0 : index
    %get3A_14 = arith.constant 0 : index
    %get3A_15 = vector.load %arg0[%get3A_12, %get3A_13, %get3A_14] : memref<32x4x10240xf32, #tpu.memory_space<vmem>>, vector<1x4x10240xf32>
    %get3A_16 = vector.shape_cast %get3A_15 : vector<1x4x10240xf32> to vector<4x10240xf32>
    %add3A_17 = arith.addf %add3A, %get3A_16 : vector<4x10240xf32>
    %get3A_18 = arith.constant 3 : index
    %get3A_19 = arith.constant 0 : index
    %get3A_20 = arith.constant 0 : index
    %get3A_21 = vector.load %arg0[%get3A_18, %get3A_19, %get3A_20] : memref<32x4x10240xf32, #tpu.memory_space<vmem>>, vector<1x4x10240xf32>
    %get3A_22 = vector.shape_cast %get3A_21 : vector<1x4x10240xf32> to vector<4x10240xf32>
    %add3A_23 = arith.addf %add3A_17, %get3A_22 : vector<4x10240xf32>
    %get3A_24 = arith.constant 4 : index
    %get3A_25 = arith.constant 0 : index
    %get3A_26 = arith.constant 0 : index
    %get3A_27 = vector.load %arg0[%get3A_24, %get3A_25, %get3A_26] : memref<32x4x10240xf32, #tpu.memory_space<vmem>>, vector<1x4x10240xf32>
    %get3A_28 = vector.shape_cast %get3A_27 : vector<1x4x10240xf32> to vector<4x10240xf32>
    %add3A_29 = arith.addf %add3A_23, %get3A_28 : vector<4x10240xf32>
    %get3A_30 = arith.constant 5 : index
    %get3A_31 = arith.constant 0 : index
    %get3A_32 = arith.constant 0 : index
    %get3A_33 = vector.load %arg0[%get3A_30, %get3A_31, %get3A_32] : memref<32x4x10240xf32, #tpu.memory_space<vmem>>, vector<1x4x10240xf32>
    %get3A_34 = vector.shape_cast %get3A_33 : vector<1x4x10240xf32> to vector<4x10240xf32>
    %add3A_35 = arith.addf %add3A_29, %get3A_34 : vector<4x10240xf32>
    %get3A_36 = arith.constant 6 : index
    %get3A_37 = arith.constant 0 : index
    %get3A_38 = arith.constant 0 : index
    %get3A_39 = vector.load %arg0[%get3A_36, %get3A_37, %get3A_38] : memref<32x4x10240xf32, #tpu.memory_space<vmem>>, vector<1x4x10240xf32>
    %get3A_40 = vector.shape_cast %get3A_39 : vector<1x4x10240xf32> to vector<4x10240xf32>
    %add3A_41 = arith.addf %add3A_35, %get3A_40 : vector<4x10240xf32>
    %get3A_42 = arith.constant 7 : index
    %get3A_43 = arith.constant 0 : index
    %get3A_44 = arith.constant 0 : index
    %get3A_45 = vector.load %arg0[%get3A_42, %get3A_43, %get3A_44] : memref<32x4x10240xf32, #tpu.memory_space<vmem>>, vector<1x4x10240xf32>
    %get3A_46 = vector.shape_cast %get3A_45 : vector<1x4x10240xf32> to vector<4x10240xf32>
    %add3A_47 = arith.addf %add3A_41, %get3A_46 : vector<4x10240xf32>
    %get3A_48 = arith.constant 8 : index
    %get3A_49 = arith.constant 0 : index
    %get3A_50 = arith.constant 0 : index
    %get3A_51 = vector.load %arg0[%get3A_48, %get3A_49, %get3A_50] : memref<32x4x10240xf32, #tpu.memory_space<vmem>>, vector<1x4x10240xf32>
    %get3A_52 = vector.shape_cast %get3A_51 : vector<1x4x10240xf32> to vector<4x10240xf32>
    %add3A_53 = arith.addf %add3A_47, %get3A_52 : vector<4x10240xf32>
    %get3A_54 = arith.constant 9 : index
    %get3A_55 = arith.constant 0 : index
    %get3A_56 = arith.constant 0 : index
    %get3A_57 = vector.load %arg0[%get3A_54, %get3A_55, %get3A_56] : memref<32x4x10240xf32, #tpu.memory_space<vmem>>, vector<1x4x10240xf32>
    %get3A_58 = vector.shape_cast %get3A_57 : vector<1x4x10240xf32> to vector<4x10240xf32>
    %add3A_59 = arith.addf %add3A_53, %get3A_58 : vector<4x10240xf32>
    %get3A_60 = arith.constant 10 : index
    %get3A_61 = arith.constant 0 : index
    %get3A_62 = arith.constant 0 : index
    %get3A_63 = vector.load %arg0[%get3A_60, %get3A_61, %get3A_62] : memref<32x4x10240xf32, #tpu.memory_space<vmem>>, vector<1x4x10240xf32>
    %get3A_64 = vector.shape_cast %get3A_63 : vector<1x4x10240xf32> to vector<4x10240xf32>
    %add3A_65 = arith.addf %add3A_59, %get3A_64 : vector<4x10240xf32>
    %get3A_66 = arith.constant 11 : index
    %get3A_67 = arith.constant 0 : index
    %get3A_68 = arith.constant 0 : index
    %get3A_69 = vector.load %arg0[%get3A_66, %get3A_67, %get3A_68] : memref<32x4x10240xf32, #tpu.memory_space<vmem>>, vector<1x4x10240xf32>
    %get3A_70 = vector.shape_cast %get3A_69 : vector<1x4x10240xf32> to vector<4x10240xf32>
    %add3A_71 = arith.addf %add3A_65, %get3A_70 : vector<4x10240xf32>
    %get3A_72 = arith.constant 12 : index
    %get3A_73 = arith.constant 0 : index
    %get3A_74 = arith.constant 0 : index
    %get3A_75 = vector.load %arg0[%get3A_72, %get3A_73, %get3A_74] : memref<32x4x10240xf32, #tpu.memory_space<vmem>>, vector<1x4x10240xf32>
    %get3A_76 = vector.shape_cast %get3A_75 : vector<1x4x10240xf32> to vector<4x10240xf32>
    %add3A_77 = arith.addf %add3A_71, %get3A_76 : vector<4x10240xf32>
    %get3A_78 = arith.constant 13 : index
    %get3A_79 = arith.constant 0 : index
    %get3A_80 = arith.constant 0 : index
    %get3A_81 = vector.load %arg0[%get3A_78, %get3A_79, %get3A_80] : memref<32x4x10240xf32, #tpu.memory_space<vmem>>, vector<1x4x10240xf32>
    %get3A_82 = vector.shape_cast %get3A_81 : vector<1x4x10240xf32> to vector<4x10240xf32>
    %add3A_83 = arith.addf %add3A_77, %get3A_82 : vector<4x10240xf32>
    %get3A_84 = arith.constant 14 : index
    %get3A_85 = arith.constant 0 : index
    %get3A_86 = arith.constant 0 : index
    %get3A_87 = vector.load %arg0[%get3A_84, %get3A_85, %get3A_86] : memref<32x4x10240xf32, #tpu.memory_space<vmem>>, vector<1x4x10240xf32>
    %get3A_88 = vector.shape_cast %get3A_87 : vector<1x4x10240xf32> to vector<4x10240xf32>
    %add3A_89 = arith.addf %add3A_83, %get3A_88 : vector<4x10240xf32>
    %get3A_90 = arith.constant 15 : index
    %get3A_91 = arith.constant 0 : index
    %get3A_92 = arith.constant 0 : index
    %get3A_93 = vector.load %arg0[%get3A_90, %get3A_91, %get3A_92] : memref<32x4x10240xf32, #tpu.memory_space<vmem>>, vector<1x4x10240xf32>
    %get3A_94 = vector.shape_cast %get3A_93 : vector<1x4x10240xf32> to vector<4x10240xf32>
    %add3A_95 = arith.addf %add3A_89, %get3A_94 : vector<4x10240xf32>
    %get3A_96 = arith.constant 16 : index
    %get3A_97 = arith.constant 0 : index
    %get3A_98 = arith.constant 0 : index
    %get3A_99 = vector.load %arg0[%get3A_96, %get3A_97, %get3A_98] : memref<32x4x10240xf32, #tpu.memory_space<vmem>>, vector<1x4x10240xf32>
    %get3A_100 = vector.shape_cast %get3A_99 : vector<1x4x10240xf32> to vector<4x10240xf32>
    %add3A_101 = arith.addf %add3A_95, %get3A_100 : vector<4x10240xf32>
    %get3A_102 = arith.constant 17 : index
    %get3A_103 = arith.constant 0 : index
    %get3A_104 = arith.constant 0 : index
    %get3A_105 = vector.load %arg0[%get3A_102, %get3A_103, %get3A_104] : memref<32x4x10240xf32, #tpu.memory_space<vmem>>, vector<1x4x10240xf32>
    %get3A_106 = vector.shape_cast %get3A_105 : vector<1x4x10240xf32> to vector<4x10240xf32>
    %add3A_107 = arith.addf %add3A_101, %get3A_106 : vector<4x10240xf32>
    %get3A_108 = arith.constant 18 : index
    %get3A_109 = arith.constant 0 : index
    %get3A_110 = arith.constant 0 : index
    %get3A_111 = vector.load %arg0[%get3A_108, %get3A_109, %get3A_110] : memref<32x4x10240xf32, #tpu.memory_space<vmem>>, vector<1x4x10240xf32>
    %get3A_112 = vector.shape_cast %get3A_111 : vector<1x4x10240xf32> to vector<4x10240xf32>
    %add3A_113 = arith.addf %add3A_107, %get3A_112 : vector<4x10240xf32>
    %get3A_114 = arith.constant 19 : index
    %get3A_115 = arith.constant 0 : index
    %get3A_116 = arith.constant 0 : index
    %get3A_117 = vector.load %arg0[%get3A_114, %get3A_115, %get3A_116] : memref<32x4x10240xf32, #tpu.memory_space<vmem>>, vector<1x4x10240xf32>
    %get3A_118 = vector.shape_cast %get3A_117 : vector<1x4x10240xf32> to vector<4x10240xf32>
    %add3A_119 = arith.addf %add3A_113, %get3A_118 : vector<4x10240xf32>
    %get3A_120 = arith.constant 20 : index
    %get3A_121 = arith.constant 0 : index
    %get3A_122 = arith.constant 0 : index
    %get3A_123 = vector.load %arg0[%get3A_120, %get3A_121, %get3A_122] : memref<32x4x10240xf32, #tpu.memory_space<vmem>>, vector<1x4x10240xf32>
    %get3A_124 = vector.shape_cast %get3A_123 : vector<1x4x10240xf32> to vector<4x10240xf32>
    %add3A_125 = arith.addf %add3A_119, %get3A_124 : vector<4x10240xf32>
    %get3A_126 = arith.constant 21 : index
    %get3A_127 = arith.constant 0 : index
    %get3A_128 = arith.constant 0 : index
    %get3A_129 = vector.load %arg0[%get3A_126, %get3A_127, %get3A_128] : memref<32x4x10240xf32, #tpu.memory_space<vmem>>, vector<1x4x10240xf32>
    %get3A_130 = vector.shape_cast %get3A_129 : vector<1x4x10240xf32> to vector<4x10240xf32>
    %add3A_131 = arith.addf %add3A_125, %get3A_130 : vector<4x10240xf32>
    %get3A_132 = arith.constant 22 : index
    %get3A_133 = arith.constant 0 : index
    %get3A_134 = arith.constant 0 : index
    %get3A_135 = vector.load %arg0[%get3A_132, %get3A_133, %get3A_134] : memref<32x4x10240xf32, #tpu.memory_space<vmem>>, vector<1x4x10240xf32>
    %get3A_136 = vector.shape_cast %get3A_135 : vector<1x4x10240xf32> to vector<4x10240xf32>
    %add3A_137 = arith.addf %add3A_131, %get3A_136 : vector<4x10240xf32>
    %get3A_138 = arith.constant 23 : index
    %get3A_139 = arith.constant 0 : index
    %get3A_140 = arith.constant 0 : index
    %get3A_141 = vector.load %arg0[%get3A_138, %get3A_139, %get3A_140] : memref<32x4x10240xf32, #tpu.memory_space<vmem>>, vector<1x4x10240xf32>
    %get3A_142 = vector.shape_cast %get3A_141 : vector<1x4x10240xf32> to vector<4x10240xf32>
    %add3A_143 = arith.addf %add3A_137, %get3A_142 : vector<4x10240xf32>
    %get3A_144 = arith.constant 24 : index
    %get3A_145 = arith.constant 0 : index
    %get3A_146 = arith.constant 0 : index
    %get3A_147 = vector.load %arg0[%get3A_144, %get3A_145, %get3A_146] : memref<32x4x10240xf32, #tpu.memory_space<vmem>>, vector<1x4x10240xf32>
    %get3A_148 = vector.shape_cast %get3A_147 : vector<1x4x10240xf32> to vector<4x10240xf32>
    %add3A_149 = arith.addf %add3A_143, %get3A_148 : vector<4x10240xf32>
    %get3A_150 = arith.constant 25 : index
    %get3A_151 = arith.constant 0 : index
    %get3A_152 = arith.constant 0 : index
    %get3A_153 = vector.load %arg0[%get3A_150, %get3A_151, %get3A_152] : memref<32x4x10240xf32, #tpu.memory_space<vmem>>, vector<1x4x10240xf32>
    %get3A_154 = vector.shape_cast %get3A_153 : vector<1x4x10240xf32> to vector<4x10240xf32>
    %add3A_155 = arith.addf %add3A_149, %get3A_154 : vector<4x10240xf32>
    %get3A_156 = arith.constant 26 : index
    %get3A_157 = arith.constant 0 : index
    %get3A_158 = arith.constant 0 : index
    %get3A_159 = vector.load %arg0[%get3A_156, %get3A_157, %get3A_158] : memref<32x4x10240xf32, #tpu.memory_space<vmem>>, vector<1x4x10240xf32>
    %get3A_160 = vector.shape_cast %get3A_159 : vector<1x4x10240xf32> to vector<4x10240xf32>
    %add3A_161 = arith.addf %add3A_155, %get3A_160 : vector<4x10240xf32>
    %get3A_162 = arith.constant 27 : index
    %get3A_163 = arith.constant 0 : index
    %get3A_164 = arith.constant 0 : index
    %get3A_165 = vector.load %arg0[%get3A_162, %get3A_163, %get3A_164] : memref<32x4x10240xf32, #tpu.memory_space<vmem>>, vector<1x4x10240xf32>
    %get3A_166 = vector.shape_cast %get3A_165 : vector<1x4x10240xf32> to vector<4x10240xf32>
    %add3A_167 = arith.addf %add3A_161, %get3A_166 : vector<4x10240xf32>
    %get3A_168 = arith.constant 28 : index
    %get3A_169 = arith.constant 0 : index
    %get3A_170 = arith.constant 0 : index
    %get3A_171 = vector.load %arg0[%get3A_168, %get3A_169, %get3A_170] : memref<32x4x10240xf32, #tpu.memory_space<vmem>>, vector<1x4x10240xf32>
    %get3A_172 = vector.shape_cast %get3A_171 : vector<1x4x10240xf32> to vector<4x10240xf32>
    %add3A_173 = arith.addf %add3A_167, %get3A_172 : vector<4x10240xf32>
    %get3A_174 = arith.constant 29 : index
    %get3A_175 = arith.constant 0 : index
    %get3A_176 = arith.constant 0 : index
    %get3A_177 = vector.load %arg0[%get3A_174, %get3A_175, %get3A_176] : memref<32x4x10240xf32, #tpu.memory_space<vmem>>, vector<1x4x10240xf32>
    %get3A_178 = vector.shape_cast %get3A_177 : vector<1x4x10240xf32> to vector<4x10240xf32>
    %add3A_179 = arith.addf %add3A_173, %get3A_178 : vector<4x10240xf32>
    %get3A_180 = arith.constant 30 : index
    %get3A_181 = arith.constant 0 : index
    %get3A_182 = arith.constant 0 : index
    %get3A_183 = vector.load %arg0[%get3A_180, %get3A_181, %get3A_182] : memref<32x4x10240xf32, #tpu.memory_space<vmem>>, vector<1x4x10240xf32>
    %get3A_184 = vector.shape_cast %get3A_183 : vector<1x4x10240xf32> to vector<4x10240xf32>
    %add3A_185 = arith.addf %add3A_179, %get3A_184 : vector<4x10240xf32>
    %get3A_186 = arith.constant 31 : index
    %get3A_187 = arith.constant 0 : index
    %get3A_188 = arith.constant 0 : index
    %get3A_189 = vector.load %arg0[%get3A_186, %get3A_187, %get3A_188] : memref<32x4x10240xf32, #tpu.memory_space<vmem>>, vector<1x4x10240xf32>
    %get3A_190 = vector.shape_cast %get3A_189 : vector<1x4x10240xf32> to vector<4x10240xf32>
    %add3A_191 = arith.addf %add3A_185, %get3A_190 : vector<4x10240xf32>
    %mul3A = vector.broadcast %get3A_1 : vector<1x10240xf32> to vector<4x10240xf32>
    %mul3A_192 = arith.mulf %mul3A, %add3A_191 : vector<4x10240xf32>
    %mul3A_193 = arith.mulf %get3A_1, %get3A_1 : vector<1x10240xf32>
    %get3A_194 = arith.constant 0 : index
    %get3A_195 = arith.constant 0 : index
    %get3A_196 = vector.load %arg2[%get3A_194, %get3A_195] : memref<4x10240xf32, #tpu.memory_space<vmem>>, vector<4x10240xf32>
    %mul3A_197 = vector.broadcast %mul3A_193 : vector<1x10240xf32> to vector<4x10240xf32>
    %mul3A_198 = arith.mulf %mul3A_197, %get3A_196 : vector<4x10240xf32>
    %add3A_199 = arith.addf %mul3A_192, %mul3A_198 : vector<4x10240xf32>
    %get3A_200 = arith.constant 0 : index
    %get3A_201 = arith.constant 0 : index
    %get3A_202 = vector.load %arg3[%get3A_200, %get3A_201] : memref<4x1xf32, #tpu.memory_space<vmem>>, vector<4x1xf32>
    %add3A_203 = vector.broadcast %get3A_202 : vector<4x1xf32> to vector<4x10240xf32>
    %add3A_204 = arith.addf %add3A_199, %add3A_203 : vector<4x10240xf32>
    %tanh3A = math.tanh %add3A_204 : vector<4x10240xf32>
    %get3A_205 = arith.constant 0 : index
    %get3A_206 = arith.constant 0 : index
    %get3A_207 = vector.load %arg4[%get3A_205, %get3A_206] : memref<4x4xf32, #tpu.memory_space<vmem>>, vector<4x4xf32>
    %dot_general3A = arith.constant dense<0.000000e+00> : vector<4x10240xf32>
    %dot_general3A_208 = tpu.matmul %get3A_207, %tanh3A, %dot_general3A {dimension_numbers = #tpu.dot_dimension_numbers<[1], [0], [0], [1], [0, 0, 1, 1], [], []>, transpose_lhs_hint = false} : vector<4x4xf32>, vector<4x10240xf32>, vector<4x10240xf32> -> vector<4x10240xf32>
    %swap3A = arith.constant 0 : index
    %swap3A_209 = arith.constant 0 : index
    %swap3A_210 = vector.load %arg5[%swap3A, %swap3A_209] : memref<4x10240xf32, #tpu.memory_space<vmem>>, vector<4x10240xf32>
    tpu.vector_store %arg5[%swap3A, %swap3A_209], %dot_general3A_208 {strides = array<i32>} : memref<4x10240xf32, #tpu.memory_space<vmem>>, vector<4x10240xf32>,
    %mul3A_211 = vector.broadcast %get3A_1 : vector<1x10240xf32> to vector<4x10240xf32>
    %mul3A_212 = arith.mulf %mul3A_211, %dot_general3A_208 : vector<4x10240xf32>
    %swap3A_213 = arith.constant 0 : index
    %swap3A_214 = arith.constant 0 : index
    %swap3A_215 = vector.load %arg6[%swap3A_213, %swap3A_214] : memref<4x10240xf32, #tpu.memory_space<vmem>>, vector<4x10240xf32>
    tpu.vector_store %arg6[%swap3A_213, %swap3A_214], %mul3A_212 {strides = array<i32>} : memref<4x10240xf32, #tpu.memory_space<vmem>>, vector<4x10240xf32>,
    return
  }
}

module attributes {stable_mosaic.version = 14 : i64} {
  func.func @_tc_mid_body(%arg0: memref<32x4x10240xf32, #tpu.memory_space<vmem>>, %arg1: memref<1x10240xf32, #tpu.memory_space<vmem>>, %arg2: memref<4x10240xf32, #tpu.memory_space<vmem>>, %arg3: memref<4x1xf32, #tpu.memory_space<vmem>>, %arg4: memref<2x4xf32, #tpu.memory_space<vmem>>, %arg5: memref<2x10240xf32, #tpu.memory_space<vmem>>, %arg6: memref<2x10240xf32, #tpu.memory_space<vmem>>) attributes {dimension_semantics = [], scalar_prefetch = 0 : i64, scratch_operands = 0 : i64, tpu.core_type = #tpu.core_type<tc>} {
    %get3A = arith.constant 0 : index
    %get3A_0 = arith.constant 0 : index
    %get3A_1 = vector.load %arg1[%get3A, %get3A_0] : memref<1x10240xf32, #tpu.memory_space<vmem>>, vector<1x10240xf32>
    %get3A_2 = arith.constant 0 : index
    %get3A_3 = arith.constant 0 : index
    %get3A_4 = arith.constant 0 : index
    %get3A_5 = vector.load %arg0[%get3A_2, %get3A_3, %get3A_4] : memref<32x4x10240xf32, #tpu.memory_space<vmem>>, vector<1x4x10240xf32>
    %get3A_6 = vector.shape_cast %get3A_5 : vector<1x4x10240xf32> to vector<4x10240xf32>
    %get3A_7 = arith.constant 1 : index
    %get3A_8 = arith.constant 0 : index
    %get3A_9 = arith.constant 0 : index
    %get3A_10 = vector.load %arg0[%get3A_7, %get3A_8, %get3A_9] : memref<32x4x10240xf32, #tpu.memory_space<vmem>>, vector<1x4x10240xf32>
    %get3A_11 = vector.shape_cast %get3A_10 : vector<1x4x10240xf32> to vector<4x10240xf32>
    %add3A = arith.addf %get3A_6, %get3A_11 : vector<4x10240xf32>
    %get3A_12 = arith.constant 2 : index
    %get3A_13 = arith.constant 0 : index
    %get3A_14 = arith.constant 0 : index
    %get3A_15 = vector.load %arg0[%get3A_12, %get3A_13, %get3A_14] : memref<32x4x10240xf32, #tpu.memory_space<vmem>>, vector<1x4x10240xf32>
    %get3A_16 = vector.shape_cast %get3A_15 : vector<1x4x10240xf32> to vector<4x10240xf32>
    %add3A_17 = arith.addf %add3A, %get3A_16 : vector<4x10240xf32>
    %get3A_18 = arith.constant 3 : index
    %get3A_19 = arith.constant 0 : index
    %get3A_20 = arith.constant 0 : index
    %get3A_21 = vector.load %arg0[%get3A_18, %get3A_19, %get3A_20] : memref<32x4x10240xf32, #tpu.memory_space<vmem>>, vector<1x4x10240xf32>
    %get3A_22 = vector.shape_cast %get3A_21 : vector<1x4x10240xf32> to vector<4x10240xf32>
    %add3A_23 = arith.addf %add3A_17, %get3A_22 : vector<4x10240xf32>
    %get3A_24 = arith.constant 4 : index
    %get3A_25 = arith.constant 0 : index
    %get3A_26 = arith.constant 0 : index
    %get3A_27 = vector.load %arg0[%get3A_24, %get3A_25, %get3A_26] : memref<32x4x10240xf32, #tpu.memory_space<vmem>>, vector<1x4x10240xf32>
    %get3A_28 = vector.shape_cast %get3A_27 : vector<1x4x10240xf32> to vector<4x10240xf32>
    %add3A_29 = arith.addf %add3A_23, %get3A_28 : vector<4x10240xf32>
    %get3A_30 = arith.constant 5 : index
    %get3A_31 = arith.constant 0 : index
    %get3A_32 = arith.constant 0 : index
    %get3A_33 = vector.load %arg0[%get3A_30, %get3A_31, %get3A_32] : memref<32x4x10240xf32, #tpu.memory_space<vmem>>, vector<1x4x10240xf32>
    %get3A_34 = vector.shape_cast %get3A_33 : vector<1x4x10240xf32> to vector<4x10240xf32>
    %add3A_35 = arith.addf %add3A_29, %get3A_34 : vector<4x10240xf32>
    %get3A_36 = arith.constant 6 : index
    %get3A_37 = arith.constant 0 : index
    %get3A_38 = arith.constant 0 : index
    %get3A_39 = vector.load %arg0[%get3A_36, %get3A_37, %get3A_38] : memref<32x4x10240xf32, #tpu.memory_space<vmem>>, vector<1x4x10240xf32>
    %get3A_40 = vector.shape_cast %get3A_39 : vector<1x4x10240xf32> to vector<4x10240xf32>
    %add3A_41 = arith.addf %add3A_35, %get3A_40 : vector<4x10240xf32>
    %get3A_42 = arith.constant 7 : index
    %get3A_43 = arith.constant 0 : index
    %get3A_44 = arith.constant 0 : index
    %get3A_45 = vector.load %arg0[%get3A_42, %get3A_43, %get3A_44] : memref<32x4x10240xf32, #tpu.memory_space<vmem>>, vector<1x4x10240xf32>
    %get3A_46 = vector.shape_cast %get3A_45 : vector<1x4x10240xf32> to vector<4x10240xf32>
    %add3A_47 = arith.addf %add3A_41, %get3A_46 : vector<4x10240xf32>
    %get3A_48 = arith.constant 8 : index
    %get3A_49 = arith.constant 0 : index
    %get3A_50 = arith.constant 0 : index
    %get3A_51 = vector.load %arg0[%get3A_48, %get3A_49, %get3A_50] : memref<32x4x10240xf32, #tpu.memory_space<vmem>>, vector<1x4x10240xf32>
    %get3A_52 = vector.shape_cast %get3A_51 : vector<1x4x10240xf32> to vector<4x10240xf32>
    %add3A_53 = arith.addf %add3A_47, %get3A_52 : vector<4x10240xf32>
    %get3A_54 = arith.constant 9 : index
    %get3A_55 = arith.constant 0 : index
    %get3A_56 = arith.constant 0 : index
    %get3A_57 = vector.load %arg0[%get3A_54, %get3A_55, %get3A_56] : memref<32x4x10240xf32, #tpu.memory_space<vmem>>, vector<1x4x10240xf32>
    %get3A_58 = vector.shape_cast %get3A_57 : vector<1x4x10240xf32> to vector<4x10240xf32>
    %add3A_59 = arith.addf %add3A_53, %get3A_58 : vector<4x10240xf32>
    %get3A_60 = arith.constant 10 : index
    %get3A_61 = arith.constant 0 : index
    %get3A_62 = arith.constant 0 : index
    %get3A_63 = vector.load %arg0[%get3A_60, %get3A_61, %get3A_62] : memref<32x4x10240xf32, #tpu.memory_space<vmem>>, vector<1x4x10240xf32>
    %get3A_64 = vector.shape_cast %get3A_63 : vector<1x4x10240xf32> to vector<4x10240xf32>
    %add3A_65 = arith.addf %add3A_59, %get3A_64 : vector<4x10240xf32>
    %get3A_66 = arith.constant 11 : index
    %get3A_67 = arith.constant 0 : index
    %get3A_68 = arith.constant 0 : index
    %get3A_69 = vector.load %arg0[%get3A_66, %get3A_67, %get3A_68] : memref<32x4x10240xf32, #tpu.memory_space<vmem>>, vector<1x4x10240xf32>
    %get3A_70 = vector.shape_cast %get3A_69 : vector<1x4x10240xf32> to vector<4x10240xf32>
    %add3A_71 = arith.addf %add3A_65, %get3A_70 : vector<4x10240xf32>
    %get3A_72 = arith.constant 12 : index
    %get3A_73 = arith.constant 0 : index
    %get3A_74 = arith.constant 0 : index
    %get3A_75 = vector.load %arg0[%get3A_72, %get3A_73, %get3A_74] : memref<32x4x10240xf32, #tpu.memory_space<vmem>>, vector<1x4x10240xf32>
    %get3A_76 = vector.shape_cast %get3A_75 : vector<1x4x10240xf32> to vector<4x10240xf32>
    %add3A_77 = arith.addf %add3A_71, %get3A_76 : vector<4x10240xf32>
    %get3A_78 = arith.constant 13 : index
    %get3A_79 = arith.constant 0 : index
    %get3A_80 = arith.constant 0 : index
    %get3A_81 = vector.load %arg0[%get3A_78, %get3A_79, %get3A_80] : memref<32x4x10240xf32, #tpu.memory_space<vmem>>, vector<1x4x10240xf32>
    %get3A_82 = vector.shape_cast %get3A_81 : vector<1x4x10240xf32> to vector<4x10240xf32>
    %add3A_83 = arith.addf %add3A_77, %get3A_82 : vector<4x10240xf32>
    %get3A_84 = arith.constant 14 : index
    %get3A_85 = arith.constant 0 : index
    %get3A_86 = arith.constant 0 : index
    %get3A_87 = vector.load %arg0[%get3A_84, %get3A_85, %get3A_86] : memref<32x4x10240xf32, #tpu.memory_space<vmem>>, vector<1x4x10240xf32>
    %get3A_88 = vector.shape_cast %get3A_87 : vector<1x4x10240xf32> to vector<4x10240xf32>
    %add3A_89 = arith.addf %add3A_83, %get3A_88 : vector<4x10240xf32>
    %get3A_90 = arith.constant 15 : index
    %get3A_91 = arith.constant 0 : index
    %get3A_92 = arith.constant 0 : index
    %get3A_93 = vector.load %arg0[%get3A_90, %get3A_91, %get3A_92] : memref<32x4x10240xf32, #tpu.memory_space<vmem>>, vector<1x4x10240xf32>
    %get3A_94 = vector.shape_cast %get3A_93 : vector<1x4x10240xf32> to vector<4x10240xf32>
    %add3A_95 = arith.addf %add3A_89, %get3A_94 : vector<4x10240xf32>
    %get3A_96 = arith.constant 16 : index
    %get3A_97 = arith.constant 0 : index
    %get3A_98 = arith.constant 0 : index
    %get3A_99 = vector.load %arg0[%get3A_96, %get3A_97, %get3A_98] : memref<32x4x10240xf32, #tpu.memory_space<vmem>>, vector<1x4x10240xf32>
    %get3A_100 = vector.shape_cast %get3A_99 : vector<1x4x10240xf32> to vector<4x10240xf32>
    %add3A_101 = arith.addf %add3A_95, %get3A_100 : vector<4x10240xf32>
    %get3A_102 = arith.constant 17 : index
    %get3A_103 = arith.constant 0 : index
    %get3A_104 = arith.constant 0 : index
    %get3A_105 = vector.load %arg0[%get3A_102, %get3A_103, %get3A_104] : memref<32x4x10240xf32, #tpu.memory_space<vmem>>, vector<1x4x10240xf32>
    %get3A_106 = vector.shape_cast %get3A_105 : vector<1x4x10240xf32> to vector<4x10240xf32>
    %add3A_107 = arith.addf %add3A_101, %get3A_106 : vector<4x10240xf32>
    %get3A_108 = arith.constant 18 : index
    %get3A_109 = arith.constant 0 : index
    %get3A_110 = arith.constant 0 : index
    %get3A_111 = vector.load %arg0[%get3A_108, %get3A_109, %get3A_110] : memref<32x4x10240xf32, #tpu.memory_space<vmem>>, vector<1x4x10240xf32>
    %get3A_112 = vector.shape_cast %get3A_111 : vector<1x4x10240xf32> to vector<4x10240xf32>
    %add3A_113 = arith.addf %add3A_107, %get3A_112 : vector<4x10240xf32>
    %get3A_114 = arith.constant 19 : index
    %get3A_115 = arith.constant 0 : index
    %get3A_116 = arith.constant 0 : index
    %get3A_117 = vector.load %arg0[%get3A_114, %get3A_115, %get3A_116] : memref<32x4x10240xf32, #tpu.memory_space<vmem>>, vector<1x4x10240xf32>
    %get3A_118 = vector.shape_cast %get3A_117 : vector<1x4x10240xf32> to vector<4x10240xf32>
    %add3A_119 = arith.addf %add3A_113, %get3A_118 : vector<4x10240xf32>
    %get3A_120 = arith.constant 20 : index
    %get3A_121 = arith.constant 0 : index
    %get3A_122 = arith.constant 0 : index
    %get3A_123 = vector.load %arg0[%get3A_120, %get3A_121, %get3A_122] : memref<32x4x10240xf32, #tpu.memory_space<vmem>>, vector<1x4x10240xf32>
    %get3A_124 = vector.shape_cast %get3A_123 : vector<1x4x10240xf32> to vector<4x10240xf32>
    %add3A_125 = arith.addf %add3A_119, %get3A_124 : vector<4x10240xf32>
    %get3A_126 = arith.constant 21 : index
    %get3A_127 = arith.constant 0 : index
    %get3A_128 = arith.constant 0 : index
    %get3A_129 = vector.load %arg0[%get3A_126, %get3A_127, %get3A_128] : memref<32x4x10240xf32, #tpu.memory_space<vmem>>, vector<1x4x10240xf32>
    %get3A_130 = vector.shape_cast %get3A_129 : vector<1x4x10240xf32> to vector<4x10240xf32>
    %add3A_131 = arith.addf %add3A_125, %get3A_130 : vector<4x10240xf32>
    %get3A_132 = arith.constant 22 : index
    %get3A_133 = arith.constant 0 : index
    %get3A_134 = arith.constant 0 : index
    %get3A_135 = vector.load %arg0[%get3A_132, %get3A_133, %get3A_134] : memref<32x4x10240xf32, #tpu.memory_space<vmem>>, vector<1x4x10240xf32>
    %get3A_136 = vector.shape_cast %get3A_135 : vector<1x4x10240xf32> to vector<4x10240xf32>
    %add3A_137 = arith.addf %add3A_131, %get3A_136 : vector<4x10240xf32>
    %get3A_138 = arith.constant 23 : index
    %get3A_139 = arith.constant 0 : index
    %get3A_140 = arith.constant 0 : index
    %get3A_141 = vector.load %arg0[%get3A_138, %get3A_139, %get3A_140] : memref<32x4x10240xf32, #tpu.memory_space<vmem>>, vector<1x4x10240xf32>
    %get3A_142 = vector.shape_cast %get3A_141 : vector<1x4x10240xf32> to vector<4x10240xf32>
    %add3A_143 = arith.addf %add3A_137, %get3A_142 : vector<4x10240xf32>
    %get3A_144 = arith.constant 24 : index
    %get3A_145 = arith.constant 0 : index
    %get3A_146 = arith.constant 0 : index
    %get3A_147 = vector.load %arg0[%get3A_144, %get3A_145, %get3A_146] : memref<32x4x10240xf32, #tpu.memory_space<vmem>>, vector<1x4x10240xf32>
    %get3A_148 = vector.shape_cast %get3A_147 : vector<1x4x10240xf32> to vector<4x10240xf32>
    %add3A_149 = arith.addf %add3A_143, %get3A_148 : vector<4x10240xf32>
    %get3A_150 = arith.constant 25 : index
    %get3A_151 = arith.constant 0 : index
    %get3A_152 = arith.constant 0 : index
    %get3A_153 = vector.load %arg0[%get3A_150, %get3A_151, %get3A_152] : memref<32x4x10240xf32, #tpu.memory_space<vmem>>, vector<1x4x10240xf32>
    %get3A_154 = vector.shape_cast %get3A_153 : vector<1x4x10240xf32> to vector<4x10240xf32>
    %add3A_155 = arith.addf %add3A_149, %get3A_154 : vector<4x10240xf32>
    %get3A_156 = arith.constant 26 : index
    %get3A_157 = arith.constant 0 : index
    %get3A_158 = arith.constant 0 : index
    %get3A_159 = vector.load %arg0[%get3A_156, %get3A_157, %get3A_158] : memref<32x4x10240xf32, #tpu.memory_space<vmem>>, vector<1x4x10240xf32>
    %get3A_160 = vector.shape_cast %get3A_159 : vector<1x4x10240xf32> to vector<4x10240xf32>
    %add3A_161 = arith.addf %add3A_155, %get3A_160 : vector<4x10240xf32>
    %get3A_162 = arith.constant 27 : index
    %get3A_163 = arith.constant 0 : index
    %get3A_164 = arith.constant 0 : index
    %get3A_165 = vector.load %arg0[%get3A_162, %get3A_163, %get3A_164] : memref<32x4x10240xf32, #tpu.memory_space<vmem>>, vector<1x4x10240xf32>
    %get3A_166 = vector.shape_cast %get3A_165 : vector<1x4x10240xf32> to vector<4x10240xf32>
    %add3A_167 = arith.addf %add3A_161, %get3A_166 : vector<4x10240xf32>
    %get3A_168 = arith.constant 28 : index
    %get3A_169 = arith.constant 0 : index
    %get3A_170 = arith.constant 0 : index
    %get3A_171 = vector.load %arg0[%get3A_168, %get3A_169, %get3A_170] : memref<32x4x10240xf32, #tpu.memory_space<vmem>>, vector<1x4x10240xf32>
    %get3A_172 = vector.shape_cast %get3A_171 : vector<1x4x10240xf32> to vector<4x10240xf32>
    %add3A_173 = arith.addf %add3A_167, %get3A_172 : vector<4x10240xf32>
    %get3A_174 = arith.constant 29 : index
    %get3A_175 = arith.constant 0 : index
    %get3A_176 = arith.constant 0 : index
    %get3A_177 = vector.load %arg0[%get3A_174, %get3A_175, %get3A_176] : memref<32x4x10240xf32, #tpu.memory_space<vmem>>, vector<1x4x10240xf32>
    %get3A_178 = vector.shape_cast %get3A_177 : vector<1x4x10240xf32> to vector<4x10240xf32>
    %add3A_179 = arith.addf %add3A_173, %get3A_178 : vector<4x10240xf32>
    %get3A_180 = arith.constant 30 : index
    %get3A_181 = arith.constant 0 : index
    %get3A_182 = arith.constant 0 : index
    %get3A_183 = vector.load %arg0[%get3A_180, %get3A_181, %get3A_182] : memref<32x4x10240xf32, #tpu.memory_space<vmem>>, vector<1x4x10240xf32>
    %get3A_184 = vector.shape_cast %get3A_183 : vector<1x4x10240xf32> to vector<4x10240xf32>
    %add3A_185 = arith.addf %add3A_179, %get3A_184 : vector<4x10240xf32>
    %get3A_186 = arith.constant 31 : index
    %get3A_187 = arith.constant 0 : index
    %get3A_188 = arith.constant 0 : index
    %get3A_189 = vector.load %arg0[%get3A_186, %get3A_187, %get3A_188] : memref<32x4x10240xf32, #tpu.memory_space<vmem>>, vector<1x4x10240xf32>
    %get3A_190 = vector.shape_cast %get3A_189 : vector<1x4x10240xf32> to vector<4x10240xf32>
    %add3A_191 = arith.addf %add3A_185, %get3A_190 : vector<4x10240xf32>
    %mul3A = vector.broadcast %get3A_1 : vector<1x10240xf32> to vector<4x10240xf32>
    %mul3A_192 = arith.mulf %mul3A, %add3A_191 : vector<4x10240xf32>
    %mul3A_193 = arith.mulf %get3A_1, %get3A_1 : vector<1x10240xf32>
    %get3A_194 = arith.constant 0 : index
    %get3A_195 = arith.constant 0 : index
    %get3A_196 = vector.load %arg2[%get3A_194, %get3A_195] : memref<4x10240xf32, #tpu.memory_space<vmem>>, vector<4x10240xf32>
    %mul3A_197 = vector.broadcast %mul3A_193 : vector<1x10240xf32> to vector<4x10240xf32>
    %mul3A_198 = arith.mulf %mul3A_197, %get3A_196 : vector<4x10240xf32>
    %add3A_199 = arith.addf %mul3A_192, %mul3A_198 : vector<4x10240xf32>
    %get3A_200 = arith.constant 0 : index
    %get3A_201 = arith.constant 0 : index
    %get3A_202 = vector.load %arg3[%get3A_200, %get3A_201] : memref<4x1xf32, #tpu.memory_space<vmem>>, vector<4x1xf32>
    %add3A_203 = vector.broadcast %get3A_202 : vector<4x1xf32> to vector<4x10240xf32>
    %add3A_204 = arith.addf %add3A_199, %add3A_203 : vector<4x10240xf32>
    %tanh3A = math.tanh %add3A_204 : vector<4x10240xf32>
    %get3A_205 = arith.constant 0 : index
    %get3A_206 = arith.constant 0 : index
    %get3A_207 = vector.load %arg4[%get3A_205, %get3A_206] : memref<2x4xf32, #tpu.memory_space<vmem>>, vector<2x4xf32>
    %dot_general3A = arith.constant dense<0.000000e+00> : vector<2x10240xf32>
    %dot_general3A_208 = tpu.matmul %get3A_207, %tanh3A, %dot_general3A {dimension_numbers = #tpu.dot_dimension_numbers<[1], [0], [0], [1], [0, 0, 1, 1], [], []>, transpose_lhs_hint = false} : vector<2x4xf32>, vector<4x10240xf32>, vector<2x10240xf32> -> vector<2x10240xf32>
    %swap3A = arith.constant 0 : index
    %swap3A_209 = arith.constant 0 : index
    %swap3A_210 = vector.load %arg5[%swap3A, %swap3A_209] : memref<2x10240xf32, #tpu.memory_space<vmem>>, vector<2x10240xf32>
    tpu.vector_store %arg5[%swap3A, %swap3A_209], %dot_general3A_208 {strides = array<i32>} : memref<2x10240xf32, #tpu.memory_space<vmem>>, vector<2x10240xf32>,
    %mul3A_211 = vector.broadcast %get3A_1 : vector<1x10240xf32> to vector<2x10240xf32>
    %mul3A_212 = arith.mulf %mul3A_211, %dot_general3A_208 : vector<2x10240xf32>
    %swap3A_213 = arith.constant 0 : index
    %swap3A_214 = arith.constant 0 : index
    %swap3A_215 = vector.load %arg6[%swap3A_213, %swap3A_214] : memref<2x10240xf32, #tpu.memory_space<vmem>>, vector<2x10240xf32>
    tpu.vector_store %arg6[%swap3A_213, %swap3A_214], %mul3A_212 {strides = array<i32>} : memref<2x10240xf32, #tpu.memory_space<vmem>>, vector<2x10240xf32>,
    return
  }
}

module attributes {stable_mosaic.version = 14 : i64} {
  func.func @_tc4_body(%arg0: memref<32x2x10240xf32, #tpu.memory_space<vmem>>, %arg1: memref<1x10240xf32, #tpu.memory_space<vmem>>, %arg2: memref<2x10240xf32, #tpu.memory_space<vmem>>, %arg3: memref<2x1xf32, #tpu.memory_space<vmem>>, %arg4: memref<4x2xf32, #tpu.memory_space<vmem>>, %arg5: memref<4x1xf32, #tpu.memory_space<vmem>>, %arg6: memref<4x10240xf32, #tpu.memory_space<vmem>>, %arg7: memref<2x10240xf32, #tpu.memory_space<vmem>>) attributes {dimension_semantics = [], scalar_prefetch = 0 : i64, scratch_operands = 0 : i64, tpu.core_type = #tpu.core_type<tc>} {
    %get3A = arith.constant 0 : index
    %get3A_0 = arith.constant 0 : index
    %get3A_1 = vector.load %arg1[%get3A, %get3A_0] : memref<1x10240xf32, #tpu.memory_space<vmem>>, vector<1x10240xf32>
    %get3A_2 = arith.constant 0 : index
    %get3A_3 = arith.constant 0 : index
    %get3A_4 = arith.constant 0 : index
    %get3A_5 = vector.load %arg0[%get3A_2, %get3A_3, %get3A_4] : memref<32x2x10240xf32, #tpu.memory_space<vmem>>, vector<1x2x10240xf32>
    %get3A_6 = vector.shape_cast %get3A_5 : vector<1x2x10240xf32> to vector<2x10240xf32>
    %get3A_7 = arith.constant 1 : index
    %get3A_8 = arith.constant 0 : index
    %get3A_9 = arith.constant 0 : index
    %get3A_10 = vector.load %arg0[%get3A_7, %get3A_8, %get3A_9] : memref<32x2x10240xf32, #tpu.memory_space<vmem>>, vector<1x2x10240xf32>
    %get3A_11 = vector.shape_cast %get3A_10 : vector<1x2x10240xf32> to vector<2x10240xf32>
    %add3A = arith.addf %get3A_6, %get3A_11 : vector<2x10240xf32>
    %get3A_12 = arith.constant 2 : index
    %get3A_13 = arith.constant 0 : index
    %get3A_14 = arith.constant 0 : index
    %get3A_15 = vector.load %arg0[%get3A_12, %get3A_13, %get3A_14] : memref<32x2x10240xf32, #tpu.memory_space<vmem>>, vector<1x2x10240xf32>
    %get3A_16 = vector.shape_cast %get3A_15 : vector<1x2x10240xf32> to vector<2x10240xf32>
    %add3A_17 = arith.addf %add3A, %get3A_16 : vector<2x10240xf32>
    %get3A_18 = arith.constant 3 : index
    %get3A_19 = arith.constant 0 : index
    %get3A_20 = arith.constant 0 : index
    %get3A_21 = vector.load %arg0[%get3A_18, %get3A_19, %get3A_20] : memref<32x2x10240xf32, #tpu.memory_space<vmem>>, vector<1x2x10240xf32>
    %get3A_22 = vector.shape_cast %get3A_21 : vector<1x2x10240xf32> to vector<2x10240xf32>
    %add3A_23 = arith.addf %add3A_17, %get3A_22 : vector<2x10240xf32>
    %get3A_24 = arith.constant 4 : index
    %get3A_25 = arith.constant 0 : index
    %get3A_26 = arith.constant 0 : index
    %get3A_27 = vector.load %arg0[%get3A_24, %get3A_25, %get3A_26] : memref<32x2x10240xf32, #tpu.memory_space<vmem>>, vector<1x2x10240xf32>
    %get3A_28 = vector.shape_cast %get3A_27 : vector<1x2x10240xf32> to vector<2x10240xf32>
    %add3A_29 = arith.addf %add3A_23, %get3A_28 : vector<2x10240xf32>
    %get3A_30 = arith.constant 5 : index
    %get3A_31 = arith.constant 0 : index
    %get3A_32 = arith.constant 0 : index
    %get3A_33 = vector.load %arg0[%get3A_30, %get3A_31, %get3A_32] : memref<32x2x10240xf32, #tpu.memory_space<vmem>>, vector<1x2x10240xf32>
    %get3A_34 = vector.shape_cast %get3A_33 : vector<1x2x10240xf32> to vector<2x10240xf32>
    %add3A_35 = arith.addf %add3A_29, %get3A_34 : vector<2x10240xf32>
    %get3A_36 = arith.constant 6 : index
    %get3A_37 = arith.constant 0 : index
    %get3A_38 = arith.constant 0 : index
    %get3A_39 = vector.load %arg0[%get3A_36, %get3A_37, %get3A_38] : memref<32x2x10240xf32, #tpu.memory_space<vmem>>, vector<1x2x10240xf32>
    %get3A_40 = vector.shape_cast %get3A_39 : vector<1x2x10240xf32> to vector<2x10240xf32>
    %add3A_41 = arith.addf %add3A_35, %get3A_40 : vector<2x10240xf32>
    %get3A_42 = arith.constant 7 : index
    %get3A_43 = arith.constant 0 : index
    %get3A_44 = arith.constant 0 : index
    %get3A_45 = vector.load %arg0[%get3A_42, %get3A_43, %get3A_44] : memref<32x2x10240xf32, #tpu.memory_space<vmem>>, vector<1x2x10240xf32>
    %get3A_46 = vector.shape_cast %get3A_45 : vector<1x2x10240xf32> to vector<2x10240xf32>
    %add3A_47 = arith.addf %add3A_41, %get3A_46 : vector<2x10240xf32>
    %get3A_48 = arith.constant 8 : index
    %get3A_49 = arith.constant 0 : index
    %get3A_50 = arith.constant 0 : index
    %get3A_51 = vector.load %arg0[%get3A_48, %get3A_49, %get3A_50] : memref<32x2x10240xf32, #tpu.memory_space<vmem>>, vector<1x2x10240xf32>
    %get3A_52 = vector.shape_cast %get3A_51 : vector<1x2x10240xf32> to vector<2x10240xf32>
    %add3A_53 = arith.addf %add3A_47, %get3A_52 : vector<2x10240xf32>
    %get3A_54 = arith.constant 9 : index
    %get3A_55 = arith.constant 0 : index
    %get3A_56 = arith.constant 0 : index
    %get3A_57 = vector.load %arg0[%get3A_54, %get3A_55, %get3A_56] : memref<32x2x10240xf32, #tpu.memory_space<vmem>>, vector<1x2x10240xf32>
    %get3A_58 = vector.shape_cast %get3A_57 : vector<1x2x10240xf32> to vector<2x10240xf32>
    %add3A_59 = arith.addf %add3A_53, %get3A_58 : vector<2x10240xf32>
    %get3A_60 = arith.constant 10 : index
    %get3A_61 = arith.constant 0 : index
    %get3A_62 = arith.constant 0 : index
    %get3A_63 = vector.load %arg0[%get3A_60, %get3A_61, %get3A_62] : memref<32x2x10240xf32, #tpu.memory_space<vmem>>, vector<1x2x10240xf32>
    %get3A_64 = vector.shape_cast %get3A_63 : vector<1x2x10240xf32> to vector<2x10240xf32>
    %add3A_65 = arith.addf %add3A_59, %get3A_64 : vector<2x10240xf32>
    %get3A_66 = arith.constant 11 : index
    %get3A_67 = arith.constant 0 : index
    %get3A_68 = arith.constant 0 : index
    %get3A_69 = vector.load %arg0[%get3A_66, %get3A_67, %get3A_68] : memref<32x2x10240xf32, #tpu.memory_space<vmem>>, vector<1x2x10240xf32>
    %get3A_70 = vector.shape_cast %get3A_69 : vector<1x2x10240xf32> to vector<2x10240xf32>
    %add3A_71 = arith.addf %add3A_65, %get3A_70 : vector<2x10240xf32>
    %get3A_72 = arith.constant 12 : index
    %get3A_73 = arith.constant 0 : index
    %get3A_74 = arith.constant 0 : index
    %get3A_75 = vector.load %arg0[%get3A_72, %get3A_73, %get3A_74] : memref<32x2x10240xf32, #tpu.memory_space<vmem>>, vector<1x2x10240xf32>
    %get3A_76 = vector.shape_cast %get3A_75 : vector<1x2x10240xf32> to vector<2x10240xf32>
    %add3A_77 = arith.addf %add3A_71, %get3A_76 : vector<2x10240xf32>
    %get3A_78 = arith.constant 13 : index
    %get3A_79 = arith.constant 0 : index
    %get3A_80 = arith.constant 0 : index
    %get3A_81 = vector.load %arg0[%get3A_78, %get3A_79, %get3A_80] : memref<32x2x10240xf32, #tpu.memory_space<vmem>>, vector<1x2x10240xf32>
    %get3A_82 = vector.shape_cast %get3A_81 : vector<1x2x10240xf32> to vector<2x10240xf32>
    %add3A_83 = arith.addf %add3A_77, %get3A_82 : vector<2x10240xf32>
    %get3A_84 = arith.constant 14 : index
    %get3A_85 = arith.constant 0 : index
    %get3A_86 = arith.constant 0 : index
    %get3A_87 = vector.load %arg0[%get3A_84, %get3A_85, %get3A_86] : memref<32x2x10240xf32, #tpu.memory_space<vmem>>, vector<1x2x10240xf32>
    %get3A_88 = vector.shape_cast %get3A_87 : vector<1x2x10240xf32> to vector<2x10240xf32>
    %add3A_89 = arith.addf %add3A_83, %get3A_88 : vector<2x10240xf32>
    %get3A_90 = arith.constant 15 : index
    %get3A_91 = arith.constant 0 : index
    %get3A_92 = arith.constant 0 : index
    %get3A_93 = vector.load %arg0[%get3A_90, %get3A_91, %get3A_92] : memref<32x2x10240xf32, #tpu.memory_space<vmem>>, vector<1x2x10240xf32>
    %get3A_94 = vector.shape_cast %get3A_93 : vector<1x2x10240xf32> to vector<2x10240xf32>
    %add3A_95 = arith.addf %add3A_89, %get3A_94 : vector<2x10240xf32>
    %get3A_96 = arith.constant 16 : index
    %get3A_97 = arith.constant 0 : index
    %get3A_98 = arith.constant 0 : index
    %get3A_99 = vector.load %arg0[%get3A_96, %get3A_97, %get3A_98] : memref<32x2x10240xf32, #tpu.memory_space<vmem>>, vector<1x2x10240xf32>
    %get3A_100 = vector.shape_cast %get3A_99 : vector<1x2x10240xf32> to vector<2x10240xf32>
    %add3A_101 = arith.addf %add3A_95, %get3A_100 : vector<2x10240xf32>
    %get3A_102 = arith.constant 17 : index
    %get3A_103 = arith.constant 0 : index
    %get3A_104 = arith.constant 0 : index
    %get3A_105 = vector.load %arg0[%get3A_102, %get3A_103, %get3A_104] : memref<32x2x10240xf32, #tpu.memory_space<vmem>>, vector<1x2x10240xf32>
    %get3A_106 = vector.shape_cast %get3A_105 : vector<1x2x10240xf32> to vector<2x10240xf32>
    %add3A_107 = arith.addf %add3A_101, %get3A_106 : vector<2x10240xf32>
    %get3A_108 = arith.constant 18 : index
    %get3A_109 = arith.constant 0 : index
    %get3A_110 = arith.constant 0 : index
    %get3A_111 = vector.load %arg0[%get3A_108, %get3A_109, %get3A_110] : memref<32x2x10240xf32, #tpu.memory_space<vmem>>, vector<1x2x10240xf32>
    %get3A_112 = vector.shape_cast %get3A_111 : vector<1x2x10240xf32> to vector<2x10240xf32>
    %add3A_113 = arith.addf %add3A_107, %get3A_112 : vector<2x10240xf32>
    %get3A_114 = arith.constant 19 : index
    %get3A_115 = arith.constant 0 : index
    %get3A_116 = arith.constant 0 : index
    %get3A_117 = vector.load %arg0[%get3A_114, %get3A_115, %get3A_116] : memref<32x2x10240xf32, #tpu.memory_space<vmem>>, vector<1x2x10240xf32>
    %get3A_118 = vector.shape_cast %get3A_117 : vector<1x2x10240xf32> to vector<2x10240xf32>
    %add3A_119 = arith.addf %add3A_113, %get3A_118 : vector<2x10240xf32>
    %get3A_120 = arith.constant 20 : index
    %get3A_121 = arith.constant 0 : index
    %get3A_122 = arith.constant 0 : index
    %get3A_123 = vector.load %arg0[%get3A_120, %get3A_121, %get3A_122] : memref<32x2x10240xf32, #tpu.memory_space<vmem>>, vector<1x2x10240xf32>
    %get3A_124 = vector.shape_cast %get3A_123 : vector<1x2x10240xf32> to vector<2x10240xf32>
    %add3A_125 = arith.addf %add3A_119, %get3A_124 : vector<2x10240xf32>
    %get3A_126 = arith.constant 21 : index
    %get3A_127 = arith.constant 0 : index
    %get3A_128 = arith.constant 0 : index
    %get3A_129 = vector.load %arg0[%get3A_126, %get3A_127, %get3A_128] : memref<32x2x10240xf32, #tpu.memory_space<vmem>>, vector<1x2x10240xf32>
    %get3A_130 = vector.shape_cast %get3A_129 : vector<1x2x10240xf32> to vector<2x10240xf32>
    %add3A_131 = arith.addf %add3A_125, %get3A_130 : vector<2x10240xf32>
    %get3A_132 = arith.constant 22 : index
    %get3A_133 = arith.constant 0 : index
    %get3A_134 = arith.constant 0 : index
    %get3A_135 = vector.load %arg0[%get3A_132, %get3A_133, %get3A_134] : memref<32x2x10240xf32, #tpu.memory_space<vmem>>, vector<1x2x10240xf32>
    %get3A_136 = vector.shape_cast %get3A_135 : vector<1x2x10240xf32> to vector<2x10240xf32>
    %add3A_137 = arith.addf %add3A_131, %get3A_136 : vector<2x10240xf32>
    %get3A_138 = arith.constant 23 : index
    %get3A_139 = arith.constant 0 : index
    %get3A_140 = arith.constant 0 : index
    %get3A_141 = vector.load %arg0[%get3A_138, %get3A_139, %get3A_140] : memref<32x2x10240xf32, #tpu.memory_space<vmem>>, vector<1x2x10240xf32>
    %get3A_142 = vector.shape_cast %get3A_141 : vector<1x2x10240xf32> to vector<2x10240xf32>
    %add3A_143 = arith.addf %add3A_137, %get3A_142 : vector<2x10240xf32>
    %get3A_144 = arith.constant 24 : index
    %get3A_145 = arith.constant 0 : index
    %get3A_146 = arith.constant 0 : index
    %get3A_147 = vector.load %arg0[%get3A_144, %get3A_145, %get3A_146] : memref<32x2x10240xf32, #tpu.memory_space<vmem>>, vector<1x2x10240xf32>
    %get3A_148 = vector.shape_cast %get3A_147 : vector<1x2x10240xf32> to vector<2x10240xf32>
    %add3A_149 = arith.addf %add3A_143, %get3A_148 : vector<2x10240xf32>
    %get3A_150 = arith.constant 25 : index
    %get3A_151 = arith.constant 0 : index
    %get3A_152 = arith.constant 0 : index
    %get3A_153 = vector.load %arg0[%get3A_150, %get3A_151, %get3A_152] : memref<32x2x10240xf32, #tpu.memory_space<vmem>>, vector<1x2x10240xf32>
    %get3A_154 = vector.shape_cast %get3A_153 : vector<1x2x10240xf32> to vector<2x10240xf32>
    %add3A_155 = arith.addf %add3A_149, %get3A_154 : vector<2x10240xf32>
    %get3A_156 = arith.constant 26 : index
    %get3A_157 = arith.constant 0 : index
    %get3A_158 = arith.constant 0 : index
    %get3A_159 = vector.load %arg0[%get3A_156, %get3A_157, %get3A_158] : memref<32x2x10240xf32, #tpu.memory_space<vmem>>, vector<1x2x10240xf32>
    %get3A_160 = vector.shape_cast %get3A_159 : vector<1x2x10240xf32> to vector<2x10240xf32>
    %add3A_161 = arith.addf %add3A_155, %get3A_160 : vector<2x10240xf32>
    %get3A_162 = arith.constant 27 : index
    %get3A_163 = arith.constant 0 : index
    %get3A_164 = arith.constant 0 : index
    %get3A_165 = vector.load %arg0[%get3A_162, %get3A_163, %get3A_164] : memref<32x2x10240xf32, #tpu.memory_space<vmem>>, vector<1x2x10240xf32>
    %get3A_166 = vector.shape_cast %get3A_165 : vector<1x2x10240xf32> to vector<2x10240xf32>
    %add3A_167 = arith.addf %add3A_161, %get3A_166 : vector<2x10240xf32>
    %get3A_168 = arith.constant 28 : index
    %get3A_169 = arith.constant 0 : index
    %get3A_170 = arith.constant 0 : index
    %get3A_171 = vector.load %arg0[%get3A_168, %get3A_169, %get3A_170] : memref<32x2x10240xf32, #tpu.memory_space<vmem>>, vector<1x2x10240xf32>
    %get3A_172 = vector.shape_cast %get3A_171 : vector<1x2x10240xf32> to vector<2x10240xf32>
    %add3A_173 = arith.addf %add3A_167, %get3A_172 : vector<2x10240xf32>
    %get3A_174 = arith.constant 29 : index
    %get3A_175 = arith.constant 0 : index
    %get3A_176 = arith.constant 0 : index
    %get3A_177 = vector.load %arg0[%get3A_174, %get3A_175, %get3A_176] : memref<32x2x10240xf32, #tpu.memory_space<vmem>>, vector<1x2x10240xf32>
    %get3A_178 = vector.shape_cast %get3A_177 : vector<1x2x10240xf32> to vector<2x10240xf32>
    %add3A_179 = arith.addf %add3A_173, %get3A_178 : vector<2x10240xf32>
    %get3A_180 = arith.constant 30 : index
    %get3A_181 = arith.constant 0 : index
    %get3A_182 = arith.constant 0 : index
    %get3A_183 = vector.load %arg0[%get3A_180, %get3A_181, %get3A_182] : memref<32x2x10240xf32, #tpu.memory_space<vmem>>, vector<1x2x10240xf32>
    %get3A_184 = vector.shape_cast %get3A_183 : vector<1x2x10240xf32> to vector<2x10240xf32>
    %add3A_185 = arith.addf %add3A_179, %get3A_184 : vector<2x10240xf32>
    %get3A_186 = arith.constant 31 : index
    %get3A_187 = arith.constant 0 : index
    %get3A_188 = arith.constant 0 : index
    %get3A_189 = vector.load %arg0[%get3A_186, %get3A_187, %get3A_188] : memref<32x2x10240xf32, #tpu.memory_space<vmem>>, vector<1x2x10240xf32>
    %get3A_190 = vector.shape_cast %get3A_189 : vector<1x2x10240xf32> to vector<2x10240xf32>
    %add3A_191 = arith.addf %add3A_185, %get3A_190 : vector<2x10240xf32>
    %mul3A = vector.broadcast %get3A_1 : vector<1x10240xf32> to vector<2x10240xf32>
    %mul3A_192 = arith.mulf %mul3A, %add3A_191 : vector<2x10240xf32>
    %mul3A_193 = arith.mulf %get3A_1, %get3A_1 : vector<1x10240xf32>
    %get3A_194 = arith.constant 0 : index
    %get3A_195 = arith.constant 0 : index
    %get3A_196 = vector.load %arg2[%get3A_194, %get3A_195] : memref<2x10240xf32, #tpu.memory_space<vmem>>, vector<2x10240xf32>
    %mul3A_197 = vector.broadcast %mul3A_193 : vector<1x10240xf32> to vector<2x10240xf32>
    %mul3A_198 = arith.mulf %mul3A_197, %get3A_196 : vector<2x10240xf32>
    %add3A_199 = arith.addf %mul3A_192, %mul3A_198 : vector<2x10240xf32>
    %get3A_200 = arith.constant 0 : index
    %get3A_201 = arith.constant 0 : index
    %get3A_202 = vector.load %arg3[%get3A_200, %get3A_201] : memref<2x1xf32, #tpu.memory_space<vmem>>, vector<2x1xf32>
    %add3A_203 = vector.broadcast %get3A_202 : vector<2x1xf32> to vector<2x10240xf32>
    %add3A_204 = arith.addf %add3A_199, %add3A_203 : vector<2x10240xf32>
    %swap3A = arith.constant 0 : index
    %swap3A_205 = arith.constant 0 : index
    %swap3A_206 = vector.load %arg7[%swap3A, %swap3A_205] : memref<2x10240xf32, #tpu.memory_space<vmem>>, vector<2x10240xf32>
    tpu.vector_store %arg7[%swap3A, %swap3A_205], %add3A_204 {strides = array<i32>} : memref<2x10240xf32, #tpu.memory_space<vmem>>, vector<2x10240xf32>,
    %get3A_207 = arith.constant 0 : index
    %get3A_208 = arith.constant 0 : index
    %get3A_209 = vector.load %arg4[%get3A_207, %get3A_208] : memref<4x2xf32, #tpu.memory_space<vmem>>, vector<4x2xf32>
    %dot_general3A = arith.constant dense<0.000000e+00> : vector<4x10240xf32>
    %dot_general3A_210 = tpu.matmul %get3A_209, %add3A_204, %dot_general3A {dimension_numbers = #tpu.dot_dimension_numbers<[1], [0], [0], [1], [0, 0, 1, 1], [], []>, transpose_lhs_hint = false} : vector<4x2xf32>, vector<2x10240xf32>, vector<4x10240xf32> -> vector<4x10240xf32>
    %get3A_211 = arith.constant 0 : index
    %get3A_212 = arith.constant 0 : index
    %get3A_213 = vector.load %arg5[%get3A_211, %get3A_212] : memref<4x1xf32, #tpu.memory_space<vmem>>, vector<4x1xf32>
    %add3A_214 = vector.broadcast %get3A_213 : vector<4x1xf32> to vector<4x10240xf32>
    %add3A_215 = arith.addf %dot_general3A_210, %add3A_214 : vector<4x10240xf32>
    %swap3A_216 = arith.constant 0 : index
    %swap3A_217 = arith.constant 0 : index
    %swap3A_218 = vector.load %arg6[%swap3A_216, %swap3A_217] : memref<4x10240xf32, #tpu.memory_space<vmem>>, vector<4x10240xf32>
    tpu.vector_store %arg6[%swap3A_216, %swap3A_217], %add3A_215 {strides = array<i32>} : memref<4x10240xf32, #tpu.memory_space<vmem>>, vector<4x10240xf32>,
    return
  }
}

</mosaic_0001>

<sc_bundles>
// kernel: kernel.10.cloned.1.call-start
scs
__scs_entry_jumppad:
0x0: {  	(pc) =	sbr.rel $0x88, $3  }
0x1: {  	(tag) =	ssettag $0x0;
	lr =	simm.s32 $0x1  }
0x2: {  	[smem:$0x3F97] =	sst lr;
	_ =	strace $0xD0000000  }
0x3: {  	_ = 	snop  }
0x4: {  	_ = 	snop  }
0x5: {  	_ = 	snop  }
0x6: {  	_ = 	snop  }
0x7: {  	_ = 	snop  }
__scs_overlays_trampoline_lowered:
0x8: {  	[smem:$0x3FA6] =	sst s0  }
0x9: {  	[smem:$0x3FA7] =	sst s1  }
0xa: {  	[smem:$0x3FA8] =	sst s2  }
0xb: {  	[smem:$0x3FA9] =	sst s3  }
0xc: {  	[smem:$0x3FAA] =	sst s4  }
0xd: {  	[smem:$0x3FAB] =	sst s5  }
0xe: {  	[smem:$0x3FAC] =	sst s6  }
0xf: {  	[smem:$0x3FAD] =	sst s7  }
0x10: {  	[smem:$0x3FAE] =	sst s8  }
0x11: {  	[smem:$0x3FAF] =	sst s9;
	s0 =	simm.s32 @!p0 $0x0  }
0x12: {  	s1 =	sld [smem:$0x3F95];
	s0 =	simm.s32 @p0 $0x1  }
0x13: {  	[smem:$0x3FB0] =	sst s0;
	s0 =	simm.s32 @!p1 $0x0  }
0x14: {  	s2 =	sld [smem:$0x3F94];
	s0 =	simm.s32 @p1 $0x1  }
0x15: {  	[smem:$0x3FB1] =	sst s0;
	s0 =	simm.s32 @!p2 $0x0  }
0x16: {  	s3 =	sld [smem:$0x3FDB];
	s0 =	simm.s32 @p2 $0x1  }
0x17: {  	s4 =	simm.s32 $0x1BF5;
	[smem:$0x3FB3] =	sst s0  }
0x18: {  	s0 =	sld [smem:$0x3F96];
	_ =	swait.ge [sflag:s4], $0x0  }
0x19: {  	s7 =	sld [smem:$0x3F97]  }
0x1a: {  	s8 =	sadd.s32 $0xFFFFE003, lr  }
0x1b: {  	s9 =	sadd.s32 $0xFFFFFEF7, lr;
	s5 =	simm.s32 $0xFFFFFFFF;
	p2 =	slt.u32 s8, $0xFFFFF086  }
0x1c: {  	p1 =	slt.u32 s9, $0xF7A;
	s5 =	simm.s32 @!p2 $0x0  }
0x1d: {  	s5 =	simm.s32 @p1 $0x1;
	p0 =	seq.s32 s7, s2  }
0x1e: {  	s7 =	smul.u32 @!p0 $0xF7A, s2;
	p2 =	seq.s32 @!p0 s5, $0x0  }
0x1f: {  	s9 =	smul.u32 $0xF7A, s1;
	s8 =	simm.s32 @!p0 $0x1BF5;
	p2 =	por !p2, p0  }
0x20: {  	[sflag:s8] =	ssyncset.s32 @!p0 $0xFFFFF086;
	s6 =	sadd.s32 @!p0 s3, s7;
	s7 =	simm.s32 @!p0 $0x108  }
0x21: {  	s3 =	sadd.s32 s3, s9;
	s6 =	sadd.s32 @!p0 $0x88, s6;
	s7 =	simm.s32 @p2 $0x1082  }
0x22: {  	[simem:s7], [sflag:s8] =	dma.local @!p0 [hbm:s6], $0xF7A  }
0x23: {  	s9 =	sor.u32 $0xD0000000, s2;
	s6 =	simm.s32 $0x108;
	_ =	swait.ge @!p0 [sflag:s8], $0x0  }
0x24: {  	s3 =	sadd.s32 $0x88, s3;
	s6 =	simm.s32 @!p1 $0x1082;
	[sflag:s4] =	ssyncset.s32 $0xFFFFF086  }
0x25: {  	[simem:s6], [sflag:s4] =	dma.local [hbm:s3], $0xF7A  }
0x26: {  	[smem:$0x3F97] =	sst s1;
	(tag) =	ssettag s2;
	_ =	strace s9  }
0x27: {  	s1 =	sld [smem:$0x3FA7]  }
0x28: {  	s2 =	sld [smem:$0x3FA8]  }
0x29: {  	s4 =	sld [smem:$0x3FAA]  }
0x2a: {  	p0 =	seq.s32 s5, $0x0;
	s5 =	sld [smem:$0x3FAB]  }
0x2b: {  	s6 =	sld [smem:$0x3FAC]  }
0x2c: {  	s7 =	sld [smem:$0x3FAD]  }
0x2d: {  	s3 =	simm.s32 $0x108;
	s8 =	sld [smem:$0x3FAE]  }
0x2e: {  	s3 =	simm.s32 @!p0 $0x1082;
	s9 =	sld [smem:$0x3FAF]  }
0x2f: {  	lr =	sadd.s32 s0, s3;
	s0 =	sld [smem:$0x3FA6]  }
0x30: {  	s3 =	sld [smem:$0x3FA9]  }
0x31: {  	[smem:$0x3FB2] =	sst s10  }
0x32: {  	s10 =	sld [smem:$0x3FB0];
	_ =	sdelay $0x3  }
0x33: {  	p0 =	seq.s32 s10, $0x1;
	s10 =	sld [smem:$0x3FB2];
	_ =	sdelay $0x3  }
0x34: {  	[smem:$0x3FB2] =	sst s10  }
0x35: {  	s10 =	sld [smem:$0x3FB1];
	_ =	sdelay $0x3  }
0x36: {  	p1 =	seq.s32 s10, $0x1;
	s10 =	sld [smem:$0x3FB2];
	_ =	sdelay $0x3  }
0x37: {  	[smem:$0x3FB2] =	sst s10  }
0x38: {  	s10 =	sld [smem:$0x3FB3]  }
0x39: {  	_ = 	snop;
	(pc) =	sbr.ind lr, $3  }
0x3a: {  	_ = 	snop  }
0x3b: {  	_ = 	snop  }
0x3c: {  	p2 =	seq.s32 s10, $0x1;
	s10 =	sld [smem:$0x3FB2]  }
0x3d: {  	_ =	shalt  }
0x3e: {  	_ =	shalt  }
0x3f: {  	_ =	shalt  }
0x40: {  	_ =	shalt  }
0x41: {  	_ =	shalt  }
0x42: {  	_ =	shalt  }
0x43: {  	_ =	shalt  }
0x44: {  	_ =	shalt  }
0x45: {  	_ =	shalt  }
0x46: {  	_ =	shalt  }
0x47: {  	_ =	shalt  }
0x48: {  	_ =	shalt  }
0x49: {  	_ =	shalt  }
0x4a: {  	_ =	shalt  }
0x4b: {  	_ =	shalt  }
0x4c: {  	_ =	shalt  }
0x4d: {  	_ =	shalt  }
0x4e: {  	_ =	shalt  }
0x4f: {  	_ =	shalt  }
0x50: {  	_ =	shalt  }
0x51: {  	_ =	shalt  }
0x52: {  	_ =	shalt  }
0x53: {  	_ =	shalt  }
0x54: {  	_ =	shalt  }
0x55: {  	_ =	shalt  }
0x56: {  	_ =	shalt  }
0x57: {  	_ =	shalt  }
0x58: {  	_ =	shalt  }
0x59: {  	_ =	shalt  }
0x5a: {  	_ =	shalt  }
0x5b: {  	_ =	shalt  }
0x5c: {  	_ =	shalt  }
0x5d: {  	_ =	shalt  }
0x5e: {  	_ =	shalt  }
0x5f: {  	_ =	shalt  }
0x60: {  	_ =	shalt  }
0x61: {  	_ =	shalt  }
0x62: {  	_ =	shalt  }
0x63: {  	_ =	shalt  }
0x64: {  	_ =	shalt  }
0x65: {  	_ =	shalt  }
0x66: {  	_ =	shalt  }
0x67: {  	_ =	shalt  }
0x68: {  	_ =	shalt  }
0x69: {  	_ =	shalt  }
0x6a: {  	_ =	shalt  }
0x6b: {  	_ =	shalt  }
0x6c: {  	_ =	shalt  }
0x6d: {  	_ =	shalt  }
0x6e: {  	_ =	shalt  }
0x6f: {  	_ =	shalt  }
0x70: {  	_ =	shalt  }
0x71: {  	_ =	shalt  }
0x72: {  	_ =	shalt  }
0x73: {  	_ =	shalt  }
0x74: {  	_ =	shalt  }
0x75: {  	_ =	shalt  }
0x76: {  	_ =	shalt  }
0x77: {  	_ =	shalt  }
0x78: {  	_ =	shalt  }
0x79: {  	_ =	shalt  }
0x7a: {  	_ =	shalt  }
0x7b: {  	_ =	shalt  }
0x7c: {  	_ =	shalt  }
0x7d: {  	_ =	shalt  }
0x7e: {  	_ =	shalt  }
0x7f: {  	_ =	shalt  }
0x80: {  	_ =	shalt  }
0x81: {  	_ =	shalt  }
0x82: {  	_ =	shalt  }
0x83: {  	_ =	shalt  }
0x84: {  	_ =	shalt  }
0x85: {  	_ =	shalt  }
0x86: {  	_ =	shalt  }
0x87: {  	_ =	shalt  }
.Lfunc_end0:
.L_simem_size_0:
called_computation_lowered:
.L_overlay_start_0:
0x88: {  	s2 =	sld [smem:$0x3FD9]  }
0x89: {  	s3 =	sld [smem:$0x3FFE];
	_ =	sdelay $0x1  }
0x8a: {  	s1 =	srdreg.scid  }
0x8b: {  	s0 =	sand.u32 $0x1, s1  }
0x8c: {  	s16 =	sshll.u32 s0, $0xA;
	s2 =	sadd.s32 s3, s2  }
0x8d: {  	s2 =	sadd.s32 s2, s16  }
0x8e: {  	[smem:$0x3FBE] =	sst s2  }
0x8f: {  	_ = 	snop  }
0x90: {  	(tm) =	ssettm $0x1  }
0x91: {  	s17 =	sld [smem:$0x3FFB];
	_ =	sdelay $0x3  }
0x92: {  	_ =	strace s17  }
0x93: {  	s2 =	sld [smem:$0x3FFC];
	_ =	sdelay $0x3  }
0x94: {  	_ =	strace s2  }
0x95: {  	s2 =	sld [smem:$0x3FFD];
	_ =	sdelay $0x3  }
0x96: {  	_ =	strace s2  }
0x97: {  	_ =	strace $0x8FFFFFFF  }
0x98: {  	s18 =	sld [smem:$0x3FDB];
	_ =	sdelay $0x1  }
0x99: {  	s19 =	simm.s32 $_scs_section_size  }
0x9a: {  	s4 =	simm.s32 $_size__tile_overlayer_lowered;
	s5 =	simm.s32 $_tile_overlayer_lowered  }
0x9b: {  	s22 =	simm.s32 $0x1BFF;
	s21 =	sshll.u32 s5, $0x1;
	s2 =	sadd.s32 s19, s18  }
0x9c: {  	s6 =	simm.s32 $0x0;
	s20 =	sshll.u32 s4, $0x1;
	s4 =	sadd.s32 s21, s2  }
0x9d: {  	[timem:s6], [sflag:s22] =	dma.local [hbm:s4], s20  }
0x9e: {  	_ =	swait.ge [sflag:s22], s20  }
0x9f: {  	s3 =	ssub.s32 $0x0, s20;
	[sflag:s22] =	ssyncset.done $0x0  }
0xa0: {  	[sflag:s22] =	ssyncadd.s32 s3;
	_ =	sdelay $0x1  }
0xa1: {  	s23 =	simm.s32 $0x1B8B  }
0xa2: {  	_ =	swait.ge [sflag:s23], $0x1  }
0xa3: {  	[sflag:s23] =	ssyncset.done $0x0  }
0xa4: {  	s25 =	simm.s32 $0x1B8E;
	s24 =	sld [smem:$0x3FFE];
	[sflag:s23] =	ssyncadd.s32 $0xFFFFFFFF  }
0xa5: {  	s26 =	simm.s32 $execute0_lowered;
	[smem:$0x3FD2] =	sst s25  }
0xa6: {  	s4 =	sshll.u32 s26, $0x1;
	_ =	strace $0x80000046;
	[dreg:$0x1] =	wrdreg $0xFFFFFFFF  }
0xa7: {  	s28 =	simm.s32 $_size_execute0_lowered;
	s2 =	sadd.s32 s2, s4;
	[dreg:$0x0] =	wrdreg $0x0  }
0xa8: {  	s4 =	sshll.u32 s28, $0x1;
	[dreg:$0x2] =	wrdreg s2  }
0xa9: {  	[dreg:$0x3] =	wrdreg s4  }
0xaa: {  	[dreg:$0x4] =	wrdreg $0xC0  }
0xab: {  	_ =	task [dreg:s6], $0x5FFFF  }
0xac: {  	[dreg:$0x1] =	wrdreg $0xFFFFFFFF  }
0xad: {  	[dreg:$0x0] =	wrdreg $0x60  }
0xae: {  	[dreg:$0x2] =	wrdreg s24  }
0xaf: {  	[dreg:$0x3] =	wrdreg $0x9  }
0xb0: {  	_ =	task.clear_ibuf [dreg:s6], $0x4FFFF;
	_ =	strace $0x90000046  }
0xb1: {  	s29 =	simm.s32 $0x9;
	_ =	strace $0x80000048  }
0xb2: {  	_ =	swait.ge [sflag:s29], $0x1  }
0xb3: {  	[sflag:s29] =	ssyncadd.s32 $0xFFFFFFFF  }
0xb4: {  	_ =	strace $0x90000048  }
0xb5: {  	_ =	sfence  }
0xb6: {  	s30 =	sld [smem:$0x0];
	_ =	sdelay $0x2  }
0xb7: {  	s31 =	sshll.u32 s1, $0xD;
	s1 =	sshrl.u32 s1, $0x2  }
0xb8: {  	s3 =	sand.u32 $0x4000, s31;
	s1 =	sadd.s32 s1, s30  }
0xb9: {  	s0 =	sor.u32 s3, s0;
	s1 =	sshll.u32 s1, $0x11  }
0xba: {  	s0 =	sor.u32 s1, s0  }
0xbb: {  	s0 =	sadd.s32 $0x8F2B, s0  }
0xbc: {  	[sflag:s0] =	ssyncadd.remote.s32 $0x1  }
0xbd: {  	_ =	sfence.sel $0xFFFF  }
0xbe: {  	[dreg:$0x0] =	wrdreg $0xFFFFFFFF;
	(pc) =	sbr.abs _section_cstart, $3  }
0xbf: {  	[dreg:$0x1] =	wrdreg $0xFFFFFFFF  }
0xc0: {  	_ =	task.clear_ibuf [dreg:s6], $0x2FFFF;
	_ =	strace $0x9FFFFFFF  }
0xc1: {  	(tm) =	ssettm $0x7FFFFFFF  }
tec
execute0_lowered:
.L_overlay_start_1:
0x0: {  	(tag) =	ssettag $0x1  }
0x1: {  	s3 =	rddreg [dreg:$0x0]  }
0x2: {  	s0 =	rddreg [dreg:$0x1];
	s2 =	simm.s32 $0x0  }
0x3: {  	s1 =	stileid.u32;
	s4 =	srdreg.scid;
	s9 =	simm.s32 $0x1  }
0x4: {  	s10 =	simm.s32 $0x2;
	[smem:$0x7FF] =	sst s2;
	s5 =	sshrl.u32 s1, $0x2  }
0x5: {  	s4 =	sand.u32 $0x1, s4;
	s6 =	sshll.u32 s1, $0x8;
	s7 =	smul.u32 $0x13C00, s5  }
0x6: {  	s8 =	sshll.u32 s4, $0x7;
	s6 =	sand.u32 $0x300, s6;
	s5 =	smul.u32 $0x14000, s5  }
0x7: {  	s11 =	simm.s32 $0x0;
	_ =	strace $0x80000047;
	s6 =	sor.u32 s8, s6  }
0x8: {  	s4 =	ssub.s32 $0x2, s4;
	s7 =	sor.u32 s7, s6;
	s5 =	sor.u32 s5, s6  }
0x9: {  	s31 =	sshrl.u32 s4, $0x1;
	s30 =	sshrl.u32 s7, $0x3;
	s5 =	sshrl.u32 s5, $0x3  }
0xa: {  	s8 =	simm.s32 $0x2800;
	s6 =	sadd.s32 s30, s3;
	s5 =	sadd.s32 s5, s3  }
0xb: {  	s7 =	ssub.s32 s4, s31;
	s3 =	sadd.s32 $0xCA00, s6;
	s4 =	sadd.s32 $0x16800, s5  }
0xc: {  	v0 =	vimm.f32 $0.0e+00;
	v1 =	vimm.f32 $1.000000000e+00;
	s5 =	smax.u32 s7, $0x1;
	s6 =	simm.s32 $0x80;
	s7 =	simm.s32 $0x400  }
.LBB2_1:
0xd: {  	[tilespmem:s8], [sflag:$0x1] =	stream.strided.gather [hbm4b:s3+s6], $0x2780, s7, s6, $0x38;
	[tilespmem:$0x4F80] =	vst v63  }
0xe: {  	s12 =	simm.s32 $0x40  }
0xf: {  	[tilespmem:s12+$0xFFFFFFC0] =	vst v0  }
0x10: {  	[tilespmem:s12+$0x30] =	vst v0  }
0x11: {  	[tilespmem:s12+$0x20] =	vst v0  }
0x12: {  	[tilespmem:s12+$0x10] =	vst v0  }
0x13: {  	[tilespmem:s12+$0x0] =	vst v0  }
0x14: {  	[tilespmem:s12+$0xFFFFFFF0] =	vst v0  }
0x15: {  	s13 =	simm.s32 $0x0;
	[tilespmem:s12+$0xFFFFFFE0] =	vst v0  }
.LBB2_2:
0x16: {  	s13 =	sadd.s32 $0x8, s13;
	[tilespmem:s12+$0xFFFFFFD0] =	vst v0;
	s12 =	sadd.s32 $0x80, s12  }
0x17: {  	[tilespmem:s12+$0xFFFFFFC0] =	vst v0;
	p0 =	slt.u32 s13, $0x278  }
0x18: {  	[tilespmem:s12+$0x30] =	vst v0  }
.Ltmp0:
0x19: {  	[tilespmem:s12+$0x20] =	vst v0;
	(pc) =	sbr.rel @p0 .LBB2_2-.Ltmp0, $4  }
0x1a: {  	[tilespmem:s12+$0x10] =	vst v0  }
0x1b: {  	[tilespmem:s12+$0x0] =	vst v0  }
0x1c: {  	[tilespmem:s12+$0xFFFFFFF0] =	vst v0  }
0x1d: {  	[tilespmem:s12+$0xFFFFFFE0] =	vst v0  }
0x1e: {  	[tilespmem:s12+$0xFFFFFFD0] =	vst v0  }
0x1f: {  	_ =	swait.ge [sflag:s9], $0x2780  }
0x20: {  	[sflag:s9] =	ssyncset.done $0x0  }
0x21: {  	s12 =	simm.s32 $0x2840;
	[sflag:s9] =	ssyncadd.s32 $0xFFFFD880  }
0x22: {  	v3 =	vld [tilespmem:s12+$0xFFFFFFC0]  }
0x23: {  	v4 =	vld [tilespmem:s12+$0x30]  }
0x24: {  	v5 =	vld [tilespmem:s12+$0x20]  }
0x25: {  	v6 =	vld [tilespmem:s12+$0x10]  }
0x26: {  	v7 =	vld [tilespmem:s12+$0x0]  }
0x27: {  	v8 =	vld [tilespmem:s12+$0xFFFFFFF0]  }
0x28: {  	v9 =	vld [tilespmem:s12+$0xFFFFFFE0]  }
0x29: {  	v2 =	vld [tilespmem:s12+$0xFFFFFFD0]  }
0x2a: {  	[tilespmem:v3+s2+$0x0] =	vst.idx.add.f32.msk $0xffff, v1  }
0x2b: {  	[tilespmem:v4+s2+$0x0] =	vst.idx.add.f32.msk $0xffff, v1  }
0x2c: {  	[tilespmem:v5+s2+$0x0] =	vst.idx.add.f32.msk $0xffff, v1  }
0x2d: {  	[tilespmem:v6+s2+$0x0] =	vst.idx.add.f32.msk $0xffff, v1  }
0x2e: {  	[tilespmem:v7+s2+$0x0] =	vst.idx.add.f32.msk $0xffff, v1  }
0x2f: {  	[tilespmem:v8+s2+$0x0] =	vst.idx.add.f32.msk $0xffff, v1  }
0x30: {  	s13 =	simm.s32 $0x0;
	[tilespmem:v9+s2+$0x0] =	vst.idx.add.f32.msk $0xffff, v1  }
.LBB2_4:
0x31: {  	s13 =	sadd.s32 $0x8, s13;
	[tilespmem:v2+s2+$0x0] =	vst.idx.add.f32.msk $0xffff, v1;
	s12 =	sadd.s32 $0x80, s12  }
0x32: {  	v3 =	vld [tilespmem:s12+$0xFFFFFFC0];
	p0 =	slt.u32 s13, $0x270  }
0x33: {  	v4 =	vld [tilespmem:s12+$0x30]  }
0x34: {  	v5 =	vld [tilespmem:s12+$0x20]  }
0x35: {  	v6 =	vld [tilespmem:s12+$0x10]  }
0x36: {  	v7 =	vld [tilespmem:s12+$0x0]  }
0x37: {  	v8 =	vld [tilespmem:s12+$0xFFFFFFF0]  }
0x38: {  	v9 =	vld [tilespmem:s12+$0xFFFFFFE0]  }
0x39: {  	v2 =	vld [tilespmem:s12+$0xFFFFFFD0]  }
0x3a: {  	[tilespmem:v3+s2+$0x0] =	vst.idx.add.f32.msk $0xffff, v1  }
0x3b: {  	[tilespmem:v4+s2+$0x0] =	vst.idx.add.f32.msk $0xffff, v1  }
.Ltmp1:
0x3c: {  	[tilespmem:v5+s2+$0x0] =	vst.idx.add.f32.msk $0xffff, v1;
	(pc) =	sbr.rel @p0 .LBB2_4-.Ltmp1, $4  }
0x3d: {  	[tilespmem:v6+s2+$0x0] =	vst.idx.add.f32.msk $0xffff, v1  }
0x3e: {  	[tilespmem:v7+s2+$0x0] =	vst.idx.add.f32.msk $0xffff, v1  }
0x3f: {  	[tilespmem:v8+s2+$0x0] =	vst.idx.add.f32.msk $0xffff, v1  }
0x40: {  	[tilespmem:v9+s2+$0x0] =	vst.idx.add.f32.msk $0xffff, v1  }
0x41: {  	_ =	sdelay $0x1  }
0x42: {  	s11 =	sadd.s32 $0x1, s11  }
0x43: {  	p0 =	sne.s32 s11, s5  }
.Ltmp2:
0x44: {  	[tilespmem:v2+s2+$0x0] =	vst.idx.add.f32.msk $0xffff, v1;
	(pc) =	sbr.rel @p0 .LBB2_1-.Ltmp2, $4  }
0x45: {  	[hbm4b:s4+s6] =	stream.strided.scatter [tilespmem:s2], [sflag:$0x2], $0x2800, s7, s6, $0x38;
	[tilespmem:$0x4F80] =	vst v63  }
0x46: {  	_ =	swait.ge [sflag:s10], $0x2800  }
0x47: {  	[sflag:s10] =	ssyncset.done $0x0  }
0x48: {  	[sflag:s10] =	ssyncadd.s32 $0xFFFFD800  }
0x49: {  	_ =	sfence.sel $0x180000  }
0x4a: {  	[bflag:$0x0] =	sbarrier.arrive $0xFFFF  }
0x4b: {  	p0 =	sne.s32 s1, $0x0;
	_ =	strace $0x90000047  }
0x4c: {  	s0 =	sadd.s32 @!p0 $0x100000, s0;
	[bflag:$0x2] =	sbarrier.arrive $0xFFFF  }
0x4d: {  	[sflag:s0] =	ssyncadd.tile.s32 @!p0 $0x1;
	_ =	shalt  }
.Lfunc_end2:
_tile_overlayer_lowered:
.L_overlay_start_2:
0x4e: {  	(tag) =	ssettag $0x2  }
0x4f: {  	s0 =	rddreg [dreg:$0x0];
	s2 =	stileid.u32  }
0x50: {  	s1 =	rddreg [dreg:$0x1];
	p0 =	sne.s32 s2, $0x0  }
0x51: {  	s3 =	rddreg [dreg:$0x2];
	[bflag:$0x3] =	sbarrier.arrive $0xFFFF;
	s2 =	simm.s32 @!p0 $0x1C02  }
0x52: {  	[timem:s3], [sflag:s2] =	dma.local @!p0 [hbm:s0], s1  }
0x53: {  	s0 =	simm.s32 @!p0 $0x2  }
0x54: {  	_ =	swait.ge @!p0 [sflag:s0], s1  }
0x55: {  	s1 =	ssub.s32 @!p0 $0x0, s1;
	[sflag:s0] =	ssyncset.done @!p0 $0x0  }
0x56: {  	[sflag:s0] =	ssyncadd.s32 @!p0 s1  }
0x57: {  	[bflag:$0x3] =	sbarrier.arrive $0xFFFF  }
0x58: {  	_ =	shalt  }

// kernel: kernel.13.cloned.1.call-start
scs
__scs_entry_jumppad:
0x0: {  	(pc) =	sbr.rel $0x88, $3  }
0x1: {  	(tag) =	ssettag $0x0;
	lr =	simm.s32 $0x1  }
0x2: {  	[smem:$0x3F97] =	sst lr;
	_ =	strace $0xD0000000  }
0x3: {  	_ = 	snop  }
0x4: {  	_ = 	snop  }
0x5: {  	_ = 	snop  }
0x6: {  	_ = 	snop  }
0x7: {  	_ = 	snop  }
__scs_overlays_trampoline_lowered:
0x8: {  	[smem:$0x3FA6] =	sst s0  }
0x9: {  	[smem:$0x3FA7] =	sst s1  }
0xa: {  	[smem:$0x3FA8] =	sst s2  }
0xb: {  	[smem:$0x3FA9] =	sst s3  }
0xc: {  	[smem:$0x3FAA] =	sst s4  }
0xd: {  	[smem:$0x3FAB] =	sst s5  }
0xe: {  	[smem:$0x3FAC] =	sst s6  }
0xf: {  	[smem:$0x3FAD] =	sst s7  }
0x10: {  	[smem:$0x3FAE] =	sst s8  }
0x11: {  	[smem:$0x3FAF] =	sst s9;
	s0 =	simm.s32 @!p0 $0x0  }
0x12: {  	s1 =	sld [smem:$0x3F95];
	s0 =	simm.s32 @p0 $0x1  }
0x13: {  	[smem:$0x3FB0] =	sst s0;
	s0 =	simm.s32 @!p1 $0x0  }
0x14: {  	s2 =	sld [smem:$0x3F94];
	s0 =	simm.s32 @p1 $0x1  }
0x15: {  	[smem:$0x3FB1] =	sst s0;
	s0 =	simm.s32 @!p2 $0x0  }
0x16: {  	s3 =	sld [smem:$0x3FDB];
	s0 =	simm.s32 @p2 $0x1  }
0x17: {  	s4 =	simm.s32 $0x1BF5;
	[smem:$0x3FB3] =	sst s0  }
0x18: {  	s0 =	sld [smem:$0x3F96];
	_ =	swait.ge [sflag:s4], $0x0  }
0x19: {  	s7 =	sld [smem:$0x3F97]  }
0x1a: {  	s8 =	sadd.s32 $0xFFFFE003, lr  }
0x1b: {  	s9 =	sadd.s32 $0xFFFFFEF7, lr;
	s5 =	simm.s32 $0xFFFFFFFF;
	p2 =	slt.u32 s8, $0xFFFFF086  }
0x1c: {  	p1 =	slt.u32 s9, $0xF7A;
	s5 =	simm.s32 @!p2 $0x0  }
0x1d: {  	s5 =	simm.s32 @p1 $0x1;
	p0 =	seq.s32 s7, s2  }
0x1e: {  	s7 =	smul.u32 @!p0 $0xF7A, s2;
	p2 =	seq.s32 @!p0 s5, $0x0  }
0x1f: {  	s9 =	smul.u32 $0xF7A, s1;
	s8 =	simm.s32 @!p0 $0x1BF5;
	p2 =	por !p2, p0  }
0x20: {  	[sflag:s8] =	ssyncset.s32 @!p0 $0xFFFFF086;
	s6 =	sadd.s32 @!p0 s3, s7;
	s7 =	simm.s32 @!p0 $0x108  }
0x21: {  	s3 =	sadd.s32 s3, s9;
	s6 =	sadd.s32 @!p0 $0x88, s6;
	s7 =	simm.s32 @p2 $0x1082  }
0x22: {  	[simem:s7], [sflag:s8] =	dma.local @!p0 [hbm:s6], $0xF7A  }
0x23: {  	s9 =	sor.u32 $0xD0000000, s2;
	s6 =	simm.s32 $0x108;
	_ =	swait.ge @!p0 [sflag:s8], $0x0  }
0x24: {  	s3 =	sadd.s32 $0x88, s3;
	s6 =	simm.s32 @!p1 $0x1082;
	[sflag:s4] =	ssyncset.s32 $0xFFFFF086  }
0x25: {  	[simem:s6], [sflag:s4] =	dma.local [hbm:s3], $0xF7A  }
0x26: {  	[smem:$0x3F97] =	sst s1;
	(tag) =	ssettag s2;
	_ =	strace s9  }
0x27: {  	s1 =	sld [smem:$0x3FA7]  }
0x28: {  	s2 =	sld [smem:$0x3FA8]  }
0x29: {  	s4 =	sld [smem:$0x3FAA]  }
0x2a: {  	p0 =	seq.s32 s5, $0x0;
	s5 =	sld [smem:$0x3FAB]  }
0x2b: {  	s6 =	sld [smem:$0x3FAC]  }
0x2c: {  	s7 =	sld [smem:$0x3FAD]  }
0x2d: {  	s3 =	simm.s32 $0x108;
	s8 =	sld [smem:$0x3FAE]  }
0x2e: {  	s3 =	simm.s32 @!p0 $0x1082;
	s9 =	sld [smem:$0x3FAF]  }
0x2f: {  	lr =	sadd.s32 s0, s3;
	s0 =	sld [smem:$0x3FA6]  }
0x30: {  	s3 =	sld [smem:$0x3FA9]  }
0x31: {  	[smem:$0x3FB2] =	sst s10  }
0x32: {  	s10 =	sld [smem:$0x3FB0];
	_ =	sdelay $0x3  }
0x33: {  	p0 =	seq.s32 s10, $0x1;
	s10 =	sld [smem:$0x3FB2];
	_ =	sdelay $0x3  }
0x34: {  	[smem:$0x3FB2] =	sst s10  }
0x35: {  	s10 =	sld [smem:$0x3FB1];
	_ =	sdelay $0x3  }
0x36: {  	p1 =	seq.s32 s10, $0x1;
	s10 =	sld [smem:$0x3FB2];
	_ =	sdelay $0x3  }
0x37: {  	[smem:$0x3FB2] =	sst s10  }
0x38: {  	s10 =	sld [smem:$0x3FB3]  }
0x39: {  	_ = 	snop;
	(pc) =	sbr.ind lr, $3  }
0x3a: {  	_ = 	snop  }
0x3b: {  	_ = 	snop  }
0x3c: {  	p2 =	seq.s32 s10, $0x1;
	s10 =	sld [smem:$0x3FB2]  }
0x3d: {  	_ =	shalt  }
0x3e: {  	_ =	shalt  }
0x3f: {  	_ =	shalt  }
0x40: {  	_ =	shalt  }
0x41: {  	_ =	shalt  }
0x42: {  	_ =	shalt  }
0x43: {  	_ =	shalt  }
0x44: {  	_ =	shalt  }
0x45: {  	_ =	shalt  }
0x46: {  	_ =	shalt  }
0x47: {  	_ =	shalt  }
0x48: {  	_ =	shalt  }
0x49: {  	_ =	shalt  }
0x4a: {  	_ =	shalt  }
0x4b: {  	_ =	shalt  }
0x4c: {  	_ =	shalt  }
0x4d: {  	_ =	shalt  }
0x4e: {  	_ =	shalt  }
0x4f: {  	_ =	shalt  }
0x50: {  	_ =	shalt  }
0x51: {  	_ =	shalt  }
0x52: {  	_ =	shalt  }
0x53: {  	_ =	shalt  }
0x54: {  	_ =	shalt  }
0x55: {  	_ =	shalt  }
0x56: {  	_ =	shalt  }
0x57: {  	_ =	shalt  }
0x58: {  	_ =	shalt  }
0x59: {  	_ =	shalt  }
0x5a: {  	_ =	shalt  }
0x5b: {  	_ =	shalt  }
0x5c: {  	_ =	shalt  }
0x5d: {  	_ =	shalt  }
0x5e: {  	_ =	shalt  }
0x5f: {  	_ =	shalt  }
0x60: {  	_ =	shalt  }
0x61: {  	_ =	shalt  }
0x62: {  	_ =	shalt  }
0x63: {  	_ =	shalt  }
0x64: {  	_ =	shalt  }
0x65: {  	_ =	shalt  }
0x66: {  	_ =	shalt  }
0x67: {  	_ =	shalt  }
0x68: {  	_ =	shalt  }
0x69: {  	_ =	shalt  }
0x6a: {  	_ =	shalt  }
0x6b: {  	_ =	shalt  }
0x6c: {  	_ =	shalt  }
0x6d: {  	_ =	shalt  }
0x6e: {  	_ =	shalt  }
0x6f: {  	_ =	shalt  }
0x70: {  	_ =	shalt  }
0x71: {  	_ =	shalt  }
0x72: {  	_ =	shalt  }
0x73: {  	_ =	shalt  }
0x74: {  	_ =	shalt  }
0x75: {  	_ =	shalt  }
0x76: {  	_ =	shalt  }
0x77: {  	_ =	shalt  }
0x78: {  	_ =	shalt  }
0x79: {  	_ =	shalt  }
0x7a: {  	_ =	shalt  }
0x7b: {  	_ =	shalt  }
0x7c: {  	_ =	shalt  }
0x7d: {  	_ =	shalt  }
0x7e: {  	_ =	shalt  }
0x7f: {  	_ =	shalt  }
0x80: {  	_ =	shalt  }
0x81: {  	_ =	shalt  }
0x82: {  	_ =	shalt  }
0x83: {  	_ =	shalt  }
0x84: {  	_ =	shalt  }
0x85: {  	_ =	shalt  }
0x86: {  	_ =	shalt  }
0x87: {  	_ =	shalt  }
.Lfunc_end0:
.L_simem_size_0:
called_computation.1_lowered:
.L_overlay_start_0:
0x88: {  	s2 =	sld [smem:$0x3FD9]  }
0x89: {  	s3 =	sld [smem:$0x3FFE];
	_ =	sdelay $0x1  }
0x8a: {  	s1 =	srdreg.scid  }
0x8b: {  	s0 =	sand.u32 $0x1, s1  }
0x8c: {  	s16 =	sshll.u32 s0, $0xA;
	s2 =	sadd.s32 s3, s2  }
0x8d: {  	s2 =	sadd.s32 s2, s16  }
0x8e: {  	[smem:$0x3FBE] =	sst s2  }
0x8f: {  	_ = 	snop  }
0x90: {  	(tm) =	ssettm $0x1  }
0x91: {  	s17 =	sld [smem:$0x3FFB];
	_ =	sdelay $0x3  }
0x92: {  	_ =	strace s17  }
0x93: {  	s2 =	sld [smem:$0x3FFC];
	_ =	sdelay $0x3  }
0x94: {  	_ =	strace s2  }
0x95: {  	s2 =	sld [smem:$0x3FFD];
	_ =	sdelay $0x3  }
0x96: {  	_ =	strace s2  }
0x97: {  	_ =	strace $0x8FFFFFFF  }
0x98: {  	s18 =	sld [smem:$0x3FDB];
	_ =	sdelay $0x1  }
0x99: {  	s19 =	simm.s32 $_scs_section_size  }
0x9a: {  	s4 =	simm.s32 $_size__tile_overlayer_lowered;
	s5 =	simm.s32 $_tile_overlayer_lowered  }
0x9b: {  	s22 =	simm.s32 $0x1BFF;
	s21 =	sshll.u32 s5, $0x1;
	s2 =	sadd.s32 s19, s18  }
0x9c: {  	s6 =	simm.s32 $0x0;
	s20 =	sshll.u32 s4, $0x1;
	s4 =	sadd.s32 s21, s2  }
0x9d: {  	[timem:s6], [sflag:s22] =	dma.local [hbm:s4], s20  }
0x9e: {  	_ =	swait.ge [sflag:s22], s20  }
0x9f: {  	s3 =	ssub.s32 $0x0, s20;
	[sflag:s22] =	ssyncset.done $0x0  }
0xa0: {  	[sflag:s22] =	ssyncadd.s32 s3;
	_ =	sdelay $0x1  }
0xa1: {  	s23 =	simm.s32 $0x1B8B  }
0xa2: {  	_ =	swait.ge [sflag:s23], $0x1  }
0xa3: {  	[sflag:s23] =	ssyncset.done $0x0  }
0xa4: {  	s25 =	simm.s32 $0x1B8E;
	s24 =	sld [smem:$0x3FFE];
	[sflag:s23] =	ssyncadd.s32 $0xFFFFFFFF  }
0xa5: {  	s26 =	simm.s32 $execute0_lowered;
	[smem:$0x3FD2] =	sst s25  }
0xa6: {  	s4 =	sshll.u32 s26, $0x1;
	_ =	strace $0x80000049;
	[dreg:$0x1] =	wrdreg $0xFFFFFFFF  }
0xa7: {  	s28 =	simm.s32 $_size_execute0_lowered;
	s2 =	sadd.s32 s2, s4;
	[dreg:$0x0] =	wrdreg $0x0  }
0xa8: {  	s4 =	sshll.u32 s28, $0x1;
	[dreg:$0x2] =	wrdreg s2  }
0xa9: {  	[dreg:$0x3] =	wrdreg s4  }
0xaa: {  	[dreg:$0x4] =	wrdreg $0xC0  }
0xab: {  	_ =	task [dreg:s6], $0x5FFFF  }
0xac: {  	[dreg:$0x1] =	wrdreg $0xFFFFFFFF  }
0xad: {  	[dreg:$0x0] =	wrdreg $0x60  }
0xae: {  	[dreg:$0x2] =	wrdreg s24  }
0xaf: {  	[dreg:$0x3] =	wrdreg $0x9  }
0xb0: {  	_ =	task.clear_ibuf [dreg:s6], $0x4FFFF;
	_ =	strace $0x90000049  }
0xb1: {  	s29 =	simm.s32 $0x9;
	_ =	strace $0x8000004B  }
0xb2: {  	_ =	swait.ge [sflag:s29], $0x1  }
0xb3: {  	[sflag:s29] =	ssyncadd.s32 $0xFFFFFFFF  }
0xb4: {  	_ =	strace $0x9000004B  }
0xb5: {  	_ =	sfence  }
0xb6: {  	s30 =	sld [smem:$0x0];
	_ =	sdelay $0x2  }
0xb7: {  	s31 =	sshll.u32 s1, $0xD;
	s1 =	sshrl.u32 s1, $0x2  }
0xb8: {  	s3 =	sand.u32 $0x4000, s31;
	s1 =	sadd.s32 s1, s30  }
0xb9: {  	s0 =	sor.u32 s3, s0;
	s1 =	sshll.u32 s1, $0x11  }
0xba: {  	s0 =	sor.u32 s1, s0  }
0xbb: {  	s0 =	sadd.s32 $0x8F2B, s0  }
0xbc: {  	[sflag:s0] =	ssyncadd.remote.s32 $0x1  }
0xbd: {  	_ =	sfence.sel $0xFFFF  }
0xbe: {  	[dreg:$0x0] =	wrdreg $0xFFFFFFFF;
	(pc) =	sbr.abs _section_cstart, $3  }
0xbf: {  	[dreg:$0x1] =	wrdreg $0xFFFFFFFF  }
0xc0: {  	_ =	task.clear_ibuf [dreg:s6], $0x2FFFF;
	_ =	strace $0x9FFFFFFF  }
0xc1: {  	(tm) =	ssettm $0x7FFFFFFF  }
tec
execute0_lowered:
.L_overlay_start_1:
0x0: {  	(tag) =	ssettag $0x1  }
0x1: {  	s4 =	rddreg [dreg:$0x0]  }
0x2: {  	s0 =	rddreg [dreg:$0x1];
	s2 =	simm.s32 $0x0;
	s1 =	stileid.u32  }
0x3: {  	s3 =	srdreg.scid;
	s10 =	simm.s32 $0x14000;
	s11 =	simm.s32 $0x16780  }
0x4: {  	s12 =	simm.s32 $0x1;
	s13 =	simm.s32 $0xA000;
	s14 =	simm.s32 $0x2  }
0x5: {  	s15 =	simm.s32 $0x0;
	[smem:$0x7FF] =	sst s2;
	s5 =	sshrl.u32 s1, $0x2  }
0x6: {  	s6 =	sand.u32 $0x1, s3;
	s29 =	sshll.u32 s1, $0x8;
	s3 =	sadd.s32 $0x16800, s4  }
0x7: {  	s7 =	smul.u32 $0x13C00, s5;
	s8 =	sshll.u32 s6, $0x7;
	s9 =	sand.u32 $0x300, s29  }
0x8: {  	s5 =	smul.u32 $0x50000, s5;
	s6 =	ssub.s32 $0x2, s6;
	s8 =	sor.u32 s8, s9  }
0x9: {  	_ =	strace $0x8000004A;
	s30 =	sshrl.u32 s6, $0x1;
	s7 =	sor.u32 s7, s8  }
0xa: {  	s9 =	simm.s32 $0x400;
	s5 =	sor.u32 s5, s8;
	s7 =	sshrl.u32 s7, $0x3  }
0xb: {  	s8 =	ssub.s32 s6, s30;
	s5 =	sshrl.u32 s5, $0x3;
	s7 =	sadd.s32 s7, s4  }
0xc: {  	s31 =	sadd.s32 s5, s4;
	s4 =	sadd.s32 $0x2C00, s7;
	s5 =	sadd.s32 $0xCA00, s7  }
0xd: {  	v0 =	vimm.f32 $0.0e+00;
	s6 =	sadd.s32 $0x17C00, s31;
	s7 =	smax.u32 s8, $0x1;
	s8 =	simm.s32 $0x80  }
.LBB2_1:
0xe: {  	[tilespmem:s2], [sflag:$0x1] =	stream.linear.gather [hbm4b:s3+s2], $0xA000, $0x38;
	[tilespmem:$0x18F00] =	vst v63  }
0xf: {  	_ = 	snop  }
0x10: {  	[tilespmem:s10], [sflag:$0x1] =	stream.strided.gather [hbm4b:s4+s8], $0x2780, s9, s8, $0x38;
	[tilespmem:$0x18F00] =	vst v63  }
0x11: {  	s16 =	simm.s32 $0xA040  }
0x12: {  	[tilespmem:s11], [sflag:$0x1] =	stream.strided.gather [hbm4b:s5+s8], $0x2780, s9, s8, $0x38;
	[tilespmem:$0x18F00] =	vst v63  }
0x13: {  	[tilespmem:s16+$0xFFFFFFC0] =	vst v0  }
0x14: {  	[tilespmem:s16+$0x30] =	vst v0  }
0x15: {  	[tilespmem:s16+$0x20] =	vst v0  }
0x16: {  	[tilespmem:s16+$0x10] =	vst v0  }
0x17: {  	[tilespmem:s16+$0x0] =	vst v0  }
0x18: {  	[tilespmem:s16+$0xFFFFFFF0] =	vst v0  }
0x19: {  	s17 =	simm.s32 $0x0;
	[tilespmem:s16+$0xFFFFFFE0] =	vst v0  }
.LBB2_2:
0x1a: {  	s17 =	sadd.s32 $0x8, s17;
	[tilespmem:s16+$0xFFFFFFD0] =	vst v0;
	s16 =	sadd.s32 $0x80, s16  }
0x1b: {  	[tilespmem:s16+$0xFFFFFFC0] =	vst v0;
	p0 =	slt.u32 s17, $0x9F8  }
0x1c: {  	[tilespmem:s16+$0x30] =	vst v0  }
.Ltmp0:
0x1d: {  	[tilespmem:s16+$0x20] =	vst v0;
	(pc) =	sbr.rel @p0 .LBB2_2-.Ltmp0, $4  }
0x1e: {  	[tilespmem:s16+$0x10] =	vst v0  }
0x1f: {  	[tilespmem:s16+$0x0] =	vst v0  }
0x20: {  	[tilespmem:s16+$0xFFFFFFF0] =	vst v0  }
0x21: {  	[tilespmem:s16+$0xFFFFFFE0] =	vst v0  }
0x22: {  	[tilespmem:s16+$0xFFFFFFD0] =	vst v0  }
0x23: {  	_ =	swait.ge [sflag:s12], $0xA000  }
0x24: {  	[sflag:s12] =	ssyncset.done $0x0  }
0x25: {  	[sflag:s12] =	ssyncadd.s32 $0xFFFF6000  }
0x26: {  	_ =	swait.ge [sflag:s12], $0x2780  }
0x27: {  	[sflag:s12] =	ssyncset.done $0x0  }
0x28: {  	[sflag:s12] =	ssyncadd.s32 $0xFFFFD880  }
0x29: {  	_ =	swait.ge [sflag:s12], $0x2780  }
0x2a: {  	[sflag:s12] =	ssyncset.done $0x0  }
0x2b: {  	s17 =	simm.s32 $0x14040;
	[sflag:s12] =	ssyncadd.s32 $0xFFFFD880  }
0x2c: {  	v1 =	vld [tilespmem:s17+$0x30]  }
0x2d: {  	v2 =	vld [tilespmem:s17+$0xFFFFFFD0]  }
0x2e: {  	v3 =	vld [tilespmem:s17+$0xFFFFFFE0]  }
0x2f: {  	v4 =	vld [tilespmem:s17+$0xFFFFFFF0]  }
0x30: {  	v5 =	vld [tilespmem:s17+$0x0]  }
0x31: {  	s16 =	simm.s32 $0x167C0;
	v6 =	vld [tilespmem:s17+$0x10]  }
0x32: {  	v7 =	vld [tilespmem:s16+$0x30]  }
0x33: {  	v8 =	vld [tilespmem:s17+$0x20]  }
0x34: {  	v10 =	vld [tilespmem:s17+$0xFFFFFFC0]  }
0x35: {  	v20 =	vld [tilespmem:s16+$0xFFFFFFC0]  }
0x36: {  	v21 =	vld [tilespmem:s16+$0xFFFFFFD0]  }
0x37: {  	v63 =	vld [tilespmem:s16+$0xFFFFFFE0]  }
0x38: {  	v22 =	vld [tilespmem:s16+$0xFFFFFFF0]  }
0x39: {  	v23 =	vld [tilespmem:s16+$0x0]  }
0x3a: {  	v24 =	vld [tilespmem:s16+$0x10]  }
0x3b: {  	v25 =	vld [tilespmem:s16+$0x20]  }
0x3c: {  	v9 =	vld.idx.msk [tilespmem:v1+s2+$0x0], $0xffff  }
0x3d: {  	v11 =	vld.idx.msk [tilespmem:v2+s2+$0x0], $0xffff  }
0x3e: {  	v13 =	vld.idx.msk [tilespmem:v3+s2+$0x0], $0xffff  }
0x3f: {  	v14 =	vld.idx.msk [tilespmem:v4+s2+$0x0], $0xffff  }
0x40: {  	v17 =	vld.idx.msk [tilespmem:v10+s2+$0x0], $0xffff  }
0x41: {  	v15 =	vld.idx.msk [tilespmem:v5+s2+$0x0], $0xffff  }
0x42: {  	v62 =	vld.idx.msk [tilespmem:v6+s2+$0x0], $0xffff  }
0x43: {  	v19 =	vld.idx.msk [tilespmem:v8+s2+$0x0], $0xffff  }
0x44: {  	[tilespmem:v7+s13+$0x0] =	vst.idx.add.f32.msk $0xffff, v9  }
0x45: {  	v12 =	vadd.s32 $0x2800, v1;
	[tilespmem:v20+s13+$0x0] =	vst.idx.add.f32.msk $0xffff, v17  }
0x46: {  	[tilespmem:v21+s13+$0x0] =	vst.idx.add.f32.msk $0xffff, v11  }
0x47: {  	[tilespmem:v63+s13+$0x0] =	vst.idx.add.f32.msk $0xffff, v13  }
0x48: {  	v30 =	vadd.s32 $0x2800, v2;
	[tilespmem:v22+s13+$0x0] =	vst.idx.add.f32.msk $0xffff, v14  }
0x49: {  	v31 =	vadd.s32 $0x2800, v3;
	[tilespmem:v23+s13+$0x0] =	vst.idx.add.f32.msk $0xffff, v15  }
0x4a: {  	v16 =	vadd.s32 $0x2800, v7;
	v9 =	vld.idx.msk [tilespmem:v12+s2+$0x0], $0xffff  }
0x4b: {  	v18 =	vadd.s32 $0x5000, v1;
	[tilespmem:v24+s13+$0x0] =	vst.idx.add.f32.msk $0xffff, v62  }
0x4c: {  	v33 =	vadd.s32 $0x2800, v6;
	[tilespmem:v25+s13+$0x0] =	vst.idx.add.f32.msk $0xffff, v19  }
0x4d: {  	v34 =	vadd.s32 $0x2800, v8;
	v11 =	vld.idx.msk [tilespmem:v30+s2+$0x0], $0xffff  }
0x4e: {  	v36 =	vadd.s32 $0x2800, v21;
	v13 =	vld.idx.msk [tilespmem:v31+s2+$0x0], $0xffff  }
0x4f: {  	v37 =	vadd.s32 $0x2800, v63;
	[tilespmem:v16+s13+$0x0] =	vst.idx.add.f32.msk $0xffff, v9  }
0x50: {  	v28 =	vadd.s32 $0x5000, v7;
	v9 =	vld.idx.msk [tilespmem:v18+s2+$0x0], $0xffff  }
0x51: {  	v1 =	vadd.s32 $0x7800, v1;
	v12 =	vld.idx.msk [tilespmem:v33+s2+$0x0], $0xffff  }
0x52: {  	v27 =	vadd.s32 $0x2800, v24;
	v14 =	vld.idx.msk [tilespmem:v34+s2+$0x0], $0xffff  }
0x53: {  	v41 =	vadd.s32 $0x5000, v2;
	[tilespmem:v36+s13+$0x0] =	vst.idx.add.f32.msk $0xffff, v11  }
0x54: {  	v29 =	vadd.s32 $0x2800, v10;
	[tilespmem:v37+s13+$0x0] =	vst.idx.add.f32.msk $0xffff, v13  }
0x55: {  	v39 =	vadd.s32 $0x2800, v25;
	[tilespmem:v28+s13+$0x0] =	vst.idx.add.f32.msk $0xffff, v9  }
0x56: {  	v7 =	vadd.s32 $0x7800, v7;
	v1 =	vld.idx.msk [tilespmem:v1+s2+$0x0], $0xffff  }
0x57: {  	v45 =	vadd.s32 $0x5000, v8;
	[tilespmem:v27+s13+$0x0] =	vst.idx.add.f32.msk $0xffff, v12  }
0x58: {  	v47 =	vadd.s32 $0x5000, v21;
	v13 =	vld.idx.msk [tilespmem:v41+s2+$0x0], $0xffff  }
0x59: {  	v35 =	vadd.s32 $0x2800, v20;
	v9 =	vld.idx.msk [tilespmem:v29+s2+$0x0], $0xffff  }
0x5a: {  	v44 =	vadd.s32 $0x5000, v6;
	[tilespmem:v39+s13+$0x0] =	vst.idx.add.f32.msk $0xffff, v14  }
0x5b: {  	[tilespmem:v7+s13+$0x0] =	vst.idx.add.f32.msk $0xffff, v1;
	v1 =	vadd.s32 $0x2800, v4  }
0x5c: {  	v32 =	vadd.s32 $0x2800, v5;
	v14 =	vld.idx.msk [tilespmem:v45+s2+$0x0], $0xffff  }
0x5d: {  	v40 =	vadd.s32 $0x5000, v10;
	[tilespmem:v47+s13+$0x0] =	vst.idx.add.f32.msk $0xffff, v13  }
0x5e: {  	v52 =	vadd.s32 $0x5000, v25;
	[tilespmem:v35+s13+$0x0] =	vst.idx.add.f32.msk $0xffff, v9  }
0x5f: {  	v51 =	vadd.s32 $0x5000, v24;
	v9 =	vld.idx.msk [tilespmem:v44+s2+$0x0], $0xffff  }
0x60: {  	v38 =	vadd.s32 $0x2800, v22;
	v1 =	vld.idx.msk [tilespmem:v1+s2+$0x0], $0xffff  }
0x61: {  	v26 =	vadd.s32 $0x2800, v23;
	v7 =	vld.idx.msk [tilespmem:v32+s2+$0x0], $0xffff  }
0x62: {  	v46 =	vadd.s32 $0x5000, v20;
	v11 =	vld.idx.msk [tilespmem:v40+s2+$0x0], $0xffff  }
0x63: {  	v54 =	vadd.s32 $0x7800, v6;
	[tilespmem:v52+s13+$0x0] =	vst.idx.add.f32.msk $0xffff, v14  }
0x64: {  	v43 =	vadd.s32 $0x5000, v5;
	[tilespmem:v51+s13+$0x0] =	vst.idx.add.f32.msk $0xffff, v9  }
0x65: {  	[tilespmem:v38+s13+$0x0] =	vst.idx.add.f32.msk $0xffff, v1;
	v1 =	vadd.s32 $0x5000, v3  }
0x66: {  	v10 =	vadd.s32 $0x7800, v10;
	[tilespmem:v26+s13+$0x0] =	vst.idx.add.f32.msk $0xffff, v7  }
0x67: {  	v42 =	vadd.s32 $0x5000, v4;
	[tilespmem:v46+s13+$0x0] =	vst.idx.add.f32.msk $0xffff, v11  }
0x68: {  	v53 =	vadd.s32 $0x7800, v5;
	v62 =	vadd.s32 $0x7800, v24;
	v5 =	vld.idx.msk [tilespmem:v54+s2+$0x0], $0xffff  }
0x69: {  	v50 =	vadd.s32 $0x5000, v23;
	v12 =	vld.idx.msk [tilespmem:v43+s2+$0x0], $0xffff  }
0x6a: {  	v48 =	vadd.s32 $0x5000, v63;
	v1 =	vld.idx.msk [tilespmem:v1+s2+$0x0], $0xffff  }
0x6b: {  	v57 =	vadd.s32 $0x7800, v20;
	v55 =	vld.idx.msk [tilespmem:v10+s2+$0x0], $0xffff  }
0x6c: {  	v49 =	vadd.s32 $0x5000, v22;
	v7 =	vld.idx.msk [tilespmem:v42+s2+$0x0], $0xffff  }
0x6d: {  	v56 =	vadd.s32 $0x7800, v8;
	[tilespmem:v62+s13+$0x0] =	vst.idx.add.f32.msk $0xffff, v5  }
0x6e: {  	[tilespmem:v50+s13+$0x0] =	vst.idx.add.f32.msk $0xffff, v12  }
0x6f: {  	[tilespmem:v48+s13+$0x0] =	vst.idx.add.f32.msk $0xffff, v1;
	v1 =	vadd.s32 $0x7800, v2  }
0x70: {  	[tilespmem:v57+s13+$0x0] =	vst.idx.add.f32.msk $0xffff, v55;
	v2 =	vadd.s32 $0x7800, v3  }
0x71: {  	[tilespmem:v49+s13+$0x0] =	vst.idx.add.f32.msk $0xffff, v7;
	v3 =	vadd.s32 $0x7800, v4  }
0x72: {  	v59 =	vadd.s32 $0x7800, v63;
	v63 =	vadd.s32 $0x7800, v25;
	v7 =	vld.idx.msk [tilespmem:v56+s2+$0x0], $0xffff  }
0x73: {  	v61 =	vadd.s32 $0x7800, v23;
	v4 =	vld.idx.msk [tilespmem:v53+s2+$0x0], $0xffff  }
0x74: {  	v58 =	vadd.s32 $0x7800, v21;
	v1 =	vld.idx.msk [tilespmem:v1+s2+$0x0], $0xffff  }
0x75: {  	v2 =	vld.idx.msk [tilespmem:v2+s2+$0x0], $0xffff  }
0x76: {  	v60 =	vadd.s32 $0x7800, v22;
	v3 =	vld.idx.msk [tilespmem:v3+s2+$0x0], $0xffff  }
0x77: {  	[tilespmem:v63+s13+$0x0] =	vst.idx.add.f32.msk $0xffff, v7  }
0x78: {  	[tilespmem:v61+s13+$0x0] =	vst.idx.add.f32.msk $0xffff, v4  }
0x79: {  	[tilespmem:v58+s13+$0x0] =	vst.idx.add.f32.msk $0xffff, v1  }
0x7a: {  	[tilespmem:v59+s13+$0x0] =	vst.idx.add.f32.msk $0xffff, v2  }
0x7b: {  	s18 =	simm.s32 $0x140C0;
	s17 =	simm.s32 $0x0;
	[tilespmem:v60+s13+$0x0] =	vst.idx.add.f32.msk $0xffff, v3  }
.LBB2_4:
0x7c: {  	v12 =	vld [tilespmem:s18+$0x30];
	s17 =	sadd.s32 $0x8, s17  }
0x7d: {  	v5 =	vld [tilespmem:s18+$0xFFFFFFD0];
	p0 =	slt.u32 s17, $0x270  }
0x7e: {  	v6 =	vld [tilespmem:s18+$0xFFFFFFE0]  }
0x7f: {  	v10 =	vld [tilespmem:s18+$0xFFFFFFF0]  }
0x80: {  	v13 =	vld [tilespmem:s18+$0x0]  }
0x81: {  	s16 =	sadd.s32 $0x80, s16;
	v14 =	vld [tilespmem:s18+$0x10]  }
0x82: {  	v15 =	vadd.s32 $0x2800, v5;
	v7 =	vadd.s32 $0x5000, v5;
	v1 =	vadd.s32 $0x7800, v5;
	v16 =	vld [tilespmem:s16+$0x30]  }
0x83: {  	v17 =	vadd.s32 $0x2800, v6;
	v8 =	vadd.s32 $0x5000, v6;
	v2 =	vadd.s32 $0x7800, v6;
	v18 =	vld [tilespmem:s18+$0x20]  }
0x84: {  	v19 =	vadd.s32 $0x2800, v10;
	v9 =	vadd.s32 $0x5000, v10;
	v3 =	vadd.s32 $0x7800, v10;
	v20 =	vld.idx.msk [tilespmem:v12+s2+$0x0], $0xffff  }
0x85: {  	v21 =	vld [tilespmem:s18+$0xFFFFFFC0];
	v22 =	vadd.s32 $0x2800, v13;
	v11 =	vadd.s32 $0x5000, v13;
	v4 =	vadd.s32 $0x7800, v13  }
0x86: {  	v26 =	vadd.s32 $0x2800, v12;
	v23 =	vld.idx.msk [tilespmem:v5+s2+$0x0], $0xffff;
	v24 =	vadd.s32 $0x2800, v14;
	v25 =	vadd.s32 $0x5000, v14  }
0x87: {  	v5 =	vadd.s32 $0x7800, v14;
	v27 =	vld.idx.msk [tilespmem:v6+s2+$0x0], $0xffff  }
0x88: {  	v28 =	vld.idx.msk [tilespmem:v10+s2+$0x0], $0xffff;
	v29 =	vadd.s32 $0x2800, v18;
	v30 =	vadd.s32 $0x5000, v18;
	v6 =	vadd.s32 $0x7800, v18  }
0x89: {  	v13 =	vld.idx.msk [tilespmem:v13+s2+$0x0], $0xffff  }
0x8a: {  	v31 =	vadd.s32 $0x2800, v21;
	v32 =	vadd.s32 $0x5000, v21;
	v10 =	vadd.s32 $0x7800, v21;
	[tilespmem:v16+s13+$0x0] =	vst.idx.add.f32.msk $0xffff, v20  }
0x8b: {  	v20 =	vld.idx.msk [tilespmem:v26+s2+$0x0], $0xffff  }
0x8c: {  	v26 =	vadd.s32 $0x2800, v16;
	v14 =	vld.idx.msk [tilespmem:v14+s2+$0x0], $0xffff  }
0x8d: {  	v33 =	vadd.s32 $0x5000, v12;
	v21 =	vld.idx.msk [tilespmem:v21+s2+$0x0], $0xffff  }
0x8e: {  	v18 =	vld.idx.msk [tilespmem:v18+s2+$0x0], $0xffff  }
0x8f: {  	v34 =	vld [tilespmem:s16+$0xFFFFFFC0]  }
0x90: {  	v35 =	vld [tilespmem:s16+$0xFFFFFFD0]  }
0x91: {  	[tilespmem:v26+s13+$0x0] =	vst.idx.add.f32.msk $0xffff, v20  }
0x92: {  	v20 =	vld.idx.msk [tilespmem:v33+s2+$0x0], $0xffff  }
0x93: {  	v33 =	vadd.s32 $0x5000, v16;
	v26 =	vld [tilespmem:s16+$0xFFFFFFE0]  }
0x94: {  	v12 =	vadd.s32 $0x7800, v12;
	v36 =	vadd.s32 $0x2800, v34;
	v37 =	vadd.s32 $0x5000, v34;
	v38 =	vld [tilespmem:s16+$0xFFFFFFF0]  }
0x95: {  	v39 =	vadd.s32 $0x7800, v34;
	v40 =	vadd.s32 $0x2800, v35;
	v41 =	vadd.s32 $0x5000, v35;
	v42 =	vld [tilespmem:s16+$0x0]  }
0x96: {  	v43 =	vadd.s32 $0x7800, v35;
	v44 =	vld [tilespmem:s16+$0x10]  }
0x97: {  	v45 =	vld [tilespmem:s16+$0x20]  }
0x98: {  	v46 =	vadd.s32 $0x2800, v26;
	v47 =	vadd.s32 $0x5000, v26;
	v48 =	vadd.s32 $0x7800, v26;
	[tilespmem:v33+s13+$0x0] =	vst.idx.add.f32.msk $0xffff, v20  }
0x99: {  	v20 =	vadd.s32 $0x2800, v38;
	v33 =	vadd.s32 $0x5000, v38;
	v49 =	vadd.s32 $0x7800, v38;
	v12 =	vld.idx.msk [tilespmem:v12+s2+$0x0], $0xffff  }
0x9a: {  	v16 =	vadd.s32 $0x7800, v16;
	[tilespmem:v34+s13+$0x0] =	vst.idx.add.f32.msk $0xffff, v21;
	v21 =	vadd.s32 $0x2800, v42;
	v34 =	vadd.s32 $0x5000, v42  }
0x9b: {  	[tilespmem:v35+s13+$0x0] =	vst.idx.add.f32.msk $0xffff, v23;
	v23 =	vadd.s32 $0x7800, v42;
	v35 =	vadd.s32 $0x2800, v44;
	v50 =	vadd.s32 $0x5000, v44  }
0x9c: {  	[tilespmem:v26+s13+$0x0] =	vst.idx.add.f32.msk $0xffff, v27;
	v26 =	vadd.s32 $0x7800, v44;
	v27 =	vadd.s32 $0x2800, v45;
	v51 =	vadd.s32 $0x5000, v45  }
0x9d: {  	[tilespmem:v38+s13+$0x0] =	vst.idx.add.f32.msk $0xffff, v28;
	v28 =	vadd.s32 $0x7800, v45  }
0x9e: {  	[tilespmem:v42+s13+$0x0] =	vst.idx.add.f32.msk $0xffff, v13  }
0x9f: {  	[tilespmem:v16+s13+$0x0] =	vst.idx.add.f32.msk $0xffff, v12  }
0xa0: {  	[tilespmem:v44+s13+$0x0] =	vst.idx.add.f32.msk $0xffff, v14  }
0xa1: {  	[tilespmem:v45+s13+$0x0] =	vst.idx.add.f32.msk $0xffff, v18  }
0xa2: {  	v12 =	vld.idx.msk [tilespmem:v31+s2+$0x0], $0xffff  }
0xa3: {  	v13 =	vld.idx.msk [tilespmem:v15+s2+$0x0], $0xffff  }
0xa4: {  	v14 =	vld.idx.msk [tilespmem:v17+s2+$0x0], $0xffff  }
0xa5: {  	v15 =	vld.idx.msk [tilespmem:v19+s2+$0x0], $0xffff  }
0xa6: {  	v16 =	vld.idx.msk [tilespmem:v22+s2+$0x0], $0xffff  }
0xa7: {  	v17 =	vld.idx.msk [tilespmem:v24+s2+$0x0], $0xffff  }
0xa8: {  	v18 =	vld.idx.msk [tilespmem:v29+s2+$0x0], $0xffff  }
0xa9: {  	[tilespmem:v36+s13+$0x0] =	vst.idx.add.f32.msk $0xffff, v12  }
0xaa: {  	[tilespmem:v40+s13+$0x0] =	vst.idx.add.f32.msk $0xffff, v13  }
0xab: {  	[tilespmem:v46+s13+$0x0] =	vst.idx.add.f32.msk $0xffff, v14  }
0xac: {  	[tilespmem:v20+s13+$0x0] =	vst.idx.add.f32.msk $0xffff, v15  }
0xad: {  	[tilespmem:v21+s13+$0x0] =	vst.idx.add.f32.msk $0xffff, v16  }
0xae: {  	[tilespmem:v35+s13+$0x0] =	vst.idx.add.f32.msk $0xffff, v17  }
0xaf: {  	[tilespmem:v27+s13+$0x0] =	vst.idx.add.f32.msk $0xffff, v18  }
0xb0: {  	v12 =	vld.idx.msk [tilespmem:v32+s2+$0x0], $0xffff  }
0xb1: {  	v7 =	vld.idx.msk [tilespmem:v7+s2+$0x0], $0xffff  }
0xb2: {  	v8 =	vld.idx.msk [tilespmem:v8+s2+$0x0], $0xffff  }
0xb3: {  	v9 =	vld.idx.msk [tilespmem:v9+s2+$0x0], $0xffff  }
0xb4: {  	v11 =	vld.idx.msk [tilespmem:v11+s2+$0x0], $0xffff  }
0xb5: {  	v13 =	vld.idx.msk [tilespmem:v25+s2+$0x0], $0xffff  }
0xb6: {  	v14 =	vld.idx.msk [tilespmem:v30+s2+$0x0], $0xffff  }
0xb7: {  	[tilespmem:v37+s13+$0x0] =	vst.idx.add.f32.msk $0xffff, v12  }
0xb8: {  	[tilespmem:v41+s13+$0x0] =	vst.idx.add.f32.msk $0xffff, v7  }
0xb9: {  	[tilespmem:v47+s13+$0x0] =	vst.idx.add.f32.msk $0xffff, v8  }
0xba: {  	[tilespmem:v33+s13+$0x0] =	vst.idx.add.f32.msk $0xffff, v9  }
0xbb: {  	[tilespmem:v34+s13+$0x0] =	vst.idx.add.f32.msk $0xffff, v11  }
0xbc: {  	[tilespmem:v50+s13+$0x0] =	vst.idx.add.f32.msk $0xffff, v13  }
0xbd: {  	[tilespmem:v51+s13+$0x0] =	vst.idx.add.f32.msk $0xffff, v14  }
0xbe: {  	v7 =	vld.idx.msk [tilespmem:v10+s2+$0x0], $0xffff  }
0xbf: {  	v1 =	vld.idx.msk [tilespmem:v1+s2+$0x0], $0xffff  }
0xc0: {  	v2 =	vld.idx.msk [tilespmem:v2+s2+$0x0], $0xffff  }
0xc1: {  	v3 =	vld.idx.msk [tilespmem:v3+s2+$0x0], $0xffff  }
0xc2: {  	v4 =	vld.idx.msk [tilespmem:v4+s2+$0x0], $0xffff  }
0xc3: {  	v5 =	vld.idx.msk [tilespmem:v5+s2+$0x0], $0xffff  }
0xc4: {  	v6 =	vld.idx.msk [tilespmem:v6+s2+$0x0], $0xffff  }
0xc5: {  	[tilespmem:v39+s13+$0x0] =	vst.idx.add.f32.msk $0xffff, v7  }
0xc6: {  	[tilespmem:v43+s13+$0x0] =	vst.idx.add.f32.msk $0xffff, v1  }
.Ltmp1:
0xc7: {  	[tilespmem:v48+s13+$0x0] =	vst.idx.add.f32.msk $0xffff, v2;
	(pc) =	sbr.rel @p0 .LBB2_4-.Ltmp1, $4  }
0xc8: {  	[tilespmem:v49+s13+$0x0] =	vst.idx.add.f32.msk $0xffff, v3  }
0xc9: {  	[tilespmem:v23+s13+$0x0] =	vst.idx.add.f32.msk $0xffff, v4  }
0xca: {  	[tilespmem:v26+s13+$0x0] =	vst.idx.add.f32.msk $0xffff, v5  }
0xcb: {  	s18 =	sadd.s32 $0x80, s18;
	[tilespmem:v28+s13+$0x0] =	vst.idx.add.f32.msk $0xffff, v6  }
0xcc: {  	s15 =	sadd.s32 $0x1, s15  }
0xcd: {  	p0 =	sne.s32 s15, s7  }
.Ltmp2:
0xce: {  	_ = 	snop;
	(pc) =	sbr.rel @p0 .LBB2_1-.Ltmp2, $4  }
0xcf: {  	[hbm4b:s6+s8] =	stream.strided.scatter [tilespmem:s13], [sflag:$0x2], $0xA000, s9, s8, $0x38;
	[tilespmem:$0x18F00] =	vst v63  }
0xd0: {  	_ =	swait.ge [sflag:s14], $0xA000  }
0xd1: {  	[sflag:s14] =	ssyncset.done $0x0  }
0xd2: {  	[sflag:s14] =	ssyncadd.s32 $0xFFFF6000  }
0xd3: {  	_ =	sfence.sel $0x180000  }
0xd4: {  	[bflag:$0x0] =	sbarrier.arrive $0xFFFF  }
0xd5: {  	p0 =	sne.s32 s1, $0x0;
	_ =	strace $0x9000004A  }
0xd6: {  	s0 =	sadd.s32 @!p0 $0x100000, s0;
	[bflag:$0x2] =	sbarrier.arrive $0xFFFF  }
0xd7: {  	[sflag:s0] =	ssyncadd.tile.s32 @!p0 $0x1;
	_ =	shalt  }
.Lfunc_end2:
_tile_overlayer_lowered:
.L_overlay_start_2:
0xd8: {  	(tag) =	ssettag $0x2  }
0xd9: {  	s0 =	rddreg [dreg:$0x0];
	s2 =	stileid.u32  }
0xda: {  	s1 =	rddreg [dreg:$0x1];
	p0 =	sne.s32 s2, $0x0  }
0xdb: {  	s3 =	rddreg [dreg:$0x2];
	[bflag:$0x3] =	sbarrier.arrive $0xFFFF;
	s2 =	simm.s32 @!p0 $0x1C02  }
0xdc: {  	[timem:s3], [sflag:s2] =	dma.local @!p0 [hbm:s0], s1  }
0xdd: {  	s0 =	simm.s32 @!p0 $0x2  }
0xde: {  	_ =	swait.ge @!p0 [sflag:s0], s1  }
0xdf: {  	s1 =	ssub.s32 @!p0 $0x0, s1;
	[sflag:s0] =	ssyncset.done @!p0 $0x0  }
0xe0: {  	[sflag:s0] =	ssyncadd.s32 @!p0 s1  }
0xe1: {  	[bflag:$0x3] =	sbarrier.arrive $0xFFFF  }
0xe2: {  	_ =	shalt  }

// kernel: kernel.16.cloned.1.call-start
scs
__scs_entry_jumppad:
0x0: {  	(pc) =	sbr.rel $0x88, $3  }
0x1: {  	(tag) =	ssettag $0x0;
	lr =	simm.s32 $0x1  }
0x2: {  	[smem:$0x3F97] =	sst lr;
	_ =	strace $0xD0000000  }
0x3: {  	_ = 	snop  }
0x4: {  	_ = 	snop  }
0x5: {  	_ = 	snop  }
0x6: {  	_ = 	snop  }
0x7: {  	_ = 	snop  }
__scs_overlays_trampoline_lowered:
0x8: {  	[smem:$0x3FA6] =	sst s0  }
0x9: {  	[smem:$0x3FA7] =	sst s1  }
0xa: {  	[smem:$0x3FA8] =	sst s2  }
0xb: {  	[smem:$0x3FA9] =	sst s3  }
0xc: {  	[smem:$0x3FAA] =	sst s4  }
0xd: {  	[smem:$0x3FAB] =	sst s5  }
0xe: {  	[smem:$0x3FAC] =	sst s6  }
0xf: {  	[smem:$0x3FAD] =	sst s7  }
0x10: {  	[smem:$0x3FAE] =	sst s8  }
0x11: {  	[smem:$0x3FAF] =	sst s9;
	s0 =	simm.s32 @!p0 $0x0  }
0x12: {  	s1 =	sld [smem:$0x3F95];
	s0 =	simm.s32 @p0 $0x1  }
0x13: {  	[smem:$0x3FB0] =	sst s0;
	s0 =	simm.s32 @!p1 $0x0  }
0x14: {  	s2 =	sld [smem:$0x3F94];
	s0 =	simm.s32 @p1 $0x1  }
0x15: {  	[smem:$0x3FB1] =	sst s0;
	s0 =	simm.s32 @!p2 $0x0  }
0x16: {  	s3 =	sld [smem:$0x3FDB];
	s0 =	simm.s32 @p2 $0x1  }
0x17: {  	s4 =	simm.s32 $0x1BF5;
	[smem:$0x3FB3] =	sst s0  }
0x18: {  	s0 =	sld [smem:$0x3F96];
	_ =	swait.ge [sflag:s4], $0x0  }
0x19: {  	s7 =	sld [smem:$0x3F97]  }
0x1a: {  	s8 =	sadd.s32 $0xFFFFE003, lr  }
0x1b: {  	s9 =	sadd.s32 $0xFFFFFEF7, lr;
	s5 =	simm.s32 $0xFFFFFFFF;
	p2 =	slt.u32 s8, $0xFFFFF086  }
0x1c: {  	p1 =	slt.u32 s9, $0xF7A;
	s5 =	simm.s32 @!p2 $0x0  }
0x1d: {  	s5 =	simm.s32 @p1 $0x1;
	p0 =	seq.s32 s7, s2  }
0x1e: {  	s7 =	smul.u32 @!p0 $0xF7A, s2;
	p2 =	seq.s32 @!p0 s5, $0x0  }
0x1f: {  	s9 =	smul.u32 $0xF7A, s1;
	s8 =	simm.s32 @!p0 $0x1BF5;
	p2 =	por !p2, p0  }
0x20: {  	[sflag:s8] =	ssyncset.s32 @!p0 $0xFFFFF086;
	s6 =	sadd.s32 @!p0 s3, s7;
	s7 =	simm.s32 @!p0 $0x108  }
0x21: {  	s3 =	sadd.s32 s3, s9;
	s6 =	sadd.s32 @!p0 $0x88, s6;
	s7 =	simm.s32 @p2 $0x1082  }
0x22: {  	[simem:s7], [sflag:s8] =	dma.local @!p0 [hbm:s6], $0xF7A  }
0x23: {  	s9 =	sor.u32 $0xD0000000, s2;
	s6 =	simm.s32 $0x108;
	_ =	swait.ge @!p0 [sflag:s8], $0x0  }
0x24: {  	s3 =	sadd.s32 $0x88, s3;
	s6 =	simm.s32 @!p1 $0x1082;
	[sflag:s4] =	ssyncset.s32 $0xFFFFF086  }
0x25: {  	[simem:s6], [sflag:s4] =	dma.local [hbm:s3], $0xF7A  }
0x26: {  	[smem:$0x3F97] =	sst s1;
	(tag) =	ssettag s2;
	_ =	strace s9  }
0x27: {  	s1 =	sld [smem:$0x3FA7]  }
0x28: {  	s2 =	sld [smem:$0x3FA8]  }
0x29: {  	s4 =	sld [smem:$0x3FAA]  }
0x2a: {  	p0 =	seq.s32 s5, $0x0;
	s5 =	sld [smem:$0x3FAB]  }
0x2b: {  	s6 =	sld [smem:$0x3FAC]  }
0x2c: {  	s7 =	sld [smem:$0x3FAD]  }
0x2d: {  	s3 =	simm.s32 $0x108;
	s8 =	sld [smem:$0x3FAE]  }
0x2e: {  	s3 =	simm.s32 @!p0 $0x1082;
	s9 =	sld [smem:$0x3FAF]  }
0x2f: {  	lr =	sadd.s32 s0, s3;
	s0 =	sld [smem:$0x3FA6]  }
0x30: {  	s3 =	sld [smem:$0x3FA9]  }
0x31: {  	[smem:$0x3FB2] =	sst s10  }
0x32: {  	s10 =	sld [smem:$0x3FB0];
	_ =	sdelay $0x3  }
0x33: {  	p0 =	seq.s32 s10, $0x1;
	s10 =	sld [smem:$0x3FB2];
	_ =	sdelay $0x3  }
0x34: {  	[smem:$0x3FB2] =	sst s10  }
0x35: {  	s10 =	sld [smem:$0x3FB1];
	_ =	sdelay $0x3  }
0x36: {  	p1 =	seq.s32 s10, $0x1;
	s10 =	sld [smem:$0x3FB2];
	_ =	sdelay $0x3  }
0x37: {  	[smem:$0x3FB2] =	sst s10  }
0x38: {  	s10 =	sld [smem:$0x3FB3]  }
0x39: {  	_ = 	snop;
	(pc) =	sbr.ind lr, $3  }
0x3a: {  	_ = 	snop  }
0x3b: {  	_ = 	snop  }
0x3c: {  	p2 =	seq.s32 s10, $0x1;
	s10 =	sld [smem:$0x3FB2]  }
0x3d: {  	_ =	shalt  }
0x3e: {  	_ =	shalt  }
0x3f: {  	_ =	shalt  }
0x40: {  	_ =	shalt  }
0x41: {  	_ =	shalt  }
0x42: {  	_ =	shalt  }
0x43: {  	_ =	shalt  }
0x44: {  	_ =	shalt  }
0x45: {  	_ =	shalt  }
0x46: {  	_ =	shalt  }
0x47: {  	_ =	shalt  }
0x48: {  	_ =	shalt  }
0x49: {  	_ =	shalt  }
0x4a: {  	_ =	shalt  }
0x4b: {  	_ =	shalt  }
0x4c: {  	_ =	shalt  }
0x4d: {  	_ =	shalt  }
0x4e: {  	_ =	shalt  }
0x4f: {  	_ =	shalt  }
0x50: {  	_ =	shalt  }
0x51: {  	_ =	shalt  }
0x52: {  	_ =	shalt  }
0x53: {  	_ =	shalt  }
0x54: {  	_ =	shalt  }
0x55: {  	_ =	shalt  }
0x56: {  	_ =	shalt  }
0x57: {  	_ =	shalt  }
0x58: {  	_ =	shalt  }
0x59: {  	_ =	shalt  }
0x5a: {  	_ =	shalt  }
0x5b: {  	_ =	shalt  }
0x5c: {  	_ =	shalt  }
0x5d: {  	_ =	shalt  }
0x5e: {  	_ =	shalt  }
0x5f: {  	_ =	shalt  }
0x60: {  	_ =	shalt  }
0x61: {  	_ =	shalt  }
0x62: {  	_ =	shalt  }
0x63: {  	_ =	shalt  }
0x64: {  	_ =	shalt  }
0x65: {  	_ =	shalt  }
0x66: {  	_ =	shalt  }
0x67: {  	_ =	shalt  }
0x68: {  	_ =	shalt  }
0x69: {  	_ =	shalt  }
0x6a: {  	_ =	shalt  }
0x6b: {  	_ =	shalt  }
0x6c: {  	_ =	shalt  }
0x6d: {  	_ =	shalt  }
0x6e: {  	_ =	shalt  }
0x6f: {  	_ =	shalt  }
0x70: {  	_ =	shalt  }
0x71: {  	_ =	shalt  }
0x72: {  	_ =	shalt  }
0x73: {  	_ =	shalt  }
0x74: {  	_ =	shalt  }
0x75: {  	_ =	shalt  }
0x76: {  	_ =	shalt  }
0x77: {  	_ =	shalt  }
0x78: {  	_ =	shalt  }
0x79: {  	_ =	shalt  }
0x7a: {  	_ =	shalt  }
0x7b: {  	_ =	shalt  }
0x7c: {  	_ =	shalt  }
0x7d: {  	_ =	shalt  }
0x7e: {  	_ =	shalt  }
0x7f: {  	_ =	shalt  }
0x80: {  	_ =	shalt  }
0x81: {  	_ =	shalt  }
0x82: {  	_ =	shalt  }
0x83: {  	_ =	shalt  }
0x84: {  	_ =	shalt  }
0x85: {  	_ =	shalt  }
0x86: {  	_ =	shalt  }
0x87: {  	_ =	shalt  }
.Lfunc_end0:
.L_simem_size_0:
called_computation.2_lowered:
.L_overlay_start_0:
0x88: {  	s2 =	sld [smem:$0x3FD9]  }
0x89: {  	s3 =	sld [smem:$0x3FFE];
	_ =	sdelay $0x1  }
0x8a: {  	s1 =	srdreg.scid  }
0x8b: {  	s0 =	sand.u32 $0x1, s1  }
0x8c: {  	s16 =	sshll.u32 s0, $0xA;
	s2 =	sadd.s32 s3, s2  }
0x8d: {  	s2 =	sadd.s32 s2, s16  }
0x8e: {  	[smem:$0x3FBE] =	sst s2  }
0x8f: {  	_ = 	snop  }
0x90: {  	(tm) =	ssettm $0x1  }
0x91: {  	s17 =	sld [smem:$0x3FFB];
	_ =	sdelay $0x3  }
0x92: {  	_ =	strace s17  }
0x93: {  	s2 =	sld [smem:$0x3FFC];
	_ =	sdelay $0x3  }
0x94: {  	_ =	strace s2  }
0x95: {  	s2 =	sld [smem:$0x3FFD];
	_ =	sdelay $0x3  }
0x96: {  	_ =	strace s2  }
0x97: {  	_ =	strace $0x8FFFFFFF  }
0x98: {  	s18 =	sld [smem:$0x3FDB];
	_ =	sdelay $0x1  }
0x99: {  	s19 =	simm.s32 $_scs_section_size  }
0x9a: {  	s4 =	simm.s32 $_size__tile_overlayer_lowered;
	s5 =	simm.s32 $_tile_overlayer_lowered  }
0x9b: {  	s22 =	simm.s32 $0x1BFF;
	s21 =	sshll.u32 s5, $0x1;
	s2 =	sadd.s32 s19, s18  }
0x9c: {  	s6 =	simm.s32 $0x0;
	s20 =	sshll.u32 s4, $0x1;
	s4 =	sadd.s32 s21, s2  }
0x9d: {  	[timem:s6], [sflag:s22] =	dma.local [hbm:s4], s20  }
0x9e: {  	_ =	swait.ge [sflag:s22], s20  }
0x9f: {  	s3 =	ssub.s32 $0x0, s20;
	[sflag:s22] =	ssyncset.done $0x0  }
0xa0: {  	[sflag:s22] =	ssyncadd.s32 s3;
	_ =	sdelay $0x1  }
0xa1: {  	s23 =	simm.s32 $0x1B8B  }
0xa2: {  	_ =	swait.ge [sflag:s23], $0x1  }
0xa3: {  	[sflag:s23] =	ssyncset.done $0x0  }
0xa4: {  	s25 =	simm.s32 $0x1B8E;
	s24 =	sld [smem:$0x3FFE];
	[sflag:s23] =	ssyncadd.s32 $0xFFFFFFFF  }
0xa5: {  	s26 =	simm.s32 $execute0_lowered;
	[smem:$0x3FD2] =	sst s25  }
0xa6: {  	s4 =	sshll.u32 s26, $0x1;
	_ =	strace $0x8000004C;
	[dreg:$0x1] =	wrdreg $0xFFFFFFFF  }
0xa7: {  	s28 =	simm.s32 $_size_execute0_lowered;
	s2 =	sadd.s32 s2, s4;
	[dreg:$0x0] =	wrdreg $0x0  }
0xa8: {  	s4 =	sshll.u32 s28, $0x1;
	[dreg:$0x2] =	wrdreg s2  }
0xa9: {  	[dreg:$0x3] =	wrdreg s4  }
0xaa: {  	[dreg:$0x4] =	wrdreg $0xC0  }
0xab: {  	_ =	task [dreg:s6], $0x5FFFF  }
0xac: {  	[dreg:$0x1] =	wrdreg $0xFFFFFFFF  }
0xad: {  	[dreg:$0x0] =	wrdreg $0x60  }
0xae: {  	[dreg:$0x2] =	wrdreg s24  }
0xaf: {  	[dreg:$0x3] =	wrdreg $0x9  }
0xb0: {  	_ =	task.clear_ibuf [dreg:s6], $0x4FFFF;
	_ =	strace $0x9000004C  }
0xb1: {  	s29 =	simm.s32 $0x9;
	_ =	strace $0x8000004E  }
0xb2: {  	_ =	swait.ge [sflag:s29], $0x1  }
0xb3: {  	[sflag:s29] =	ssyncadd.s32 $0xFFFFFFFF  }
0xb4: {  	_ =	strace $0x9000004E  }
0xb5: {  	_ =	sfence  }
0xb6: {  	s30 =	sld [smem:$0x0];
	_ =	sdelay $0x2  }
0xb7: {  	s31 =	sshll.u32 s1, $0xD;
	s1 =	sshrl.u32 s1, $0x2  }
0xb8: {  	s3 =	sand.u32 $0x4000, s31;
	s1 =	sadd.s32 s1, s30  }
0xb9: {  	s0 =	sor.u32 s3, s0;
	s1 =	sshll.u32 s1, $0x11  }
0xba: {  	s0 =	sor.u32 s1, s0  }
0xbb: {  	s0 =	sadd.s32 $0x8F2B, s0  }
0xbc: {  	[sflag:s0] =	ssyncadd.remote.s32 $0x1  }
0xbd: {  	_ =	sfence.sel $0xFFFF  }
0xbe: {  	[dreg:$0x0] =	wrdreg $0xFFFFFFFF;
	(pc) =	sbr.abs _section_cstart, $3  }
0xbf: {  	[dreg:$0x1] =	wrdreg $0xFFFFFFFF  }
0xc0: {  	_ =	task.clear_ibuf [dreg:s6], $0x2FFFF;
	_ =	strace $0x9FFFFFFF  }
0xc1: {  	(tm) =	ssettm $0x7FFFFFFF  }
tec
execute0_lowered:
.L_overlay_start_1:
0x0: {  	(tag) =	ssettag $0x1  }
0x1: {  	s4 =	rddreg [dreg:$0x0]  }
0x2: {  	s0 =	rddreg [dreg:$0x1];
	s2 =	simm.s32 $0x0;
	s1 =	stileid.u32  }
0x3: {  	s3 =	srdreg.scid;
	s10 =	simm.s32 $0x14000;
	s11 =	simm.s32 $0x16780  }
0x4: {  	s12 =	simm.s32 $0x1;
	s13 =	simm.s32 $0xA000;
	s14 =	simm.s32 $0x2  }
0x5: {  	s15 =	simm.s32 $0x0;
	[smem:$0x7FF] =	sst s2;
	s5 =	sshrl.u32 s1, $0x2  }
0x6: {  	s6 =	sand.u32 $0x1, s3;
	s29 =	sshll.u32 s1, $0x8;
	s3 =	sadd.s32 $0x16800, s4  }
0x7: {  	s7 =	smul.u32 $0x13C00, s5;
	s8 =	sshll.u32 s6, $0x7;
	s9 =	sand.u32 $0x300, s29  }
0x8: {  	s5 =	smul.u32 $0x50000, s5;
	s6 =	ssub.s32 $0x2, s6;
	s8 =	sor.u32 s8, s9  }
0x9: {  	_ =	strace $0x8000004D;
	s30 =	sshrl.u32 s6, $0x1;
	s7 =	sor.u32 s7, s8  }
0xa: {  	s9 =	simm.s32 $0x400;
	s5 =	sor.u32 s5, s8;
	s7 =	sshrl.u32 s7, $0x3  }
0xb: {  	s8 =	ssub.s32 s6, s30;
	s5 =	sshrl.u32 s5, $0x3;
	s7 =	sadd.s32 s7, s4  }
0xc: {  	s31 =	sadd.s32 s5, s4;
	s4 =	sadd.s32 $0x2C00, s7;
	s5 =	sadd.s32 $0xCA00, s7  }
0xd: {  	v0 =	vimm.f32 $0.0e+00;
	s6 =	sadd.s32 $0x17C00, s31;
	s7 =	smax.u32 s8, $0x1;
	s8 =	simm.s32 $0x80  }
.LBB2_1:
0xe: {  	[tilespmem:s2], [sflag:$0x1] =	stream.linear.gather [hbm4b:s3+s2], $0xA000, $0x38;
	[tilespmem:$0x18F00] =	vst v63  }
0xf: {  	_ = 	snop  }
0x10: {  	[tilespmem:s10], [sflag:$0x1] =	stream.strided.gather [hbm4b:s4+s8], $0x2780, s9, s8, $0x38;
	[tilespmem:$0x18F00] =	vst v63  }
0x11: {  	s16 =	simm.s32 $0xA040  }
0x12: {  	[tilespmem:s11], [sflag:$0x1] =	stream.strided.gather [hbm4b:s5+s8], $0x2780, s9, s8, $0x38;
	[tilespmem:$0x18F00] =	vst v63  }
0x13: {  	[tilespmem:s16+$0xFFFFFFC0] =	vst v0  }
0x14: {  	[tilespmem:s16+$0x30] =	vst v0  }
0x15: {  	[tilespmem:s16+$0x20] =	vst v0  }
0x16: {  	[tilespmem:s16+$0x10] =	vst v0  }
0x17: {  	[tilespmem:s16+$0x0] =	vst v0  }
0x18: {  	[tilespmem:s16+$0xFFFFFFF0] =	vst v0  }
0x19: {  	s17 =	simm.s32 $0x0;
	[tilespmem:s16+$0xFFFFFFE0] =	vst v0  }
.LBB2_2:
0x1a: {  	s17 =	sadd.s32 $0x8, s17;
	[tilespmem:s16+$0xFFFFFFD0] =	vst v0;
	s16 =	sadd.s32 $0x80, s16  }
0x1b: {  	[tilespmem:s16+$0xFFFFFFC0] =	vst v0;
	p0 =	slt.u32 s17, $0x9F8  }
0x1c: {  	[tilespmem:s16+$0x30] =	vst v0  }
.Ltmp0:
0x1d: {  	[tilespmem:s16+$0x20] =	vst v0;
	(pc) =	sbr.rel @p0 .LBB2_2-.Ltmp0, $4  }
0x1e: {  	[tilespmem:s16+$0x10] =	vst v0  }
0x1f: {  	[tilespmem:s16+$0x0] =	vst v0  }
0x20: {  	[tilespmem:s16+$0xFFFFFFF0] =	vst v0  }
0x21: {  	[tilespmem:s16+$0xFFFFFFE0] =	vst v0  }
0x22: {  	[tilespmem:s16+$0xFFFFFFD0] =	vst v0  }
0x23: {  	_ =	swait.ge [sflag:s12], $0xA000  }
0x24: {  	[sflag:s12] =	ssyncset.done $0x0  }
0x25: {  	[sflag:s12] =	ssyncadd.s32 $0xFFFF6000  }
0x26: {  	_ =	swait.ge [sflag:s12], $0x2780  }
0x27: {  	[sflag:s12] =	ssyncset.done $0x0  }
0x28: {  	[sflag:s12] =	ssyncadd.s32 $0xFFFFD880  }
0x29: {  	_ =	swait.ge [sflag:s12], $0x2780  }
0x2a: {  	[sflag:s12] =	ssyncset.done $0x0  }
0x2b: {  	s17 =	simm.s32 $0x14040;
	[sflag:s12] =	ssyncadd.s32 $0xFFFFD880  }
0x2c: {  	v1 =	vld [tilespmem:s17+$0x30]  }
0x2d: {  	v2 =	vld [tilespmem:s17+$0xFFFFFFD0]  }
0x2e: {  	v3 =	vld [tilespmem:s17+$0xFFFFFFE0]  }
0x2f: {  	v4 =	vld [tilespmem:s17+$0xFFFFFFF0]  }
0x30: {  	v5 =	vld [tilespmem:s17+$0x0]  }
0x31: {  	s16 =	simm.s32 $0x167C0;
	v6 =	vld [tilespmem:s17+$0x10]  }
0x32: {  	v7 =	vld [tilespmem:s16+$0x30]  }
0x33: {  	v8 =	vld [tilespmem:s17+$0x20]  }
0x34: {  	v10 =	vld [tilespmem:s17+$0xFFFFFFC0]  }
0x35: {  	v20 =	vld [tilespmem:s16+$0xFFFFFFC0]  }
0x36: {  	v21 =	vld [tilespmem:s16+$0xFFFFFFD0]  }
0x37: {  	v63 =	vld [tilespmem:s16+$0xFFFFFFE0]  }
0x38: {  	v22 =	vld [tilespmem:s16+$0xFFFFFFF0]  }
0x39: {  	v23 =	vld [tilespmem:s16+$0x0]  }
0x3a: {  	v24 =	vld [tilespmem:s16+$0x10]  }
0x3b: {  	v25 =	vld [tilespmem:s16+$0x20]  }
0x3c: {  	v9 =	vld.idx.msk [tilespmem:v1+s2+$0x0], $0xffff  }
0x3d: {  	v11 =	vld.idx.msk [tilespmem:v2+s2+$0x0], $0xffff  }
0x3e: {  	v13 =	vld.idx.msk [tilespmem:v3+s2+$0x0], $0xffff  }
0x3f: {  	v14 =	vld.idx.msk [tilespmem:v4+s2+$0x0], $0xffff  }
0x40: {  	v17 =	vld.idx.msk [tilespmem:v10+s2+$0x0], $0xffff  }
0x41: {  	v15 =	vld.idx.msk [tilespmem:v5+s2+$0x0], $0xffff  }
0x42: {  	v62 =	vld.idx.msk [tilespmem:v6+s2+$0x0], $0xffff  }
0x43: {  	v19 =	vld.idx.msk [tilespmem:v8+s2+$0x0], $0xffff  }
0x44: {  	[tilespmem:v7+s13+$0x0] =	vst.idx.add.f32.msk $0xffff, v9  }
0x45: {  	v12 =	vadd.s32 $0x2800, v1;
	[tilespmem:v20+s13+$0x0] =	vst.idx.add.f32.msk $0xffff, v17  }
0x46: {  	[tilespmem:v21+s13+$0x0] =	vst.idx.add.f32.msk $0xffff, v11  }
0x47: {  	[tilespmem:v63+s13+$0x0] =	vst.idx.add.f32.msk $0xffff, v13  }
0x48: {  	v30 =	vadd.s32 $0x2800, v2;
	[tilespmem:v22+s13+$0x0] =	vst.idx.add.f32.msk $0xffff, v14  }
0x49: {  	v31 =	vadd.s32 $0x2800, v3;
	[tilespmem:v23+s13+$0x0] =	vst.idx.add.f32.msk $0xffff, v15  }
0x4a: {  	v16 =	vadd.s32 $0x2800, v7;
	v9 =	vld.idx.msk [tilespmem:v12+s2+$0x0], $0xffff  }
0x4b: {  	v18 =	vadd.s32 $0x5000, v1;
	[tilespmem:v24+s13+$0x0] =	vst.idx.add.f32.msk $0xffff, v62  }
0x4c: {  	v33 =	vadd.s32 $0x2800, v6;
	[tilespmem:v25+s13+$0x0] =	vst.idx.add.f32.msk $0xffff, v19  }
0x4d: {  	v34 =	vadd.s32 $0x2800, v8;
	v11 =	vld.idx.msk [tilespmem:v30+s2+$0x0], $0xffff  }
0x4e: {  	v36 =	vadd.s32 $0x2800, v21;
	v13 =	vld.idx.msk [tilespmem:v31+s2+$0x0], $0xffff  }
0x4f: {  	v37 =	vadd.s32 $0x2800, v63;
	[tilespmem:v16+s13+$0x0] =	vst.idx.add.f32.msk $0xffff, v9  }
0x50: {  	v28 =	vadd.s32 $0x5000, v7;
	v9 =	vld.idx.msk [tilespmem:v18+s2+$0x0], $0xffff  }
0x51: {  	v1 =	vadd.s32 $0x7800, v1;
	v12 =	vld.idx.msk [tilespmem:v33+s2+$0x0], $0xffff  }
0x52: {  	v27 =	vadd.s32 $0x2800, v24;
	v14 =	vld.idx.msk [tilespmem:v34+s2+$0x0], $0xffff  }
0x53: {  	v41 =	vadd.s32 $0x5000, v2;
	[tilespmem:v36+s13+$0x0] =	vst.idx.add.f32.msk $0xffff, v11  }
0x54: {  	v29 =	vadd.s32 $0x2800, v10;
	[tilespmem:v37+s13+$0x0] =	vst.idx.add.f32.msk $0xffff, v13  }
0x55: {  	v39 =	vadd.s32 $0x2800, v25;
	[tilespmem:v28+s13+$0x0] =	vst.idx.add.f32.msk $0xffff, v9  }
0x56: {  	v7 =	vadd.s32 $0x7800, v7;
	v1 =	vld.idx.msk [tilespmem:v1+s2+$0x0], $0xffff  }
0x57: {  	v45 =	vadd.s32 $0x5000, v8;
	[tilespmem:v27+s13+$0x0] =	vst.idx.add.f32.msk $0xffff, v12  }
0x58: {  	v47 =	vadd.s32 $0x5000, v21;
	v13 =	vld.idx.msk [tilespmem:v41+s2+$0x0], $0xffff  }
0x59: {  	v35 =	vadd.s32 $0x2800, v20;
	v9 =	vld.idx.msk [tilespmem:v29+s2+$0x0], $0xffff  }
0x5a: {  	v44 =	vadd.s32 $0x5000, v6;
	[tilespmem:v39+s13+$0x0] =	vst.idx.add.f32.msk $0xffff, v14  }
0x5b: {  	[tilespmem:v7+s13+$0x0] =	vst.idx.add.f32.msk $0xffff, v1;
	v1 =	vadd.s32 $0x2800, v4  }
0x5c: {  	v32 =	vadd.s32 $0x2800, v5;
	v14 =	vld.idx.msk [tilespmem:v45+s2+$0x0], $0xffff  }
0x5d: {  	v40 =	vadd.s32 $0x5000, v10;
	[tilespmem:v47+s13+$0x0] =	vst.idx.add.f32.msk $0xffff, v13  }
0x5e: {  	v52 =	vadd.s32 $0x5000, v25;
	[tilespmem:v35+s13+$0x0] =	vst.idx.add.f32.msk $0xffff, v9  }
0x5f: {  	v51 =	vadd.s32 $0x5000, v24;
	v9 =	vld.idx.msk [tilespmem:v44+s2+$0x0], $0xffff  }
0x60: {  	v38 =	vadd.s32 $0x2800, v22;
	v1 =	vld.idx.msk [tilespmem:v1+s2+$0x0], $0xffff  }
0x61: {  	v26 =	vadd.s32 $0x2800, v23;
	v7 =	vld.idx.msk [tilespmem:v32+s2+$0x0], $0xffff  }
0x62: {  	v46 =	vadd.s32 $0x5000, v20;
	v11 =	vld.idx.msk [tilespmem:v40+s2+$0x0], $0xffff  }
0x63: {  	v54 =	vadd.s32 $0x7800, v6;
	[tilespmem:v52+s13+$0x0] =	vst.idx.add.f32.msk $0xffff, v14  }
0x64: {  	v43 =	vadd.s32 $0x5000, v5;
	[tilespmem:v51+s13+$0x0] =	vst.idx.add.f32.msk $0xffff, v9  }
0x65: {  	[tilespmem:v38+s13+$0x0] =	vst.idx.add.f32.msk $0xffff, v1;
	v1 =	vadd.s32 $0x5000, v3  }
0x66: {  	v10 =	vadd.s32 $0x7800, v10;
	[tilespmem:v26+s13+$0x0] =	vst.idx.add.f32.msk $0xffff, v7  }
0x67: {  	v42 =	vadd.s32 $0x5000, v4;
	[tilespmem:v46+s13+$0x0] =	vst.idx.add.f32.msk $0xffff, v11  }
0x68: {  	v53 =	vadd.s32 $0x7800, v5;
	v62 =	vadd.s32 $0x7800, v24;
	v5 =	vld.idx.msk [tilespmem:v54+s2+$0x0], $0xffff  }
0x69: {  	v50 =	vadd.s32 $0x5000, v23;
	v12 =	vld.idx.msk [tilespmem:v43+s2+$0x0], $0xffff  }
0x6a: {  	v48 =	vadd.s32 $0x5000, v63;
	v1 =	vld.idx.msk [tilespmem:v1+s2+$0x0], $0xffff  }
0x6b: {  	v57 =	vadd.s32 $0x7800, v20;
	v55 =	vld.idx.msk [tilespmem:v10+s2+$0x0], $0xffff  }
0x6c: {  	v49 =	vadd.s32 $0x5000, v22;
	v7 =	vld.idx.msk [tilespmem:v42+s2+$0x0], $0xffff  }
0x6d: {  	v56 =	vadd.s32 $0x7800, v8;
	[tilespmem:v62+s13+$0x0] =	vst.idx.add.f32.msk $0xffff, v5  }
0x6e: {  	[tilespmem:v50+s13+$0x0] =	vst.idx.add.f32.msk $0xffff, v12  }
0x6f: {  	[tilespmem:v48+s13+$0x0] =	vst.idx.add.f32.msk $0xffff, v1;
	v1 =	vadd.s32 $0x7800, v2  }
0x70: {  	[tilespmem:v57+s13+$0x0] =	vst.idx.add.f32.msk $0xffff, v55;
	v2 =	vadd.s32 $0x7800, v3  }
0x71: {  	[tilespmem:v49+s13+$0x0] =	vst.idx.add.f32.msk $0xffff, v7;
	v3 =	vadd.s32 $0x7800, v4  }
0x72: {  	v59 =	vadd.s32 $0x7800, v63;
	v63 =	vadd.s32 $0x7800, v25;
	v7 =	vld.idx.msk [tilespmem:v56+s2+$0x0], $0xffff  }
0x73: {  	v61 =	vadd.s32 $0x7800, v23;
	v4 =	vld.idx.msk [tilespmem:v53+s2+$0x0], $0xffff  }
0x74: {  	v58 =	vadd.s32 $0x7800, v21;
	v1 =	vld.idx.msk [tilespmem:v1+s2+$0x0], $0xffff  }
0x75: {  	v2 =	vld.idx.msk [tilespmem:v2+s2+$0x0], $0xffff  }
0x76: {  	v60 =	vadd.s32 $0x7800, v22;
	v3 =	vld.idx.msk [tilespmem:v3+s2+$0x0], $0xffff  }
0x77: {  	[tilespmem:v63+s13+$0x0] =	vst.idx.add.f32.msk $0xffff, v7  }
0x78: {  	[tilespmem:v61+s13+$0x0] =	vst.idx.add.f32.msk $0xffff, v4  }
0x79: {  	[tilespmem:v58+s13+$0x0] =	vst.idx.add.f32.msk $0xffff, v1  }
0x7a: {  	[tilespmem:v59+s13+$0x0] =	vst.idx.add.f32.msk $0xffff, v2  }
0x7b: {  	s18 =	simm.s32 $0x140C0;
	s17 =	simm.s32 $0x0;
	[tilespmem:v60+s13+$0x0] =	vst.idx.add.f32.msk $0xffff, v3  }
.LBB2_4:
0x7c: {  	v12 =	vld [tilespmem:s18+$0x30];
	s17 =	sadd.s32 $0x8, s17  }
0x7d: {  	v5 =	vld [tilespmem:s18+$0xFFFFFFD0];
	p0 =	slt.u32 s17, $0x270  }
0x7e: {  	v6 =	vld [tilespmem:s18+$0xFFFFFFE0]  }
0x7f: {  	v10 =	vld [tilespmem:s18+$0xFFFFFFF0]  }
0x80: {  	v13 =	vld [tilespmem:s18+$0x0]  }
0x81: {  	s16 =	sadd.s32 $0x80, s16;
	v14 =	vld [tilespmem:s18+$0x10]  }
0x82: {  	v15 =	vadd.s32 $0x2800, v5;
	v7 =	vadd.s32 $0x5000, v5;
	v1 =	vadd.s32 $0x7800, v5;
	v16 =	vld [tilespmem:s16+$0x30]  }
0x83: {  	v17 =	vadd.s32 $0x2800, v6;
	v8 =	vadd.s32 $0x5000, v6;
	v2 =	vadd.s32 $0x7800, v6;
	v18 =	vld [tilespmem:s18+$0x20]  }
0x84: {  	v19 =	vadd.s32 $0x2800, v10;
	v9 =	vadd.s32 $0x5000, v10;
	v3 =	vadd.s32 $0x7800, v10;
	v20 =	vld.idx.msk [tilespmem:v12+s2+$0x0], $0xffff  }
0x85: {  	v21 =	vld [tilespmem:s18+$0xFFFFFFC0];
	v22 =	vadd.s32 $0x2800, v13;
	v11 =	vadd.s32 $0x5000, v13;
	v4 =	vadd.s32 $0x7800, v13  }
0x86: {  	v26 =	vadd.s32 $0x2800, v12;
	v23 =	vld.idx.msk [tilespmem:v5+s2+$0x0], $0xffff;
	v24 =	vadd.s32 $0x2800, v14;
	v25 =	vadd.s32 $0x5000, v14  }
0x87: {  	v5 =	vadd.s32 $0x7800, v14;
	v27 =	vld.idx.msk [tilespmem:v6+s2+$0x0], $0xffff  }
0x88: {  	v28 =	vld.idx.msk [tilespmem:v10+s2+$0x0], $0xffff;
	v29 =	vadd.s32 $0x2800, v18;
	v30 =	vadd.s32 $0x5000, v18;
	v6 =	vadd.s32 $0x7800, v18  }
0x89: {  	v13 =	vld.idx.msk [tilespmem:v13+s2+$0x0], $0xffff  }
0x8a: {  	v31 =	vadd.s32 $0x2800, v21;
	v32 =	vadd.s32 $0x5000, v21;
	v10 =	vadd.s32 $0x7800, v21;
	[tilespmem:v16+s13+$0x0] =	vst.idx.add.f32.msk $0xffff, v20  }
0x8b: {  	v20 =	vld.idx.msk [tilespmem:v26+s2+$0x0], $0xffff  }
0x8c: {  	v26 =	vadd.s32 $0x2800, v16;
	v14 =	vld.idx.msk [tilespmem:v14+s2+$0x0], $0xffff  }
0x8d: {  	v33 =	vadd.s32 $0x5000, v12;
	v21 =	vld.idx.msk [tilespmem:v21+s2+$0x0], $0xffff  }
0x8e: {  	v18 =	vld.idx.msk [tilespmem:v18+s2+$0x0], $0xffff  }
0x8f: {  	v34 =	vld [tilespmem:s16+$0xFFFFFFC0]  }
0x90: {  	v35 =	vld [tilespmem:s16+$0xFFFFFFD0]  }
0x91: {  	[tilespmem:v26+s13+$0x0] =	vst.idx.add.f32.msk $0xffff, v20  }
0x92: {  	v20 =	vld.idx.msk [tilespmem:v33+s2+$0x0], $0xffff  }
0x93: {  	v33 =	vadd.s32 $0x5000, v16;
	v26 =	vld [tilespmem:s16+$0xFFFFFFE0]  }
0x94: {  	v12 =	vadd.s32 $0x7800, v12;
	v36 =	vadd.s32 $0x2800, v34;
	v37 =	vadd.s32 $0x5000, v34;
	v38 =	vld [tilespmem:s16+$0xFFFFFFF0]  }
0x95: {  	v39 =	vadd.s32 $0x7800, v34;
	v40 =	vadd.s32 $0x2800, v35;
	v41 =	vadd.s32 $0x5000, v35;
	v42 =	vld [tilespmem:s16+$0x0]  }
0x96: {  	v43 =	vadd.s32 $0x7800, v35;
	v44 =	vld [tilespmem:s16+$0x10]  }
0x97: {  	v45 =	vld [tilespmem:s16+$0x20]  }
0x98: {  	v46 =	vadd.s32 $0x2800, v26;
	v47 =	vadd.s32 $0x5000, v26;
	v48 =	vadd.s32 $0x7800, v26;
	[tilespmem:v33+s13+$0x0] =	vst.idx.add.f32.msk $0xffff, v20  }
0x99: {  	v20 =	vadd.s32 $0x2800, v38;
	v33 =	vadd.s32 $0x5000, v38;
	v49 =	vadd.s32 $0x7800, v38;
	v12 =	vld.idx.msk [tilespmem:v12+s2+$0x0], $0xffff  }
0x9a: {  	v16 =	vadd.s32 $0x7800, v16;
	[tilespmem:v34+s13+$0x0] =	vst.idx.add.f32.msk $0xffff, v21;
	v21 =	vadd.s32 $0x2800, v42;
	v34 =	vadd.s32 $0x5000, v42  }
0x9b: {  	[tilespmem:v35+s13+$0x0] =	vst.idx.add.f32.msk $0xffff, v23;
	v23 =	vadd.s32 $0x7800, v42;
	v35 =	vadd.s32 $0x2800, v44;
	v50 =	vadd.s32 $0x5000, v44  }
0x9c: {  	[tilespmem:v26+s13+$0x0] =	vst.idx.add.f32.msk $0xffff, v27;
	v26 =	vadd.s32 $0x7800, v44;
	v27 =	vadd.s32 $0x2800, v45;
	v51 =	vadd.s32 $0x5000, v45  }
0x9d: {  	[tilespmem:v38+s13+$0x0] =	vst.idx.add.f32.msk $0xffff, v28;
	v28 =	vadd.s32 $0x7800, v45  }
0x9e: {  	[tilespmem:v42+s13+$0x0] =	vst.idx.add.f32.msk $0xffff, v13  }
0x9f: {  	[tilespmem:v16+s13+$0x0] =	vst.idx.add.f32.msk $0xffff, v12  }
0xa0: {  	[tilespmem:v44+s13+$0x0] =	vst.idx.add.f32.msk $0xffff, v14  }
0xa1: {  	[tilespmem:v45+s13+$0x0] =	vst.idx.add.f32.msk $0xffff, v18  }
0xa2: {  	v12 =	vld.idx.msk [tilespmem:v31+s2+$0x0], $0xffff  }
0xa3: {  	v13 =	vld.idx.msk [tilespmem:v15+s2+$0x0], $0xffff  }
0xa4: {  	v14 =	vld.idx.msk [tilespmem:v17+s2+$0x0], $0xffff  }
0xa5: {  	v15 =	vld.idx.msk [tilespmem:v19+s2+$0x0], $0xffff  }
0xa6: {  	v16 =	vld.idx.msk [tilespmem:v22+s2+$0x0], $0xffff  }
0xa7: {  	v17 =	vld.idx.msk [tilespmem:v24+s2+$0x0], $0xffff  }
0xa8: {  	v18 =	vld.idx.msk [tilespmem:v29+s2+$0x0], $0xffff  }
0xa9: {  	[tilespmem:v36+s13+$0x0] =	vst.idx.add.f32.msk $0xffff, v12  }
0xaa: {  	[tilespmem:v40+s13+$0x0] =	vst.idx.add.f32.msk $0xffff, v13  }
0xab: {  	[tilespmem:v46+s13+$0x0] =	vst.idx.add.f32.msk $0xffff, v14  }
0xac: {  	[tilespmem:v20+s13+$0x0] =	vst.idx.add.f32.msk $0xffff, v15  }
0xad: {  	[tilespmem:v21+s13+$0x0] =	vst.idx.add.f32.msk $0xffff, v16  }
0xae: {  	[tilespmem:v35+s13+$0x0] =	vst.idx.add.f32.msk $0xffff, v17  }
0xaf: {  	[tilespmem:v27+s13+$0x0] =	vst.idx.add.f32.msk $0xffff, v18  }
0xb0: {  	v12 =	vld.idx.msk [tilespmem:v32+s2+$0x0], $0xffff  }
0xb1: {  	v7 =	vld.idx.msk [tilespmem:v7+s2+$0x0], $0xffff  }
0xb2: {  	v8 =	vld.idx.msk [tilespmem:v8+s2+$0x0], $0xffff  }
0xb3: {  	v9 =	vld.idx.msk [tilespmem:v9+s2+$0x0], $0xffff  }
0xb4: {  	v11 =	vld.idx.msk [tilespmem:v11+s2+$0x0], $0xffff  }
0xb5: {  	v13 =	vld.idx.msk [tilespmem:v25+s2+$0x0], $0xffff  }
0xb6: {  	v14 =	vld.idx.msk [tilespmem:v30+s2+$0x0], $0xffff  }
0xb7: {  	[tilespmem:v37+s13+$0x0] =	vst.idx.add.f32.msk $0xffff, v12  }
0xb8: {  	[tilespmem:v41+s13+$0x0] =	vst.idx.add.f32.msk $0xffff, v7  }
0xb9: {  	[tilespmem:v47+s13+$0x0] =	vst.idx.add.f32.msk $0xffff, v8  }
0xba: {  	[tilespmem:v33+s13+$0x0] =	vst.idx.add.f32.msk $0xffff, v9  }
0xbb: {  	[tilespmem:v34+s13+$0x0] =	vst.idx.add.f32.msk $0xffff, v11  }
0xbc: {  	[tilespmem:v50+s13+$0x0] =	vst.idx.add.f32.msk $0xffff, v13  }
0xbd: {  	[tilespmem:v51+s13+$0x0] =	vst.idx.add.f32.msk $0xffff, v14  }
0xbe: {  	v7 =	vld.idx.msk [tilespmem:v10+s2+$0x0], $0xffff  }
0xbf: {  	v1 =	vld.idx.msk [tilespmem:v1+s2+$0x0], $0xffff  }
0xc0: {  	v2 =	vld.idx.msk [tilespmem:v2+s2+$0x0], $0xffff  }
0xc1: {  	v3 =	vld.idx.msk [tilespmem:v3+s2+$0x0], $0xffff  }
0xc2: {  	v4 =	vld.idx.msk [tilespmem:v4+s2+$0x0], $0xffff  }
0xc3: {  	v5 =	vld.idx.msk [tilespmem:v5+s2+$0x0], $0xffff  }
0xc4: {  	v6 =	vld.idx.msk [tilespmem:v6+s2+$0x0], $0xffff  }
0xc5: {  	[tilespmem:v39+s13+$0x0] =	vst.idx.add.f32.msk $0xffff, v7  }
0xc6: {  	[tilespmem:v43+s13+$0x0] =	vst.idx.add.f32.msk $0xffff, v1  }
.Ltmp1:
0xc7: {  	[tilespmem:v48+s13+$0x0] =	vst.idx.add.f32.msk $0xffff, v2;
	(pc) =	sbr.rel @p0 .LBB2_4-.Ltmp1, $4  }
0xc8: {  	[tilespmem:v49+s13+$0x0] =	vst.idx.add.f32.msk $0xffff, v3  }
0xc9: {  	[tilespmem:v23+s13+$0x0] =	vst.idx.add.f32.msk $0xffff, v4  }
0xca: {  	[tilespmem:v26+s13+$0x0] =	vst.idx.add.f32.msk $0xffff, v5  }
0xcb: {  	s18 =	sadd.s32 $0x80, s18;
	[tilespmem:v28+s13+$0x0] =	vst.idx.add.f32.msk $0xffff, v6  }
0xcc: {  	s15 =	sadd.s32 $0x1, s15  }
0xcd: {  	p0 =	sne.s32 s15, s7  }
.Ltmp2:
0xce: {  	_ = 	snop;
	(pc) =	sbr.rel @p0 .LBB2_1-.Ltmp2, $4  }
0xcf: {  	[hbm4b:s6+s8] =	stream.strided.scatter [tilespmem:s13], [sflag:$0x2], $0xA000, s9, s8, $0x38;
	[tilespmem:$0x18F00] =	vst v63  }
0xd0: {  	_ =	swait.ge [sflag:s14], $0xA000  }
0xd1: {  	[sflag:s14] =	ssyncset.done $0x0  }
0xd2: {  	[sflag:s14] =	ssyncadd.s32 $0xFFFF6000  }
0xd3: {  	_ =	sfence.sel $0x180000  }
0xd4: {  	[bflag:$0x0] =	sbarrier.arrive $0xFFFF  }
0xd5: {  	p0 =	sne.s32 s1, $0x0;
	_ =	strace $0x9000004D  }
0xd6: {  	s0 =	sadd.s32 @!p0 $0x100000, s0;
	[bflag:$0x2] =	sbarrier.arrive $0xFFFF  }
0xd7: {  	[sflag:s0] =	ssyncadd.tile.s32 @!p0 $0x1;
	_ =	shalt  }
.Lfunc_end2:
_tile_overlayer_lowered:
.L_overlay_start_2:
0xd8: {  	(tag) =	ssettag $0x2  }
0xd9: {  	s0 =	rddreg [dreg:$0x0];
	s2 =	stileid.u32  }
0xda: {  	s1 =	rddreg [dreg:$0x1];
	p0 =	sne.s32 s2, $0x0  }
0xdb: {  	s3 =	rddreg [dreg:$0x2];
	[bflag:$0x3] =	sbarrier.arrive $0xFFFF;
	s2 =	simm.s32 @!p0 $0x1C02  }
0xdc: {  	[timem:s3], [sflag:s2] =	dma.local @!p0 [hbm:s0], s1  }
0xdd: {  	s0 =	simm.s32 @!p0 $0x2  }
0xde: {  	_ =	swait.ge @!p0 [sflag:s0], s1  }
0xdf: {  	s1 =	ssub.s32 @!p0 $0x0, s1;
	[sflag:s0] =	ssyncset.done @!p0 $0x0  }
0xe0: {  	[sflag:s0] =	ssyncadd.s32 @!p0 s1  }
0xe1: {  	[bflag:$0x3] =	sbarrier.arrive $0xFFFF  }
0xe2: {  	_ =	shalt  }

// kernel: kernel.19.cloned.1.call-start
scs
__scs_entry_jumppad:
0x0: {  	(pc) =	sbr.rel $0x88, $3  }
0x1: {  	(tag) =	ssettag $0x0;
	lr =	simm.s32 $0x1  }
0x2: {  	[smem:$0x3F97] =	sst lr;
	_ =	strace $0xD0000000  }
0x3: {  	_ = 	snop  }
0x4: {  	_ = 	snop  }
0x5: {  	_ = 	snop  }
0x6: {  	_ = 	snop  }
0x7: {  	_ = 	snop  }
__scs_overlays_trampoline_lowered:
0x8: {  	[smem:$0x3FA6] =	sst s0  }
0x9: {  	[smem:$0x3FA7] =	sst s1  }
0xa: {  	[smem:$0x3FA8] =	sst s2  }
0xb: {  	[smem:$0x3FA9] =	sst s3  }
0xc: {  	[smem:$0x3FAA] =	sst s4  }
0xd: {  	[smem:$0x3FAB] =	sst s5  }
0xe: {  	[smem:$0x3FAC] =	sst s6  }
0xf: {  	[smem:$0x3FAD] =	sst s7  }
0x10: {  	[smem:$0x3FAE] =	sst s8  }
0x11: {  	[smem:$0x3FAF] =	sst s9;
	s0 =	simm.s32 @!p0 $0x0  }
0x12: {  	s1 =	sld [smem:$0x3F95];
	s0 =	simm.s32 @p0 $0x1  }
0x13: {  	[smem:$0x3FB0] =	sst s0;
	s0 =	simm.s32 @!p1 $0x0  }
0x14: {  	s2 =	sld [smem:$0x3F94];
	s0 =	simm.s32 @p1 $0x1  }
0x15: {  	[smem:$0x3FB1] =	sst s0;
	s0 =	simm.s32 @!p2 $0x0  }
0x16: {  	s3 =	sld [smem:$0x3FDB];
	s0 =	simm.s32 @p2 $0x1  }
0x17: {  	s4 =	simm.s32 $0x1BF5;
	[smem:$0x3FB3] =	sst s0  }
0x18: {  	s0 =	sld [smem:$0x3F96];
	_ =	swait.ge [sflag:s4], $0x0  }
0x19: {  	s7 =	sld [smem:$0x3F97]  }
0x1a: {  	s8 =	sadd.s32 $0xFFFFE003, lr  }
0x1b: {  	s9 =	sadd.s32 $0xFFFFFEF7, lr;
	s5 =	simm.s32 $0xFFFFFFFF;
	p2 =	slt.u32 s8, $0xFFFFF086  }
0x1c: {  	p1 =	slt.u32 s9, $0xF7A;
	s5 =	simm.s32 @!p2 $0x0  }
0x1d: {  	s5 =	simm.s32 @p1 $0x1;
	p0 =	seq.s32 s7, s2  }
0x1e: {  	s7 =	smul.u32 @!p0 $0xF7A, s2;
	p2 =	seq.s32 @!p0 s5, $0x0  }
0x1f: {  	s9 =	smul.u32 $0xF7A, s1;
	s8 =	simm.s32 @!p0 $0x1BF5;
	p2 =	por !p2, p0  }
0x20: {  	[sflag:s8] =	ssyncset.s32 @!p0 $0xFFFFF086;
	s6 =	sadd.s32 @!p0 s3, s7;
	s7 =	simm.s32 @!p0 $0x108  }
0x21: {  	s3 =	sadd.s32 s3, s9;
	s6 =	sadd.s32 @!p0 $0x88, s6;
	s7 =	simm.s32 @p2 $0x1082  }
0x22: {  	[simem:s7], [sflag:s8] =	dma.local @!p0 [hbm:s6], $0xF7A  }
0x23: {  	s9 =	sor.u32 $0xD0000000, s2;
	s6 =	simm.s32 $0x108;
	_ =	swait.ge @!p0 [sflag:s8], $0x0  }
0x24: {  	s3 =	sadd.s32 $0x88, s3;
	s6 =	simm.s32 @!p1 $0x1082;
	[sflag:s4] =	ssyncset.s32 $0xFFFFF086  }
0x25: {  	[simem:s6], [sflag:s4] =	dma.local [hbm:s3], $0xF7A  }
0x26: {  	[smem:$0x3F97] =	sst s1;
	(tag) =	ssettag s2;
	_ =	strace s9  }
0x27: {  	s1 =	sld [smem:$0x3FA7]  }
0x28: {  	s2 =	sld [smem:$0x3FA8]  }
0x29: {  	s4 =	sld [smem:$0x3FAA]  }
0x2a: {  	p0 =	seq.s32 s5, $0x0;
	s5 =	sld [smem:$0x3FAB]  }
0x2b: {  	s6 =	sld [smem:$0x3FAC]  }
0x2c: {  	s7 =	sld [smem:$0x3FAD]  }
0x2d: {  	s3 =	simm.s32 $0x108;
	s8 =	sld [smem:$0x3FAE]  }
0x2e: {  	s3 =	simm.s32 @!p0 $0x1082;
	s9 =	sld [smem:$0x3FAF]  }
0x2f: {  	lr =	sadd.s32 s0, s3;
	s0 =	sld [smem:$0x3FA6]  }
0x30: {  	s3 =	sld [smem:$0x3FA9]  }
0x31: {  	[smem:$0x3FB2] =	sst s10  }
0x32: {  	s10 =	sld [smem:$0x3FB0];
	_ =	sdelay $0x3  }
0x33: {  	p0 =	seq.s32 s10, $0x1;
	s10 =	sld [smem:$0x3FB2];
	_ =	sdelay $0x3  }
0x34: {  	[smem:$0x3FB2] =	sst s10  }
0x35: {  	s10 =	sld [smem:$0x3FB1];
	_ =	sdelay $0x3  }
0x36: {  	p1 =	seq.s32 s10, $0x1;
	s10 =	sld [smem:$0x3FB2];
	_ =	sdelay $0x3  }
0x37: {  	[smem:$0x3FB2] =	sst s10  }
0x38: {  	s10 =	sld [smem:$0x3FB3]  }
0x39: {  	_ = 	snop;
	(pc) =	sbr.ind lr, $3  }
0x3a: {  	_ = 	snop  }
0x3b: {  	_ = 	snop  }
0x3c: {  	p2 =	seq.s32 s10, $0x1;
	s10 =	sld [smem:$0x3FB2]  }
0x3d: {  	_ =	shalt  }
0x3e: {  	_ =	shalt  }
0x3f: {  	_ =	shalt  }
0x40: {  	_ =	shalt  }
0x41: {  	_ =	shalt  }
0x42: {  	_ =	shalt  }
0x43: {  	_ =	shalt  }
0x44: {  	_ =	shalt  }
0x45: {  	_ =	shalt  }
0x46: {  	_ =	shalt  }
0x47: {  	_ =	shalt  }
0x48: {  	_ =	shalt  }
0x49: {  	_ =	shalt  }
0x4a: {  	_ =	shalt  }
0x4b: {  	_ =	shalt  }
0x4c: {  	_ =	shalt  }
0x4d: {  	_ =	shalt  }
0x4e: {  	_ =	shalt  }
0x4f: {  	_ =	shalt  }
0x50: {  	_ =	shalt  }
0x51: {  	_ =	shalt  }
0x52: {  	_ =	shalt  }
0x53: {  	_ =	shalt  }
0x54: {  	_ =	shalt  }
0x55: {  	_ =	shalt  }
0x56: {  	_ =	shalt  }
0x57: {  	_ =	shalt  }
0x58: {  	_ =	shalt  }
0x59: {  	_ =	shalt  }
0x5a: {  	_ =	shalt  }
0x5b: {  	_ =	shalt  }
0x5c: {  	_ =	shalt  }
0x5d: {  	_ =	shalt  }
0x5e: {  	_ =	shalt  }
0x5f: {  	_ =	shalt  }
0x60: {  	_ =	shalt  }
0x61: {  	_ =	shalt  }
0x62: {  	_ =	shalt  }
0x63: {  	_ =	shalt  }
0x64: {  	_ =	shalt  }
0x65: {  	_ =	shalt  }
0x66: {  	_ =	shalt  }
0x67: {  	_ =	shalt  }
0x68: {  	_ =	shalt  }
0x69: {  	_ =	shalt  }
0x6a: {  	_ =	shalt  }
0x6b: {  	_ =	shalt  }
0x6c: {  	_ =	shalt  }
0x6d: {  	_ =	shalt  }
0x6e: {  	_ =	shalt  }
0x6f: {  	_ =	shalt  }
0x70: {  	_ =	shalt  }
0x71: {  	_ =	shalt  }
0x72: {  	_ =	shalt  }
0x73: {  	_ =	shalt  }
0x74: {  	_ =	shalt  }
0x75: {  	_ =	shalt  }
0x76: {  	_ =	shalt  }
0x77: {  	_ =	shalt  }
0x78: {  	_ =	shalt  }
0x79: {  	_ =	shalt  }
0x7a: {  	_ =	shalt  }
0x7b: {  	_ =	shalt  }
0x7c: {  	_ =	shalt  }
0x7d: {  	_ =	shalt  }
0x7e: {  	_ =	shalt  }
0x7f: {  	_ =	shalt  }
0x80: {  	_ =	shalt  }
0x81: {  	_ =	shalt  }
0x82: {  	_ =	shalt  }
0x83: {  	_ =	shalt  }
0x84: {  	_ =	shalt  }
0x85: {  	_ =	shalt  }
0x86: {  	_ =	shalt  }
0x87: {  	_ =	shalt  }
.Lfunc_end0:
.L_simem_size_0:
called_computation.3_lowered:
.L_overlay_start_0:
0x88: {  	s2 =	sld [smem:$0x3FD9]  }
0x89: {  	s3 =	sld [smem:$0x3FFE];
	_ =	sdelay $0x1  }
0x8a: {  	s1 =	srdreg.scid  }
0x8b: {  	s0 =	sand.u32 $0x1, s1  }
0x8c: {  	s14 =	sshll.u32 s0, $0xA;
	s2 =	sadd.s32 s3, s2  }
0x8d: {  	s2 =	sadd.s32 s2, s14  }
0x8e: {  	[smem:$0x3FBE] =	sst s2  }
0x8f: {  	_ = 	snop  }
0x90: {  	s2 =	sld [smem:$0x3FD0];
	_ =	sdelay $0x2  }
0x91: {  	s15 =	simm.s32 $0xA;
	s4 =	simm.s32 $0x10  }
0x92: {  	[smem:s4], [sflag:s15] =	dma.local [hbm:s2], $0x1  }
0x93: {  	_ =	swait.eq [sflag:s15], $0x1  }
0x94: {  	[sflag:s15] =	ssyncset.done $0x0  }
0x95: {  	[sflag:s15] =	ssyncadd.s32 $0xFFFFFFFF  }
0x96: {  	s16 =	sld [smem:$0x10];
	(tm) =	ssettm $0x1  }
0x97: {  	s17 =	sld [smem:$0x3FFB];
	_ =	sdelay $0x3  }
0x98: {  	_ =	strace s17  }
0x99: {  	s3 =	sld [smem:$0x3FFC];
	_ =	sdelay $0x3  }
0x9a: {  	_ =	strace s3  }
0x9b: {  	s3 =	sld [smem:$0x3FFD];
	_ =	sdelay $0x3  }
0x9c: {  	_ =	strace s3  }
0x9d: {  	_ =	strace $0x8FFFFFFF  }
0x9e: {  	s18 =	sld [smem:$0x3FDB];
	_ =	sdelay $0x1  }
0x9f: {  	s19 =	simm.s32 $_scs_section_size  }
0xa0: {  	s5 =	simm.s32 $_size__tile_overlayer_lowered;
	s6 =	simm.s32 $_tile_overlayer_lowered  }
0xa1: {  	s22 =	simm.s32 $0x1BFF;
	s21 =	sshll.u32 s6, $0x1;
	s3 =	sadd.s32 s19, s18  }
0xa2: {  	s7 =	simm.s32 $0x0;
	s20 =	sshll.u32 s5, $0x1;
	s5 =	sadd.s32 s21, s3  }
0xa3: {  	[timem:s7], [sflag:s22] =	dma.local [hbm:s5], s20  }
0xa4: {  	_ =	swait.ge [sflag:s22], s20  }
0xa5: {  	s4 =	ssub.s32 $0x0, s20;
	[sflag:s22] =	ssyncset.done $0x0  }
0xa6: {  	[sflag:s22] =	ssyncadd.s32 s4;
	_ =	sdelay $0x1  }
0xa7: {  	s23 =	simm.s32 $0x1B8B  }
0xa8: {  	_ =	swait.ge [sflag:s23], $0x1  }
0xa9: {  	[sflag:s23] =	ssyncset.done $0x0  }
0xaa: {  	s25 =	simm.s32 $0x1B8E;
	s24 =	sld [smem:$0x3FFE];
	[sflag:s23] =	ssyncadd.s32 $0xFFFFFFFF  }
0xab: {  	s26 =	simm.s32 $execute0_lowered;
	[smem:$0x3FD2] =	sst s25  }
0xac: {  	s5 =	sshll.u32 s26, $0x1;
	_ =	strace $0x8000004F;
	[dreg:$0x1] =	wrdreg $0xFFFFFFFF  }
0xad: {  	s28 =	simm.s32 $_size_execute0_lowered;
	s3 =	sadd.s32 s3, s5;
	[dreg:$0x0] =	wrdreg $0x0  }
0xae: {  	s5 =	sshll.u32 s28, $0x1;
	[dreg:$0x2] =	wrdreg s3  }
0xaf: {  	[dreg:$0x3] =	wrdreg s5  }
0xb0: {  	[dreg:$0x4] =	wrdreg $0xC0  }
0xb1: {  	_ =	task [dreg:s7], $0x5FFFF  }
0xb2: {  	[dreg:$0x1] =	wrdreg $0xFFFFFFFF  }
0xb3: {  	[dreg:$0x0] =	wrdreg $0x60  }
0xb4: {  	[dreg:$0x2] =	wrdreg s16  }
0xb5: {  	[dreg:$0x3] =	wrdreg s24  }
0xb6: {  	[dreg:$0x4] =	wrdreg $0x9  }
0xb7: {  	_ =	task.clear_ibuf [dreg:s7], $0x5FFFF;
	_ =	strace $0x9000004F  }
0xb8: {  	s29 =	simm.s32 $0x9;
	_ =	strace $0x80000051  }
0xb9: {  	_ =	swait.ge [sflag:s29], $0x1  }
0xba: {  	[sflag:s29] =	ssyncadd.s32 $0xFFFFFFFF  }
0xbb: {  	_ =	strace $0x90000051  }
0xbc: {  	_ =	sfence  }
0xbd: {  	s30 =	sld [smem:$0x0];
	_ =	sdelay $0x2  }
0xbe: {  	s31 =	sshll.u32 s1, $0xD;
	s1 =	sshrl.u32 s1, $0x2  }
0xbf: {  	s3 =	sand.u32 $0x4000, s31;
	s1 =	sadd.s32 s1, s30  }
0xc0: {  	s0 =	sor.u32 s3, s0;
	s1 =	sshll.u32 s1, $0x11  }
0xc1: {  	s0 =	sor.u32 s1, s0  }
0xc2: {  	s0 =	sadd.s32 $0x8F2B, s0  }
0xc3: {  	[sflag:s0] =	ssyncadd.remote.s32 $0x1  }
0xc4: {  	_ =	sfence.sel $0xFFFF  }
0xc5: {  	[dreg:$0x0] =	wrdreg $0xFFFFFFFF;
	(pc) =	sbr.abs _section_cstart, $3  }
0xc6: {  	[dreg:$0x1] =	wrdreg $0xFFFFFFFF  }
0xc7: {  	_ =	task.clear_ibuf [dreg:s7], $0x2FFFF;
	_ =	strace $0x9FFFFFFF  }
0xc8: {  	(tm) =	ssettm $0x7FFFFFFF  }
0xc9: {  	_ =	shalt  }
tec
execute0_lowered:
.L_overlay_start_1:
0x0: {  	(tag) =	ssettag $0x1  }
0x1: {  	s2 =	rddreg [dreg:$0x0]  }
0x2: {  	s4 =	rddreg [dreg:$0x1]  }
0x3: {  	s0 =	rddreg [dreg:$0x2];
	s3 =	simm.s32 $0x0  }
0x4: {  	s1 =	stileid.u32;
	s5 =	srdreg.scid;
	s10 =	simm.s32 $0xA000  }
0x5: {  	s11 =	simm.s32 $0xC780;
	s12 =	simm.s32 $0x1;
	s13 =	simm.s32 $0x5000  }
0x6: {  	s14 =	simm.s32 $0x2;
	s15 =	simm.s32 $0x0;
	[smem:$0x7FF] =	sst s3  }
0x7: {  	s6 =	sshrl.u32 s1, $0x2;
	s5 =	sand.u32 $0x1, s5;
	s7 =	sshll.u32 s1, $0x8  }
0x8: {  	s8 =	smul.u32 $0x13C00, s6;
	s9 =	sshll.u32 s5, $0x7;
	s7 =	sand.u32 $0x300, s7  }
0x9: {  	s6 =	smul.u32 $0x28000, s6;
	s5 =	ssub.s32 $0x2, s5;
	s7 =	sor.u32 s9, s7  }
0xa: {  	_ =	strace $0x80000050;
	s31 =	sshrl.u32 s5, $0x1;
	s8 =	sor.u32 s8, s7  }
0xb: {  	s9 =	simm.s32 $0x400;
	s6 =	sor.u32 s6, s7;
	s30 =	sshrl.u32 s8, $0x3  }
0xc: {  	s6 =	sshrl.u32 s6, $0x3;
	s8 =	ssub.s32 s5, s31;
	s7 =	sadd.s32 s30, s4  }
0xd: {  	s6 =	sadd.s32 s6, s4;
	s4 =	sadd.s32 $0x2C00, s7;
	s5 =	sadd.s32 $0xCA00, s7  }
0xe: {  	v0 =	vimm.f32 $0.0e+00;
	s6 =	sadd.s32 $0x16800, s6;
	s7 =	smax.u32 s8, $0x1;
	s8 =	simm.s32 $0x80  }
.LBB2_1:
0xf: {  	[tilespmem:s3], [sflag:$0x1] =	stream.linear.gather [hbm4b:s2+s3], $0x5000, $0x38;
	[tilespmem:$0xEF00] =	vst v63  }
0x10: {  	_ = 	snop  }
0x11: {  	[tilespmem:s10], [sflag:$0x1] =	stream.strided.gather [hbm4b:s4+s8], $0x2780, s9, s8, $0x38;
	[tilespmem:$0xEF00] =	vst v63  }
0x12: {  	s16 =	simm.s32 $0x5040  }
0x13: {  	[tilespmem:s11], [sflag:$0x1] =	stream.strided.gather [hbm4b:s5+s8], $0x2780, s9, s8, $0x38;
	[tilespmem:$0xEF00] =	vst v63  }
0x14: {  	[tilespmem:s16+$0xFFFFFFC0] =	vst v0  }
0x15: {  	[tilespmem:s16+$0x30] =	vst v0  }
0x16: {  	[tilespmem:s16+$0x20] =	vst v0  }
0x17: {  	[tilespmem:s16+$0x10] =	vst v0  }
0x18: {  	[tilespmem:s16+$0x0] =	vst v0  }
0x19: {  	[tilespmem:s16+$0xFFFFFFF0] =	vst v0  }
0x1a: {  	s17 =	simm.s32 $0x0;
	[tilespmem:s16+$0xFFFFFFE0] =	vst v0  }
.LBB2_2:
0x1b: {  	s17 =	sadd.s32 $0x8, s17;
	[tilespmem:s16+$0xFFFFFFD0] =	vst v0;
	s16 =	sadd.s32 $0x80, s16  }
0x1c: {  	[tilespmem:s16+$0xFFFFFFC0] =	vst v0;
	p0 =	slt.u32 s17, $0x4F8  }
0x1d: {  	[tilespmem:s16+$0x30] =	vst v0  }
.Ltmp0:
0x1e: {  	[tilespmem:s16+$0x20] =	vst v0;
	(pc) =	sbr.rel @p0 .LBB2_2-.Ltmp0, $4  }
0x1f: {  	[tilespmem:s16+$0x10] =	vst v0  }
0x20: {  	[tilespmem:s16+$0x0] =	vst v0  }
0x21: {  	[tilespmem:s16+$0xFFFFFFF0] =	vst v0  }
0x22: {  	[tilespmem:s16+$0xFFFFFFE0] =	vst v0  }
0x23: {  	[tilespmem:s16+$0xFFFFFFD0] =	vst v0  }
0x24: {  	_ =	swait.ge [sflag:s12], $0x5000  }
0x25: {  	[sflag:s12] =	ssyncset.done $0x0  }
0x26: {  	[sflag:s12] =	ssyncadd.s32 $0xFFFFB000  }
0x27: {  	_ =	swait.ge [sflag:s12], $0x2780  }
0x28: {  	[sflag:s12] =	ssyncset.done $0x0  }
0x29: {  	[sflag:s12] =	ssyncadd.s32 $0xFFFFD880  }
0x2a: {  	_ =	swait.ge [sflag:s12], $0x2780  }
0x2b: {  	[sflag:s12] =	ssyncset.done $0x0  }
0x2c: {  	s17 =	simm.s32 $0xA040;
	[sflag:s12] =	ssyncadd.s32 $0xFFFFD880  }
0x2d: {  	v1 =	vld [tilespmem:s17+$0x30]  }
0x2e: {  	v2 =	vld [tilespmem:s17+$0xFFFFFFD0]  }
0x2f: {  	v3 =	vld [tilespmem:s17+$0xFFFFFFE0]  }
0x30: {  	v4 =	vld [tilespmem:s17+$0xFFFFFFF0]  }
0x31: {  	v5 =	vld [tilespmem:s17+$0x0]  }
0x32: {  	s16 =	simm.s32 $0xC7C0;
	v6 =	vld [tilespmem:s17+$0x10]  }
0x33: {  	v7 =	vld [tilespmem:s16+$0x30]  }
0x34: {  	v8 =	vld [tilespmem:s17+$0x20]  }
0x35: {  	v10 =	vld [tilespmem:s17+$0xFFFFFFC0]  }
0x36: {  	v17 =	vld [tilespmem:s16+$0xFFFFFFC0]  }
0x37: {  	v18 =	vld [tilespmem:s16+$0xFFFFFFD0]  }
0x38: {  	v58 =	vld [tilespmem:s16+$0xFFFFFFF0]  }
0x39: {  	v19 =	vld [tilespmem:s16+$0x0]  }
0x3a: {  	v20 =	vld [tilespmem:s16+$0x10]  }
0x3b: {  	v21 =	vld [tilespmem:s16+$0x20]  }
0x3c: {  	v9 =	vld.idx.msk [tilespmem:v1+s3+$0x0], $0xffff  }
0x3d: {  	v11 =	vld.idx.msk [tilespmem:v2+s3+$0x0], $0xffff  }
0x3e: {  	v12 =	vld.idx.msk [tilespmem:v3+s3+$0x0], $0xffff  }
0x3f: {  	v13 =	vld.idx.msk [tilespmem:v4+s3+$0x0], $0xffff  }
0x40: {  	v15 =	vld.idx.msk [tilespmem:v10+s3+$0x0], $0xffff  }
0x41: {  	v14 =	vld.idx.msk [tilespmem:v5+s3+$0x0], $0xffff  }
0x42: {  	v57 =	vld.idx.msk [tilespmem:v6+s3+$0x0], $0xffff  }
0x43: {  	v1 =	vadd.s32 $0x2800, v1;
	v16 =	vld.idx.msk [tilespmem:v8+s3+$0x0], $0xffff  }
0x44: {  	[tilespmem:v7+s13+$0x0] =	vst.idx.add.f32.msk $0xffff, v9  }
0x45: {  	[tilespmem:v17+s13+$0x0] =	vst.idx.add.f32.msk $0xffff, v15  }
0x46: {  	[tilespmem:v18+s13+$0x0] =	vst.idx.add.f32.msk $0xffff, v11  }
0x47: {  	v10 =	vadd.s32 $0x2800, v10;
	[tilespmem:v58+s13+$0x0] =	vst.idx.add.f32.msk $0xffff, v13  }
0x48: {  	v7 =	vadd.s32 $0x2800, v7;
	v1 =	vld.idx.msk [tilespmem:v1+s3+$0x0], $0xffff  }
0x49: {  	[tilespmem:v19+s13+$0x0] =	vst.idx.add.f32.msk $0xffff, v14  }
0x4a: {  	v2 =	vadd.s32 $0x2800, v2;
	[tilespmem:v20+s13+$0x0] =	vst.idx.add.f32.msk $0xffff, v57  }
0x4b: {  	v4 =	vadd.s32 $0x2800, v4;
	[tilespmem:v21+s13+$0x0] =	vst.idx.add.f32.msk $0xffff, v16  }
0x4c: {  	v5 =	vadd.s32 $0x2800, v5;
	v10 =	vld.idx.msk [tilespmem:v10+s3+$0x0], $0xffff  }
0x4d: {  	v6 =	vadd.s32 $0x2800, v6;
	[tilespmem:v7+s13+$0x0] =	vst.idx.add.f32.msk $0xffff, v1  }
0x4e: {  	v8 =	vadd.s32 $0x2800, v8;
	v1 =	vld [tilespmem:s16+$0xFFFFFFE0]  }
0x4f: {  	v59 =	vadd.s32 $0x2800, v17;
	v2 =	vld.idx.msk [tilespmem:v2+s3+$0x0], $0xffff  }
0x50: {  	v60 =	vadd.s32 $0x2800, v18;
	v4 =	vld.idx.msk [tilespmem:v4+s3+$0x0], $0xffff  }
0x51: {  	v5 =	vld.idx.msk [tilespmem:v5+s3+$0x0], $0xffff  }
0x52: {  	v3 =	vadd.s32 $0x2800, v3;
	v6 =	vld.idx.msk [tilespmem:v6+s3+$0x0], $0xffff  }
0x53: {  	v61 =	vadd.s32 $0x2800, v19;
	v8 =	vld.idx.msk [tilespmem:v8+s3+$0x0], $0xffff  }
0x54: {  	v62 =	vadd.s32 $0x2800, v20;
	[tilespmem:v59+s13+$0x0] =	vst.idx.add.f32.msk $0xffff, v10  }
0x55: {  	v63 =	vadd.s32 $0x2800, v21;
	[tilespmem:v60+s13+$0x0] =	vst.idx.add.f32.msk $0xffff, v2  }
0x56: {  	v7 =	vadd.s32 $0x2800, v58;
	[tilespmem:v1+s13+$0x0] =	vst.idx.add.f32.msk $0xffff, v12  }
0x57: {  	v1 =	vadd.s32 $0x2800, v1;
	v3 =	vld.idx.msk [tilespmem:v3+s3+$0x0], $0xffff  }
0x58: {  	[tilespmem:v61+s13+$0x0] =	vst.idx.add.f32.msk $0xffff, v5  }
0x59: {  	[tilespmem:v62+s13+$0x0] =	vst.idx.add.f32.msk $0xffff, v6  }
0x5a: {  	[tilespmem:v63+s13+$0x0] =	vst.idx.add.f32.msk $0xffff, v8  }
0x5b: {  	[tilespmem:v7+s13+$0x0] =	vst.idx.add.f32.msk $0xffff, v4  }
0x5c: {  	s18 =	simm.s32 $0xA0C0;
	s17 =	simm.s32 $0x0;
	[tilespmem:v1+s13+$0x0] =	vst.idx.add.f32.msk $0xffff, v3  }
.LBB2_4:
0x5d: {  	v1 =	vld [tilespmem:s18+$0x30];
	s17 =	sadd.s32 $0x8, s17  }
0x5e: {  	v2 =	vld [tilespmem:s18+$0xFFFFFFD0];
	p0 =	slt.u32 s17, $0x270  }
0x5f: {  	v3 =	vld [tilespmem:s18+$0xFFFFFFE0]  }
0x60: {  	v4 =	vld [tilespmem:s18+$0xFFFFFFF0]  }
0x61: {  	v5 =	vld [tilespmem:s18+$0x0]  }
0x62: {  	s16 =	sadd.s32 $0x80, s16;
	v6 =	vld [tilespmem:s18+$0x10]  }
0x63: {  	v7 =	vadd.s32 $0x2800, v2;
	v8 =	vld [tilespmem:s16+$0x30]  }
0x64: {  	v9 =	vadd.s32 $0x2800, v3;
	v10 =	vld [tilespmem:s18+$0x20]  }
0x65: {  	v11 =	vadd.s32 $0x2800, v4;
	v12 =	vld.idx.msk [tilespmem:v1+s3+$0x0], $0xffff  }
0x66: {  	v13 =	vld [tilespmem:s18+$0xFFFFFFC0];
	v14 =	vadd.s32 $0x2800, v5  }
0x67: {  	v1 =	vadd.s32 $0x2800, v1;
	v2 =	vld.idx.msk [tilespmem:v2+s3+$0x0], $0xffff;
	v15 =	vadd.s32 $0x2800, v6  }
0x68: {  	v3 =	vld.idx.msk [tilespmem:v3+s3+$0x0], $0xffff  }
0x69: {  	v4 =	vld.idx.msk [tilespmem:v4+s3+$0x0], $0xffff;
	v16 =	vadd.s32 $0x2800, v10  }
0x6a: {  	v5 =	vld.idx.msk [tilespmem:v5+s3+$0x0], $0xffff  }
0x6b: {  	v17 =	vadd.s32 $0x2800, v13;
	[tilespmem:v8+s13+$0x0] =	vst.idx.add.f32.msk $0xffff, v12  }
0x6c: {  	v1 =	vld.idx.msk [tilespmem:v1+s3+$0x0], $0xffff  }
0x6d: {  	v8 =	vadd.s32 $0x2800, v8;
	v6 =	vld.idx.msk [tilespmem:v6+s3+$0x0], $0xffff  }
0x6e: {  	v12 =	vld.idx.msk [tilespmem:v13+s3+$0x0], $0xffff  }
0x6f: {  	v10 =	vld.idx.msk [tilespmem:v10+s3+$0x0], $0xffff  }
0x70: {  	v13 =	vld [tilespmem:s16+$0xFFFFFFC0]  }
0x71: {  	v18 =	vld [tilespmem:s16+$0xFFFFFFD0]  }
0x72: {  	[tilespmem:v8+s13+$0x0] =	vst.idx.add.f32.msk $0xffff, v1  }
0x73: {  	v1 =	vld [tilespmem:s16+$0xFFFFFFE0]  }
0x74: {  	v8 =	vld [tilespmem:s16+$0xFFFFFFF0]  }
0x75: {  	v19 =	vadd.s32 $0x2800, v13;
	v20 =	vld [tilespmem:s16+$0x0]  }
0x76: {  	v21 =	vadd.s32 $0x2800, v18;
	v22 =	vld [tilespmem:s16+$0x10]  }
0x77: {  	v23 =	vld [tilespmem:s16+$0x20]  }
0x78: {  	[tilespmem:v13+s13+$0x0] =	vst.idx.add.f32.msk $0xffff, v12;
	v12 =	vadd.s32 $0x2800, v1  }
0x79: {  	[tilespmem:v18+s13+$0x0] =	vst.idx.add.f32.msk $0xffff, v2;
	v2 =	vadd.s32 $0x2800, v8  }
0x7a: {  	v13 =	vld.idx.msk [tilespmem:v17+s3+$0x0], $0xffff;
	v17 =	vadd.s32 $0x2800, v20  }
0x7b: {  	[tilespmem:v1+s13+$0x0] =	vst.idx.add.f32.msk $0xffff, v3;
	v1 =	vadd.s32 $0x2800, v22  }
0x7c: {  	[tilespmem:v8+s13+$0x0] =	vst.idx.add.f32.msk $0xffff, v4;
	v3 =	vadd.s32 $0x2800, v23  }
0x7d: {  	[tilespmem:v20+s13+$0x0] =	vst.idx.add.f32.msk $0xffff, v5  }
0x7e: {  	[tilespmem:v22+s13+$0x0] =	vst.idx.add.f32.msk $0xffff, v6  }
0x7f: {  	[tilespmem:v23+s13+$0x0] =	vst.idx.add.f32.msk $0xffff, v10  }
0x80: {  	v4 =	vld.idx.msk [tilespmem:v7+s3+$0x0], $0xffff  }
0x81: {  	v5 =	vld.idx.msk [tilespmem:v9+s3+$0x0], $0xffff  }
0x82: {  	v6 =	vld.idx.msk [tilespmem:v11+s3+$0x0], $0xffff  }
0x83: {  	v7 =	vld.idx.msk [tilespmem:v14+s3+$0x0], $0xffff  }
0x84: {  	v8 =	vld.idx.msk [tilespmem:v15+s3+$0x0], $0xffff  }
0x85: {  	v9 =	vld.idx.msk [tilespmem:v16+s3+$0x0], $0xffff  }
0x86: {  	[tilespmem:v19+s13+$0x0] =	vst.idx.add.f32.msk $0xffff, v13  }
0x87: {  	[tilespmem:v21+s13+$0x0] =	vst.idx.add.f32.msk $0xffff, v4  }
.Ltmp1:
0x88: {  	[tilespmem:v12+s13+$0x0] =	vst.idx.add.f32.msk $0xffff, v5;
	(pc) =	sbr.rel @p0 .LBB2_4-.Ltmp1, $4  }
0x89: {  	[tilespmem:v2+s13+$0x0] =	vst.idx.add.f32.msk $0xffff, v6  }
0x8a: {  	[tilespmem:v17+s13+$0x0] =	vst.idx.add.f32.msk $0xffff, v7  }
0x8b: {  	[tilespmem:v1+s13+$0x0] =	vst.idx.add.f32.msk $0xffff, v8  }
0x8c: {  	s18 =	sadd.s32 $0x80, s18;
	[tilespmem:v3+s13+$0x0] =	vst.idx.add.f32.msk $0xffff, v9  }
0x8d: {  	s15 =	sadd.s32 $0x1, s15  }
0x8e: {  	p0 =	sne.s32 s15, s7  }
.Ltmp2:
0x8f: {  	_ = 	snop;
	(pc) =	sbr.rel @p0 .LBB2_1-.Ltmp2, $4  }
0x90: {  	[hbm4b:s6+s8] =	stream.strided.scatter [tilespmem:s13], [sflag:$0x2], $0x5000, s9, s8, $0x38;
	[tilespmem:$0xEF00] =	vst v63  }
0x91: {  	_ =	swait.ge [sflag:s14], $0x5000  }
0x92: {  	[sflag:s14] =	ssyncset.done $0x0  }
0x93: {  	[sflag:s14] =	ssyncadd.s32 $0xFFFFB000  }
0x94: {  	_ =	sfence.sel $0x180000  }
0x95: {  	[bflag:$0x0] =	sbarrier.arrive $0xFFFF  }
0x96: {  	p0 =	sne.s32 s1, $0x0;
	_ =	strace $0x90000050  }
0x97: {  	s0 =	sadd.s32 @!p0 $0x100000, s0;
	[bflag:$0x2] =	sbarrier.arrive $0xFFFF  }
0x98: {  	[sflag:s0] =	ssyncadd.tile.s32 @!p0 $0x1;
	_ =	shalt  }
.Lfunc_end2:
_tile_overlayer_lowered:
.L_overlay_start_2:
0x99: {  	(tag) =	ssettag $0x2  }
0x9a: {  	s0 =	rddreg [dreg:$0x0];
	s2 =	stileid.u32  }
0x9b: {  	s1 =	rddreg [dreg:$0x1];
	p0 =	sne.s32 s2, $0x0  }
0x9c: {  	s3 =	rddreg [dreg:$0x2];
	[bflag:$0x3] =	sbarrier.arrive $0xFFFF;
	s2 =	simm.s32 @!p0 $0x1C02  }
0x9d: {  	[timem:s3], [sflag:s2] =	dma.local @!p0 [hbm:s0], s1  }
0x9e: {  	s0 =	simm.s32 @!p0 $0x2  }
0x9f: {  	_ =	swait.ge @!p0 [sflag:s0], s1  }
0xa0: {  	s1 =	ssub.s32 @!p0 $0x0, s1;
	[sflag:s0] =	ssyncset.done @!p0 $0x0  }
0xa1: {  	[sflag:s0] =	ssyncadd.s32 @!p0 s1  }
0xa2: {  	[bflag:$0x3] =	sbarrier.arrive $0xFFFF  }
0xa3: {  	_ =	shalt  }

</sc_bundles>
